<compile_context>
chip_gen: v7x
topology: tpu7x:2x2x1
jax: 0.10.2.dev20260603
libtpu: 0.0.44.dev20260713+nightly
codegen_flags: <defaults>
</compile_context>

<pallas_src>
import numpy as np
import jax
import jax.numpy as jnp
from jax import lax
from jax.experimental import pallas as pl
from jax.experimental.pallas import tpu as pltpu
from jax.experimental.pallas import tpu_sc as plsc

_N = 10000
_E = 320000
_D = 128
_DROP = int(0.7 * _E)

_C = 128
_NW = 32
_NPAD = 10240
_RPT = _NPAD // 16
_ZR = 80


def _threefry2x32(k0, k1, x0, x1):
    rotations = ((13, 15, 26, 6), (17, 29, 16, 24))
    k0 = np.uint32(k0); k1 = np.uint32(k1)
    ks = (k0, k1, k0 ^ k1 ^ np.uint32(0x1BD11BDA))
    x0 = (x0 + ks[0]).astype(np.uint32)
    x1 = (x1 + ks[1]).astype(np.uint32)
    for i in range(5):
        for r in rotations[i % 2]:
            x0 = (x0 + x1).astype(np.uint32)
            x1 = ((x1 << np.uint32(r)) | (x1 >> np.uint32(32 - r))).astype(np.uint32)
            x1 = x0 ^ x1
        x0 = (x0 + ks[(i + 1) % 3]).astype(np.uint32)
        x1 = (x1 + ks[(i + 2) % 3] + np.uint32(i + 1)).astype(np.uint32)
    return x0, x1


def _kept_indices() -> np.ndarray:
    def bits32(k, n):
        o0, o1 = _threefry2x32(k[0], k[1], np.zeros(n, np.uint32),
                               np.arange(n, dtype=np.uint32))
        return o0 ^ o1

    s0, s1 = _threefry2x32(np.uint32(0), np.uint32(1),
                           np.array([0, 0], np.uint32),
                           np.array([0, 1], np.uint32))
    k_hi = (s0[0], s1[0])
    k_lo = (s0[1], s1[1])
    span = np.uint32(_E)
    hi = bits32(k_hi, _DROP)
    lo = bits32(k_lo, _DROP)
    mult64 = (np.uint64(65536) % np.uint64(span)) ** 2 % np.uint64(2 ** 32)
    mult = np.uint32(mult64 % np.uint64(span))
    ridx = ((hi % span) * mult + (lo % span)).astype(np.uint32) % span
    mask = np.zeros((_E,), dtype=bool)
    mask[ridx] = True
    return np.nonzero(~mask)[0].astype(np.int32)


_KEPT = _kept_indices()
_K = int(_KEPT.shape[0])
_KP = ((_K + _NW * _C - 1) // (_NW * _C)) * (_NW * _C)
_PAD = _KP - _K
_PAD_NODE = ((np.arange(_PAD, dtype=np.int64) * 37) % _N).astype(np.int32)
_KEPT_PADDED = np.concatenate([_KEPT, _E + np.arange(_PAD, dtype=np.int32)])
_NCHUNKS = _KP // (_NW * _C)


def _zero_acc(zbuf, acc, row0):
    def zrow(i, carry):
        z = jnp.zeros((16,), jnp.float32)
        for j in range(8):
            zbuf[i, pl.ds(j * 16, 16)] = z
        return carry

    lax.fori_loop(0, _ZR, zrow, 0)
    for k in range(_RPT // _ZR):
        pltpu.sync_copy(zbuf, acc.at[pl.ds(row0 + k * _ZR, _ZR)])


def _scale_rows(rows, cv):
    def scale16(g, carry):
        cvec = cv[pl.ds(g * 16, 16)]
        for l in range(16):
            b = jnp.full((16,), cvec[l], jnp.float32)
            e = g * 16 + l
            for j in range(8):
                sl = pl.ds(j * 16, 16)
                rows[e, sl] = rows[e, sl] * b
        return carry

    lax.fori_loop(0, _C // 16, scale16, 0)


def _rsqrt16(x):
    i = plsc.bitcast(x, jnp.int32)
    i = 0x5F3759DF - jnp.right_shift(i, 1)
    y = plsc.bitcast(i, jnp.float32)
    for _ in range(3):
        y = y * (1.5 - 0.5 * x * y * y)
    return y


_EPT = _E // 16
_EB = 2000
_RN = _NPAD // 16


def _filter_body(kept_hbm, src_hbm, dst_hbm, w_hbm,
                 fpk_hbm, fc1_hbm, fc2_hbm, innorm_hbm,
                 keptv0, keptv1, srcv0, srcv1, dstv0, dstv1, wv0, wv1,
                 cv, c2v, pkv, ntab1, ntab2, hsrc, hdst, ebuf, ebuf2,
                 ds1, ds2, tmp, hall, sn1, sn2, sem):
    cid = lax.axis_index("c")
    sid = lax.axis_index("s")
    wid = sid * 2 + cid

    keptv = (keptv0, keptv1)
    srcv = (srcv0, srcv1)
    dstv = (dstv0, dstv1)
    wv = (wv0, wv1)

    def zrow(i, carry):
        z = jnp.zeros((16,), jnp.float32)
        hsrc[pl.ds(i * 16, 16)] = z
        hdst[pl.ds(i * 16, 16)] = z
        return carry

    lax.fori_loop(0, _NPAD // 16, zrow, 0)

    ones = jnp.ones((16,), jnp.float32)

    def hist16(buf, hist):
        @pl.loop(0, _EB // 16, unroll=4)
        def h16(g):
            idx = buf[pl.ds(g * 16, 16)]
            plsc.addupdate_scatter(hist, [idx], ones)

    pltpu.sync_copy(src_hbm.at[pl.ds(sid * _EPT, _EB)], ebuf)

    @pl.loop(0, _EPT // _EB)
    def hist_chunk(c):
        base = sid * _EPT + c * _EB
        d = pltpu.async_copy(dst_hbm.at[pl.ds(base, _EB)], ebuf2, sem)
        hist16(ebuf, hsrc)
        d.wait()

        @pl.when(c + 1 < _EPT // _EB)
        def _():
            d2 = pltpu.async_copy(
                src_hbm.at[pl.ds(base + _EB, _EB)], ebuf, sem)
            hist16(ebuf2, hdst)
            d2.wait()

        @pl.when(c + 1 >= _EPT // _EB)
        def _():
            hist16(ebuf2, hdst)

    pltpu.sync_copy(hsrc, hall.at[sid, 0])
    pltpu.sync_copy(hdst, hall.at[sid, 1])
    plsc.subcore_barrier()

    r0 = sid * _RN
    for k in range(16):
        pltpu.sync_copy(hall.at[k, 0, pl.ds(r0, _RN)], tmp)

        def addk(g, carry, _first=(k == 0)):
            sl = pl.ds(g * 16, 16)
            ds1[sl] = tmp[sl] if _first else ds1[sl] + tmp[sl]
            return carry

        lax.fori_loop(0, _RN // 16, addk, 0)
    for k in range(16):
        pltpu.sync_copy(hall.at[k, 1, pl.ds(r0, _RN)], tmp)

        def addk2(g, carry, _first=(k == 0)):
            sl = pl.ds(g * 16, 16)
            ds2[sl] = tmp[sl] if _first else ds2[sl] + tmp[sl]
            return carry

        lax.fori_loop(0, _RN // 16, addk2, 0)

    def nrm(g, carry):
        sl = pl.ds(g * 16, 16)
        y1 = _rsqrt16(jnp.maximum(ds1[sl], 1.0))
        y2 = _rsqrt16(jnp.maximum(ds2[sl], 1.0))
        ds1[sl] = y1
        ds2[sl] = y1 * y2
        tmp[sl] = y2
        return carry

    lax.fori_loop(0, _RN // 16, nrm, 0)
    pltpu.sync_copy(ds1, sn1.at[pl.ds(r0, _RN)])
    pltpu.sync_copy(ds2, sn2.at[pl.ds(r0, _RN)])

    @pl.when(cid == 0)
    def _():
        pltpu.sync_copy(tmp, innorm_hbm.at[pl.ds(r0, _RN)])

    plsc.subcore_barrier()
    pltpu.sync_copy(sn1, ntab1)
    pltpu.sync_copy(sn2, ntab2)

    base0 = wid * _NCHUNKS * _C

    def gathers(b):
        d1 = pltpu.async_copy(src_hbm.at[keptv[b]], srcv[b], sem)
        d2 = pltpu.async_copy(dst_hbm.at[keptv[b]], dstv[b], sem)
        d3 = pltpu.async_copy(w_hbm.at[keptv[b]], wv[b], sem)
        return d1, d2, d3

    def process(t, b):
        def coeff16(g, carry):
            sl = pl.ds(g * 16, 16)
            sidx = srcv[b][sl]
            w16 = wv[b][sl]
            cv[sl] = w16 * plsc.load_gather(ntab1, [sidx])
            c2v[sl] = w16 * plsc.load_gather(ntab2, [sidx])
            pkv[sl] = jnp.bitwise_or(jnp.left_shift(sidx, 16), dstv[b][sl])
            return carry

        lax.fori_loop(0, _C // 16, coeff16, 0)
        base = base0 + t * _C
        pltpu.sync_copy(pkv, fpk_hbm.at[pl.ds(base, _C)])
        pltpu.sync_copy(cv, fc1_hbm.at[pl.ds(base, _C)])
        pltpu.sync_copy(c2v, fc2_hbm.at[pl.ds(base, _C)])

    pltpu.sync_copy(kept_hbm.at[pl.ds(base0, _C)], keptv[0])
    paired = (_NCHUNKS // 2) * 2

    @pl.loop(0, paired, step=2)
    def pair(g):
        for b in range(2):
            t = g + b
            ds_ = gathers(b)

            @pl.when(t > 0)
            def _():
                process(t - 1, 1 - b)

            @pl.when(t + 1 < _NCHUNKS)
            def _():
                pltpu.sync_copy(kept_hbm.at[pl.ds(base0 + (t + 1) * _C, _C)],
                                keptv[1 - b])

            for d in ds_:
                d.wait()

    if _NCHUNKS % 2:
        ds_ = gathers(0)
        process(_NCHUNKS - 2, 1)
        for d in ds_:
            d.wait()

    process(_NCHUNKS - 1, (_NCHUNKS - 1) % 2)


def _layer_body(table_hbm, fpk_hbm, fc_hbm, out_hbm,
                srcv0, srcv1, dstv0, dstv1, cv0, cv1, pkv, rows0, rows1,
                zbuf, acc, sem, sem_s):
    cid = lax.axis_index("c")
    sid = lax.axis_index("s")
    wid = sid * 2 + cid

    srcv = (srcv0, srcv1)
    dstv = (dstv0, dstv1)
    cv = (cv0, cv1)
    rows = (rows0, rows1)

    row0 = sid * _RPT
    _zero_acc(zbuf, acc, row0)
    plsc.subcore_barrier()

    base0 = wid * _NCHUNKS * _C

    def load_idx(t, b):
        base = base0 + t * _C
        pltpu.sync_copy(fpk_hbm.at[pl.ds(base, _C)], pkv)
        pltpu.sync_copy(fc_hbm.at[pl.ds(base, _C)], cv[b])

        def unpack16(g, carry):
            sl = pl.ds(g * 16, 16)
            pk = pkv[sl]
            srcv[b][sl] = jnp.right_shift(pk, 16)
            dstv[b][sl] = jnp.bitwise_and(pk, 65535)
            return carry

        lax.fori_loop(0, _C // 16, unpack16, 0)

    def process(b):
        _scale_rows(rows[b], cv[b])
        pltpu.async_copy(rows[b], acc.at[dstv[b]], sem_s, add=True)

    def wait_scatter(b):
        pltpu.make_async_copy(rows[b], acc.at[dstv[b]], sem_s).wait()

    load_idx(0, 0)
    paired = (_NCHUNKS // 2) * 2

    @pl.loop(0, paired, step=2)
    def pair(g):
        for b in range(2):
            t = g + b

            @pl.when(t > 1)
            def _():
                wait_scatter(b)

            d = pltpu.async_copy(table_hbm.at[srcv[b]], rows[b], sem)

            @pl.when(t > 0)
            def _():
                process(1 - b)

            @pl.when(t + 1 < _NCHUNKS)
            def _():
                load_idx(t + 1, 1 - b)

            d.wait()

    if _NCHUNKS % 2:
        wait_scatter(0)
        d = pltpu.async_copy(table_hbm.at[srcv[0]], rows[0], sem)
        process(1)
        d.wait()

    last = (_NCHUNKS - 1) % 2
    wait_scatter(1 - last)
    _scale_rows(rows[last], cv[last])
    pltpu.sync_copy(rows[last], acc.at[dstv[last]], add=True)
    plsc.subcore_barrier()
    pltpu.sync_copy(acc.at[pl.ds(row0, _RPT)],
                    out_hbm.at[cid, pl.ds(row0, _RPT)])


_MESH = plsc.VectorSubcoreMesh(core_axis_name="c", subcore_axis_name="s")


@jax.jit
def _edge_filter(kept, srcx, dstx, wx):
    f = pl.kernel(
        _filter_body,
        out_type=(
            jax.ShapeDtypeStruct((_KP,), jnp.int32),
            jax.ShapeDtypeStruct((_KP,), jnp.float32),
            jax.ShapeDtypeStruct((_KP,), jnp.float32),
            jax.ShapeDtypeStruct((_NPAD,), jnp.float32),
        ),
        mesh=_MESH,
        scratch_types=[
            pltpu.VMEM((_C,), jnp.int32),
            pltpu.VMEM((_C,), jnp.int32),
            pltpu.VMEM((_C,), jnp.int32),
            pltpu.VMEM((_C,), jnp.int32),
            pltpu.VMEM((_C,), jnp.int32),
            pltpu.VMEM((_C,), jnp.int32),
            pltpu.VMEM((_C,), jnp.float32),
            pltpu.VMEM((_C,), jnp.float32),
            pltpu.VMEM((_C,), jnp.float32),
            pltpu.VMEM((_C,), jnp.float32),
            pltpu.VMEM((_C,), jnp.int32),
            pltpu.VMEM((_NPAD,), jnp.float32),
            pltpu.VMEM((_NPAD,), jnp.float32),
            pltpu.VMEM((_NPAD,), jnp.float32),
            pltpu.VMEM((_NPAD,), jnp.float32),
            pltpu.VMEM((_EB,), jnp.int32),
            pltpu.VMEM((_EB,), jnp.int32),
            pltpu.VMEM((_RN,), jnp.float32),
            pltpu.VMEM((_RN,), jnp.float32),
            pltpu.VMEM((_RN,), jnp.float32),
            pltpu.VMEM_SHARED((16, 2, _NPAD), jnp.float32),
            pltpu.VMEM_SHARED((_NPAD,), jnp.float32),
            pltpu.VMEM_SHARED((_NPAD,), jnp.float32),
            pltpu.SemaphoreType.DMA,
        ],
        compiler_params=pltpu.CompilerParams(needs_layout_passes=False),
    )
    return f(kept, srcx, dstx, wx)


@jax.jit
def _gcn_layer(table, fpk, fc):
    f = pl.kernel(
        _layer_body,
        out_type=jax.ShapeDtypeStruct((2, _NPAD, _D), jnp.float32),
        mesh=_MESH,
        scratch_types=[
            pltpu.VMEM((_C,), jnp.int32),
            pltpu.VMEM((_C,), jnp.int32),
            pltpu.VMEM((_C,), jnp.int32),
            pltpu.VMEM((_C,), jnp.int32),
            pltpu.VMEM((_C,), jnp.float32),
            pltpu.VMEM((_C,), jnp.float32),
            pltpu.VMEM((_C,), jnp.int32),
            pltpu.VMEM((_C, _D), jnp.float32),
            pltpu.VMEM((_C, _D), jnp.float32),
            pltpu.VMEM((_ZR, _D), jnp.float32),
            pltpu.VMEM_SHARED((_NPAD, _D), jnp.float32),
            pltpu.SemaphoreType.DMA,
            pltpu.SemaphoreType.DMA,
        ],
    )
    return f(table, fpk, fc)


def kernel(feature, edge_index, w):
    src = edge_index[0]
    dst = edge_index[1]

    pad_node = jnp.asarray(_PAD_NODE)
    srcx = jnp.concatenate([src, pad_node])
    dstx = jnp.concatenate([dst, pad_node])
    wx = jnp.concatenate([w, jnp.zeros((_PAD,), jnp.float32)])
    kept = jnp.asarray(_KEPT_PADDED)

    fpk, fc1, fc2, innorm = _edge_filter(kept, srcx, dstx, wx)
    s1p = _gcn_layer(feature, fpk, fc1)
    s1 = s1p[0, :_N] + s1p[1, :_N]
    s2p = _gcn_layer(s1, fpk, fc2)
    s2 = s2p[0, :_N] + s2p[1, :_N]

    final = (feature + innorm[:_N, None] * (s1 + s2)) * (1.0 / 3.0)
    return final

# --- scband reference (transcript-rebuilt; emitter-appended) ---
"""Pipeline reference for scband-gcn-17763984736424 (READ-ONLY COPY).

The authoritative reference and input builder live on the scoring server;
editing this copy changes nothing except your own understanding.
"""

import jax, jax.numpy as jnp
import numpy as np

N = 10000
E = 320000
D = 128
DROPOUT_PROB = 0.7


def setup_inputs(seed: int = 0) -> dict:
    key = jax.random.key(seed)
    k1, k2, k3 = jax.random.split(key, 3)
    feature = jax.random.normal(k1, (N, D), dtype=jnp.float32)
    edge_index = jax.random.randint(k2, (2, E), 0, N, dtype=jnp.int32)
    w = jax.random.uniform(k3, (E,), dtype=jnp.float32)
    return {"feature": feature, "edge_index": edge_index, "w": w}


def reference(feature, edge_index, w):
    # graph_dropout: zero out ~dropout_prob fraction of edge weights.
    # keep_prob passed to graph_dropout is (1 - self.dropout_prob) = 0.3,
    # so drop_size = int(dropout_prob * E).
    keep_prob = 1.0 - DROPOUT_PROB
    drop_size = int((1.0 - keep_prob) * E)
    ridx = jax.random.randint(jax.random.key(1), (drop_size,), 0, E)
    mask = jnp.zeros((E,), dtype=bool).at[ridx].set(True)
    w_dropped = jnp.where(mask, 0.0, w)

    src = edge_index[0]
    dst = edge_index[1]
    # DGL GraphConv norm='both': degree norms from graph STRUCTURE (not weights)
    out_deg = jnp.maximum(jnp.bincount(src, length=N).astype(feature.dtype), 1.0)
    in_deg = jnp.maximum(jnp.bincount(dst, length=N).astype(feature.dtype), 1.0)
    out_norm = out_deg ** -0.5
    in_norm = in_deg ** -0.5

    def conv(f):
        # GraphConv(weight=False, bias=False, norm='both') with edge_weight
        f = f * out_norm[:, None]
        m = f[src] * w_dropped[:, None]          # u_mul_e gather + multiply
        h = jax.ops.segment_sum(m, dst, num_segments=N)  # sum aggregation
        return h * in_norm[:, None]

    embs = [feature]
    f = feature
    for _ in range(2):
        f = conv(f)
        # F.dropout(feature, p=0.2, training=...) result is discarded in the
        # original code (not assigned) -> no-op
        embs.append(f)

    embs = jnp.stack(embs, axis=1)   # [N, 3, D]
    final_emb = jnp.mean(embs, axis=1)
    return final_emb

if __name__ == "__main__":
    import jax
    _d = setup_inputs()
    print(jax.jit(kernel)(*tuple(_d.values())))

</pallas_src>

<mosaic_0001>
#map = affine_map<(d0, d1) -> (0)>
module attributes {stable_mosaic.version = 14 : i64} {
  func.func @_filter_body(%arg0: i32, %arg1: i32, %arg2: memref<159744xi32, #tpu.memory_space<hbm>>, %arg3: memref<320835xi32, #tpu.memory_space<hbm>>, %arg4: memref<320835xi32, #tpu.memory_space<hbm>>, %arg5: memref<320835xf32, #tpu.memory_space<hbm>>, %arg6: memref<159744xi32, #tpu.memory_space<hbm>>, %arg7: memref<159744xf32, #tpu.memory_space<hbm>>, %arg8: memref<159744xf32, #tpu.memory_space<hbm>>, %arg9: memref<10240xf32, #tpu.memory_space<hbm>>, %arg10: memref<128xi32, #tpu.memory_space<vmem>>, %arg11: memref<128xi32, #tpu.memory_space<vmem>>, %arg12: memref<128xi32, #tpu.memory_space<vmem>>, %arg13: memref<128xi32, #tpu.memory_space<vmem>>, %arg14: memref<128xi32, #tpu.memory_space<vmem>>, %arg15: memref<128xi32, #tpu.memory_space<vmem>>, %arg16: memref<128xf32, #tpu.memory_space<vmem>>, %arg17: memref<128xf32, #tpu.memory_space<vmem>>, %arg18: memref<128xf32, #tpu.memory_space<vmem>>, %arg19: memref<128xf32, #tpu.memory_space<vmem>>, %arg20: memref<128xi32, #tpu.memory_space<vmem>>, %arg21: memref<10240xf32, #tpu.memory_space<vmem>>, %arg22: memref<10240xf32, #tpu.memory_space<vmem>>, %arg23: memref<10240xf32, #tpu.memory_space<vmem>>, %arg24: memref<10240xf32, #tpu.memory_space<vmem>>, %arg25: memref<2000xi32, #tpu.memory_space<vmem>>, %arg26: memref<2000xi32, #tpu.memory_space<vmem>>, %arg27: memref<640xf32, #tpu.memory_space<vmem>>, %arg28: memref<640xf32, #tpu.memory_space<vmem>>, %arg29: memref<640xf32, #tpu.memory_space<vmem>>, %arg30: memref<16x2x10240xf32, #tpu.memory_space<vmem_shared>>, %arg31: memref<10240xf32, #tpu.memory_space<vmem_shared>>, %arg32: memref<10240xf32, #tpu.memory_space<vmem_shared>>, %arg33: memref<!tpu.dma_semaphore, #tpu.memory_space<semaphore_mem>>) attributes {dimension_semantics = [#tpu.dimension_semantics<core_parallel>, #tpu.dimension_semantics<subcore_parallel>], iteration_bounds = array<i64: 2, 16>, scalar_prefetch = 0 : i64, scratch_operands = 24 : i64, tpu.core_type = #tpu.core_type<sc_vector_subcore>, window_params = [{transform_indices = #map}, {transform_indices = #map}, {transform_indices = #map}, {transform_indices = #map}, {transform_indices = #map}, {transform_indices = #map}, {transform_indices = #map}, {transform_indices = #map}]} {
    %mul3A = arith.constant 2 : i32
    %mul3A_0 = arith.muli %arg1, %mul3A : i32
    %add3A = arith.addi %mul3A_0, %arg0 : i32
    %scan3A = arith.constant 0 : i32
    %scan3A_1 = arith.constant 0 : i32
    %scan3A_2 = arith.constant 640 : i32
    %scan3A_3 = arith.addi %scan3A_1, %scan3A_2 : i32
    %scan3A_4 = arith.constant 1 : i32
    scf.for %scan3A_317 = %scan3A_1 to %scan3A_3 step %scan3A_4  : i32 {
      %broadcast_in_dim3A_318 = arith.constant 0.000000e+00 : f32
      %broadcast_in_dim3A_319 = vector.broadcast %broadcast_in_dim3A_318 : f32 to vector<16xf32>
      %mul3A_320 = arith.constant 16 : i32
      %mul3A_321 = arith.muli %scan3A_317, %mul3A_320 : i32
      %swap3A = arith.index_cast %mul3A_321 : i32 to index
      %swap3A_322 = tpu.vector_load %arg23[%swap3A] {strides = array<i32>} : memref<10240xf32, #tpu.memory_space<vmem>>, vector<16xf32>,
      tpu.vector_store %arg23[%swap3A], %broadcast_in_dim3A_319 {strides = array<i32>} : memref<10240xf32, #tpu.memory_space<vmem>>, vector<16xf32>,
      %mul3A_323 = arith.constant 16 : i32
      %mul3A_324 = arith.muli %scan3A_317, %mul3A_323 : i32
      %swap3A_325 = arith.index_cast %mul3A_324 : i32 to index
      %swap3A_326 = tpu.vector_load %arg24[%swap3A_325] {strides = array<i32>} : memref<10240xf32, #tpu.memory_space<vmem>>, vector<16xf32>,
      tpu.vector_store %arg24[%swap3A_325], %broadcast_in_dim3A_319 {strides = array<i32>} : memref<10240xf32, #tpu.memory_space<vmem>>, vector<16xf32>,
    }
    %scan3A_5 = arith.constant 640 : i32
    %broadcast_in_dim3A = arith.constant 1.000000e+00 : f32
    %broadcast_in_dim3A_6 = vector.broadcast %broadcast_in_dim3A : f32 to vector<16xf32>
    %mul3A_7 = arith.constant 20000 : i32
    %mul3A_8 = arith.muli %arg1, %mul3A_7 : i32
    "tpu.region"() ({
      %run_scoped3A_317 = tpu.sem_alloc : memref<!tpu.dma_semaphore, #tpu.memory_space<semaphore_mem>>
      %dma_start3A_318 = tpu.memref_slice %arg3[%mul3A_8] : memref<320835xi32, #tpu.memory_space<hbm>> -> memref<2000xi32, #tpu.memory_space<hbm>>
      %dma_start3A_319 = tpu.memref_slice %arg3[%mul3A_8] : memref<320835xi32, #tpu.memory_space<hbm>> -> memref<2000xi32, #tpu.memory_space<hbm>>
      tpu.enqueue_dma source(%dma_start3A_319 : memref<2000xi32, #tpu.memory_space<hbm>>) target(%arg25 : memref<2000xi32, #tpu.memory_space<vmem>>) target_semaphore(%run_scoped3A_317 : memref<!tpu.dma_semaphore, #tpu.memory_space<semaphore_mem>>)
      %dma_wait3A_320 = tpu.memref_slice %arg3[%mul3A_8] : memref<320835xi32, #tpu.memory_space<hbm>> -> memref<2000xi32, #tpu.memory_space<hbm>>
      %dma_wait3A_321 = tpu.memref_slice %arg3[%mul3A_8] : memref<320835xi32, #tpu.memory_space<hbm>> -> memref<2000xi32, #tpu.memory_space<hbm>>
      tpu.wait_dma2 semaphore(%run_scoped3A_317 : memref<!tpu.dma_semaphore, #tpu.memory_space<semaphore_mem>>) src(%dma_wait3A_321 : memref<2000xi32, #tpu.memory_space<hbm>>) dst(%arg25 : memref<2000xi32, #tpu.memory_space<vmem>>)
      tpu.yield
    }) : () -> ()
    %scan3A_9 = arith.constant 0 : i32
    %scan3A_10 = arith.constant 10 : i32
    %scan3A_11 = arith.addi %scan3A_9, %scan3A_10 : i32
    %scan3A_12 = arith.constant 1 : i32
    scf.for %scan3A_317 = %scan3A_9 to %scan3A_11 step %scan3A_12  : i32 {
      %mul3A_318 = arith.constant 1 : i32
      %mul3A_319 = arith.muli %scan3A_317, %mul3A_318 : i32
      %add3A_320 = arith.constant 0 : i32
      %add3A_321 = arith.addi %add3A_320, %mul3A_319 : i32
      %mul3A_322 = arith.constant 20000 : i32
      %mul3A_323 = arith.muli %arg1, %mul3A_322 : i32
      %mul3A_324 = arith.constant 2000 : i32
      %mul3A_325 = arith.muli %add3A_321, %mul3A_324 : i32
      %add3A_326 = arith.addi %mul3A_323, %mul3A_325 : i32
      %dma_start3A_327 = tpu.memref_slice %arg4[%add3A_326] : memref<320835xi32, #tpu.memory_space<hbm>> -> memref<2000xi32, #tpu.memory_space<hbm>>
      %dma_start3A_328 = tpu.memref_slice %arg4[%add3A_326] : memref<320835xi32, #tpu.memory_space<hbm>> -> memref<2000xi32, #tpu.memory_space<hbm>>
      tpu.enqueue_dma source(%dma_start3A_328 : memref<2000xi32, #tpu.memory_space<hbm>>) target(%arg26 : memref<2000xi32, #tpu.memory_space<vmem>>) target_semaphore(%arg33 : memref<!tpu.dma_semaphore, #tpu.memory_space<semaphore_mem>>)
      %scan3A_329 = arith.constant 0 : i32
      %scan3A_330 = arith.constant 124 : i32
      %scan3A_331 = arith.addi %scan3A_329, %scan3A_330 : i32
      %scan3A_332 = arith.constant 4 : i32
      scf.for %scan3A_357 = %scan3A_329 to %scan3A_331 step %scan3A_332  : i32 {
        %mul3A_358 = arith.constant 1 : i32
        %mul3A_359 = arith.muli %scan3A_357, %mul3A_358 : i32
        %add3A_360 = arith.constant 0 : i32
        %add3A_361 = arith.addi %add3A_360, %mul3A_359 : i32
        %mul3A_362 = arith.constant 16 : i32
        %mul3A_363 = arith.muli %add3A_361, %mul3A_362 : i32
        %get3A_364 = arith.index_cast %mul3A_363 : i32 to index
        %get3A_365 = tpu.vector_load %arg25[%get3A_364] {strides = array<i32>} : memref<2000xi32, #tpu.memory_space<vmem>>, vector<16xi32>,
        tpu.vector_store_idx %arg23[%get3A_365], %broadcast_in_dim3A_6 {add = true} : memref<10240xf32, #tpu.memory_space<vmem>>[vector<16xi32>], vector<16xf32>,
        %scan3A_366 = arith.constant 1 : i32
        %scan3A_367 = arith.addi %scan3A_357, %scan3A_366 : i32
        %mul3A_368 = arith.constant 1 : i32
        %mul3A_369 = arith.muli %scan3A_367, %mul3A_368 : i32
        %add3A_370 = arith.constant 0 : i32
        %add3A_371 = arith.addi %add3A_370, %mul3A_369 : i32
        %mul3A_372 = arith.constant 16 : i32
        %mul3A_373 = arith.muli %add3A_371, %mul3A_372 : i32
        %get3A_374 = arith.index_cast %mul3A_373 : i32 to index
        %get3A_375 = tpu.vector_load %arg25[%get3A_374] {strides = array<i32>} : memref<2000xi32, #tpu.memory_space<vmem>>, vector<16xi32>,
        tpu.vector_store_idx %arg23[%get3A_375], %broadcast_in_dim3A_6 {add = true} : memref<10240xf32, #tpu.memory_space<vmem>>[vector<16xi32>], vector<16xf32>,
        %scan3A_376 = arith.constant 2 : i32
        %scan3A_377 = arith.addi %scan3A_357, %scan3A_376 : i32
        %mul3A_378 = arith.constant 1 : i32
        %mul3A_379 = arith.muli %scan3A_377, %mul3A_378 : i32
        %add3A_380 = arith.constant 0 : i32
        %add3A_381 = arith.addi %add3A_380, %mul3A_379 : i32
        %mul3A_382 = arith.constant 16 : i32
        %mul3A_383 = arith.muli %add3A_381, %mul3A_382 : i32
        %get3A_384 = arith.index_cast %mul3A_383 : i32 to index
        %get3A_385 = tpu.vector_load %arg25[%get3A_384] {strides = array<i32>} : memref<2000xi32, #tpu.memory_space<vmem>>, vector<16xi32>,
        tpu.vector_store_idx %arg23[%get3A_385], %broadcast_in_dim3A_6 {add = true} : memref<10240xf32, #tpu.memory_space<vmem>>[vector<16xi32>], vector<16xf32>,
        %scan3A_386 = arith.constant 3 : i32
        %scan3A_387 = arith.addi %scan3A_357, %scan3A_386 : i32
        %mul3A_388 = arith.constant 1 : i32
        %mul3A_389 = arith.muli %scan3A_387, %mul3A_388 : i32
        %add3A_390 = arith.constant 0 : i32
        %add3A_391 = arith.addi %add3A_390, %mul3A_389 : i32
        %mul3A_392 = arith.constant 16 : i32
        %mul3A_393 = arith.muli %add3A_391, %mul3A_392 : i32
        %get3A_394 = arith.index_cast %mul3A_393 : i32 to index
        %get3A_395 = tpu.vector_load %arg25[%get3A_394] {strides = array<i32>} : memref<2000xi32, #tpu.memory_space<vmem>>, vector<16xi32>,
        tpu.vector_store_idx %arg23[%get3A_395], %broadcast_in_dim3A_6 {add = true} : memref<10240xf32, #tpu.memory_space<vmem>>[vector<16xi32>], vector<16xf32>,
      }
      %scan3A_333 = arith.constant 124 : i32
      %scan3A_334 = arith.addi %scan3A_329, %scan3A_333 : i32
      %mul3A_335 = arith.constant 1 : i32
      %mul3A_336 = arith.muli %scan3A_334, %mul3A_335 : i32
      %add3A_337 = arith.constant 0 : i32
      %add3A_338 = arith.addi %add3A_337, %mul3A_336 : i32
      %mul3A_339 = arith.constant 16 : i32
      %mul3A_340 = arith.muli %add3A_338, %mul3A_339 : i32
      %get3A = arith.index_cast %mul3A_340 : i32 to index
      %get3A_341 = tpu.vector_load %arg25[%get3A] {strides = array<i32>} : memref<2000xi32, #tpu.memory_space<vmem>>, vector<16xi32>,
      tpu.vector_store_idx %arg23[%get3A_341], %broadcast_in_dim3A_6 {add = true} : memref<10240xf32, #tpu.memory_space<vmem>>[vector<16xi32>], vector<16xf32>,
      %scan3A_342 = arith.constant 125 : i32
      %dma_wait3A_343 = tpu.memref_slice %arg4[%add3A_326] : memref<320835xi32, #tpu.memory_space<hbm>> -> memref<2000xi32, #tpu.memory_space<hbm>>
      %dma_wait3A_344 = tpu.memref_slice %arg4[%add3A_326] : memref<320835xi32, #tpu.memory_space<hbm>> -> memref<2000xi32, #tpu.memory_space<hbm>>
      tpu.wait_dma2 semaphore(%arg33 : memref<!tpu.dma_semaphore, #tpu.memory_space<semaphore_mem>>) src(%dma_wait3A_344 : memref<2000xi32, #tpu.memory_space<hbm>>) dst(%arg26 : memref<2000xi32, #tpu.memory_space<vmem>>)
      %add3A_345 = arith.constant 1 : i32
      %add3A_346 = arith.addi %add3A_321, %add3A_345 : i32
      %lt3A = arith.constant 10 : i32
      %lt3A_347 = arith.cmpi slt, %add3A_346, %lt3A : i32
      %convert_element_type3A_348 = arith.extui %lt3A_347 : i1 to i32
      %cond3A_349 = arith.constant 0 : i32
      %cond3A_350 = arith.cmpi ne, %convert_element_type3A_348, %cond3A_349 : i32
      scf.if %cond3A_350 {
        %add3A_357 = arith.constant 2000 : i32
        %add3A_358 = arith.addi %add3A_326, %add3A_357 : i32
        %dma_start3A_359 = tpu.memref_slice %arg3[%add3A_358] : memref<320835xi32, #tpu.memory_space<hbm>> -> memref<2000xi32, #tpu.memory_space<hbm>>
        %dma_start3A_360 = tpu.memref_slice %arg3[%add3A_358] : memref<320835xi32, #tpu.memory_space<hbm>> -> memref<2000xi32, #tpu.memory_space<hbm>>
        tpu.enqueue_dma source(%dma_start3A_360 : memref<2000xi32, #tpu.memory_space<hbm>>) target(%arg25 : memref<2000xi32, #tpu.memory_space<vmem>>) target_semaphore(%arg33 : memref<!tpu.dma_semaphore, #tpu.memory_space<semaphore_mem>>)
        %scan3A_361 = arith.constant 0 : i32
        %scan3A_362 = arith.constant 124 : i32
        %scan3A_363 = arith.addi %scan3A_361, %scan3A_362 : i32
        %scan3A_364 = arith.constant 4 : i32
        scf.for %scan3A_378 = %scan3A_361 to %scan3A_363 step %scan3A_364  : i32 {
          %mul3A_379 = arith.constant 1 : i32
          %mul3A_380 = arith.muli %scan3A_378, %mul3A_379 : i32
          %add3A_381 = arith.constant 0 : i32
          %add3A_382 = arith.addi %add3A_381, %mul3A_380 : i32
          %mul3A_383 = arith.constant 16 : i32
          %mul3A_384 = arith.muli %add3A_382, %mul3A_383 : i32
          %get3A_385 = arith.index_cast %mul3A_384 : i32 to index
          %get3A_386 = tpu.vector_load %arg26[%get3A_385] {strides = array<i32>} : memref<2000xi32, #tpu.memory_space<vmem>>, vector<16xi32>,
          tpu.vector_store_idx %arg24[%get3A_386], %broadcast_in_dim3A_6 {add = true} : memref<10240xf32, #tpu.memory_space<vmem>>[vector<16xi32>], vector<16xf32>,
          %scan3A_387 = arith.constant 1 : i32
          %scan3A_388 = arith.addi %scan3A_378, %scan3A_387 : i32
          %mul3A_389 = arith.constant 1 : i32
          %mul3A_390 = arith.muli %scan3A_388, %mul3A_389 : i32
          %add3A_391 = arith.constant 0 : i32
          %add3A_392 = arith.addi %add3A_391, %mul3A_390 : i32
          %mul3A_393 = arith.constant 16 : i32
          %mul3A_394 = arith.muli %add3A_392, %mul3A_393 : i32
          %get3A_395 = arith.index_cast %mul3A_394 : i32 to index
          %get3A_396 = tpu.vector_load %arg26[%get3A_395] {strides = array<i32>} : memref<2000xi32, #tpu.memory_space<vmem>>, vector<16xi32>,
          tpu.vector_store_idx %arg24[%get3A_396], %broadcast_in_dim3A_6 {add = true} : memref<10240xf32, #tpu.memory_space<vmem>>[vector<16xi32>], vector<16xf32>,
          %scan3A_397 = arith.constant 2 : i32
          %scan3A_398 = arith.addi %scan3A_378, %scan3A_397 : i32
          %mul3A_399 = arith.constant 1 : i32
          %mul3A_400 = arith.muli %scan3A_398, %mul3A_399 : i32
          %add3A_401 = arith.constant 0 : i32
          %add3A_402 = arith.addi %add3A_401, %mul3A_400 : i32
          %mul3A_403 = arith.constant 16 : i32
          %mul3A_404 = arith.muli %add3A_402, %mul3A_403 : i32
          %get3A_405 = arith.index_cast %mul3A_404 : i32 to index
          %get3A_406 = tpu.vector_load %arg26[%get3A_405] {strides = array<i32>} : memref<2000xi32, #tpu.memory_space<vmem>>, vector<16xi32>,
          tpu.vector_store_idx %arg24[%get3A_406], %broadcast_in_dim3A_6 {add = true} : memref<10240xf32, #tpu.memory_space<vmem>>[vector<16xi32>], vector<16xf32>,
          %scan3A_407 = arith.constant 3 : i32
          %scan3A_408 = arith.addi %scan3A_378, %scan3A_407 : i32
          %mul3A_409 = arith.constant 1 : i32
          %mul3A_410 = arith.muli %scan3A_408, %mul3A_409 : i32
          %add3A_411 = arith.constant 0 : i32
          %add3A_412 = arith.addi %add3A_411, %mul3A_410 : i32
          %mul3A_413 = arith.constant 16 : i32
          %mul3A_414 = arith.muli %add3A_412, %mul3A_413 : i32
          %get3A_415 = arith.index_cast %mul3A_414 : i32 to index
          %get3A_416 = tpu.vector_load %arg26[%get3A_415] {strides = array<i32>} : memref<2000xi32, #tpu.memory_space<vmem>>, vector<16xi32>,
          tpu.vector_store_idx %arg24[%get3A_416], %broadcast_in_dim3A_6 {add = true} : memref<10240xf32, #tpu.memory_space<vmem>>[vector<16xi32>], vector<16xf32>,
        }
        %scan3A_365 = arith.constant 124 : i32
        %scan3A_366 = arith.addi %scan3A_361, %scan3A_365 : i32
        %mul3A_367 = arith.constant 1 : i32
        %mul3A_368 = arith.muli %scan3A_366, %mul3A_367 : i32
        %add3A_369 = arith.constant 0 : i32
        %add3A_370 = arith.addi %add3A_369, %mul3A_368 : i32
        %mul3A_371 = arith.constant 16 : i32
        %mul3A_372 = arith.muli %add3A_370, %mul3A_371 : i32
        %get3A_373 = arith.index_cast %mul3A_372 : i32 to index
        %get3A_374 = tpu.vector_load %arg26[%get3A_373] {strides = array<i32>} : memref<2000xi32, #tpu.memory_space<vmem>>, vector<16xi32>,
        tpu.vector_store_idx %arg24[%get3A_374], %broadcast_in_dim3A_6 {add = true} : memref<10240xf32, #tpu.memory_space<vmem>>[vector<16xi32>], vector<16xf32>,
        %scan3A_375 = arith.constant 125 : i32
        %dma_wait3A_376 = tpu.memref_slice %arg3[%add3A_358] : memref<320835xi32, #tpu.memory_space<hbm>> -> memref<2000xi32, #tpu.memory_space<hbm>>
        %dma_wait3A_377 = tpu.memref_slice %arg3[%add3A_358] : memref<320835xi32, #tpu.memory_space<hbm>> -> memref<2000xi32, #tpu.memory_space<hbm>>
        tpu.wait_dma2 semaphore(%arg33 : memref<!tpu.dma_semaphore, #tpu.memory_space<semaphore_mem>>) src(%dma_wait3A_377 : memref<2000xi32, #tpu.memory_space<hbm>>) dst(%arg25 : memref<2000xi32, #tpu.memory_space<vmem>>)
      } else {
      }
      %add3A_351 = arith.constant 1 : i32
      %add3A_352 = arith.addi %add3A_321, %add3A_351 : i32
      %ge3A = arith.constant 10 : i32
      %ge3A_353 = arith.cmpi sge, %add3A_352, %ge3A : i32
      %convert_element_type3A_354 = arith.extui %ge3A_353 : i1 to i32
      %cond3A_355 = arith.constant 0 : i32
      %cond3A_356 = arith.cmpi ne, %convert_element_type3A_354, %cond3A_355 : i32
      scf.if %cond3A_356 {
        %scan3A_357 = arith.constant 0 : i32
        %scan3A_358 = arith.constant 124 : i32
        %scan3A_359 = arith.addi %scan3A_357, %scan3A_358 : i32
        %scan3A_360 = arith.constant 4 : i32
        scf.for %scan3A_372 = %scan3A_357 to %scan3A_359 step %scan3A_360  : i32 {
          %mul3A_373 = arith.constant 1 : i32
          %mul3A_374 = arith.muli %scan3A_372, %mul3A_373 : i32
          %add3A_375 = arith.constant 0 : i32
          %add3A_376 = arith.addi %add3A_375, %mul3A_374 : i32
          %mul3A_377 = arith.constant 16 : i32
          %mul3A_378 = arith.muli %add3A_376, %mul3A_377 : i32
          %get3A_379 = arith.index_cast %mul3A_378 : i32 to index
          %get3A_380 = tpu.vector_load %arg26[%get3A_379] {strides = array<i32>} : memref<2000xi32, #tpu.memory_space<vmem>>, vector<16xi32>,
          tpu.vector_store_idx %arg24[%get3A_380], %broadcast_in_dim3A_6 {add = true} : memref<10240xf32, #tpu.memory_space<vmem>>[vector<16xi32>], vector<16xf32>,
          %scan3A_381 = arith.constant 1 : i32
          %scan3A_382 = arith.addi %scan3A_372, %scan3A_381 : i32
          %mul3A_383 = arith.constant 1 : i32
          %mul3A_384 = arith.muli %scan3A_382, %mul3A_383 : i32
          %add3A_385 = arith.constant 0 : i32
          %add3A_386 = arith.addi %add3A_385, %mul3A_384 : i32
          %mul3A_387 = arith.constant 16 : i32
          %mul3A_388 = arith.muli %add3A_386, %mul3A_387 : i32
          %get3A_389 = arith.index_cast %mul3A_388 : i32 to index
          %get3A_390 = tpu.vector_load %arg26[%get3A_389] {strides = array<i32>} : memref<2000xi32, #tpu.memory_space<vmem>>, vector<16xi32>,
          tpu.vector_store_idx %arg24[%get3A_390], %broadcast_in_dim3A_6 {add = true} : memref<10240xf32, #tpu.memory_space<vmem>>[vector<16xi32>], vector<16xf32>,
          %scan3A_391 = arith.constant 2 : i32
          %scan3A_392 = arith.addi %scan3A_372, %scan3A_391 : i32
          %mul3A_393 = arith.constant 1 : i32
          %mul3A_394 = arith.muli %scan3A_392, %mul3A_393 : i32
          %add3A_395 = arith.constant 0 : i32
          %add3A_396 = arith.addi %add3A_395, %mul3A_394 : i32
          %mul3A_397 = arith.constant 16 : i32
          %mul3A_398 = arith.muli %add3A_396, %mul3A_397 : i32
          %get3A_399 = arith.index_cast %mul3A_398 : i32 to index
          %get3A_400 = tpu.vector_load %arg26[%get3A_399] {strides = array<i32>} : memref<2000xi32, #tpu.memory_space<vmem>>, vector<16xi32>,
          tpu.vector_store_idx %arg24[%get3A_400], %broadcast_in_dim3A_6 {add = true} : memref<10240xf32, #tpu.memory_space<vmem>>[vector<16xi32>], vector<16xf32>,
          %scan3A_401 = arith.constant 3 : i32
          %scan3A_402 = arith.addi %scan3A_372, %scan3A_401 : i32
          %mul3A_403 = arith.constant 1 : i32
          %mul3A_404 = arith.muli %scan3A_402, %mul3A_403 : i32
          %add3A_405 = arith.constant 0 : i32
          %add3A_406 = arith.addi %add3A_405, %mul3A_404 : i32
          %mul3A_407 = arith.constant 16 : i32
          %mul3A_408 = arith.muli %add3A_406, %mul3A_407 : i32
          %get3A_409 = arith.index_cast %mul3A_408 : i32 to index
          %get3A_410 = tpu.vector_load %arg26[%get3A_409] {strides = array<i32>} : memref<2000xi32, #tpu.memory_space<vmem>>, vector<16xi32>,
          tpu.vector_store_idx %arg24[%get3A_410], %broadcast_in_dim3A_6 {add = true} : memref<10240xf32, #tpu.memory_space<vmem>>[vector<16xi32>], vector<16xf32>,
        }
        %scan3A_361 = arith.constant 124 : i32
        %scan3A_362 = arith.addi %scan3A_357, %scan3A_361 : i32
        %mul3A_363 = arith.constant 1 : i32
        %mul3A_364 = arith.muli %scan3A_362, %mul3A_363 : i32
        %add3A_365 = arith.constant 0 : i32
        %add3A_366 = arith.addi %add3A_365, %mul3A_364 : i32
        %mul3A_367 = arith.constant 16 : i32
        %mul3A_368 = arith.muli %add3A_366, %mul3A_367 : i32
        %get3A_369 = arith.index_cast %mul3A_368 : i32 to index
        %get3A_370 = tpu.vector_load %arg26[%get3A_369] {strides = array<i32>} : memref<2000xi32, #tpu.memory_space<vmem>>, vector<16xi32>,
        tpu.vector_store_idx %arg24[%get3A_370], %broadcast_in_dim3A_6 {add = true} : memref<10240xf32, #tpu.memory_space<vmem>>[vector<16xi32>], vector<16xf32>,
        %scan3A_371 = arith.constant 125 : i32
      } else {
      }
    }
    %scan3A_13 = arith.constant 10 : i32
    %run_scoped3A = arith.constant 0 : i32
    "tpu.region"() ({
      %run_scoped3A_317 = tpu.sem_alloc : memref<!tpu.dma_semaphore, #tpu.memory_space<semaphore_mem>>
      %dma_start3A_318 = arith.constant 0 : i32
      %dma_start3A_319 = tpu.memref_slice %arg30[%arg1, %run_scoped3A, %dma_start3A_318] : memref<16x2x10240xf32, #tpu.memory_space<vmem_shared>> -> memref<1x1x10240xf32, #tpu.memory_space<vmem_shared>>
      %dma_start3A_320 = tpu.memref_squeeze %dma_start3A_319 : memref<1x1x10240xf32, #tpu.memory_space<vmem_shared>> -> memref<10240xf32, #tpu.memory_space<vmem_shared>>
      %dma_start3A_321 = arith.constant 0 : i32
      %dma_start3A_322 = tpu.memref_slice %arg30[%arg1, %run_scoped3A, %dma_start3A_321] : memref<16x2x10240xf32, #tpu.memory_space<vmem_shared>> -> memref<1x1x10240xf32, #tpu.memory_space<vmem_shared>>
      %dma_start3A_323 = tpu.memref_squeeze %dma_start3A_322 : memref<1x1x10240xf32, #tpu.memory_space<vmem_shared>> -> memref<10240xf32, #tpu.memory_space<vmem_shared>>
      tpu.enqueue_dma source(%arg23 : memref<10240xf32, #tpu.memory_space<vmem>>) target(%dma_start3A_323 : memref<10240xf32, #tpu.memory_space<vmem_shared>>) target_semaphore(%run_scoped3A_317 : memref<!tpu.dma_semaphore, #tpu.memory_space<semaphore_mem>>)
      %dma_wait3A_324 = arith.constant 0 : i32
      %dma_wait3A_325 = tpu.memref_slice %arg30[%arg1, %run_scoped3A, %dma_wait3A_324] : memref<16x2x10240xf32, #tpu.memory_space<vmem_shared>> -> memref<1x1x10240xf32, #tpu.memory_space<vmem_shared>>
      %dma_wait3A_326 = tpu.memref_squeeze %dma_wait3A_325 : memref<1x1x10240xf32, #tpu.memory_space<vmem_shared>> -> memref<10240xf32, #tpu.memory_space<vmem_shared>>
      %dma_wait3A_327 = arith.constant 0 : i32
      %dma_wait3A_328 = tpu.memref_slice %arg30[%arg1, %run_scoped3A, %dma_wait3A_327] : memref<16x2x10240xf32, #tpu.memory_space<vmem_shared>> -> memref<1x1x10240xf32, #tpu.memory_space<vmem_shared>>
      %dma_wait3A_329 = tpu.memref_squeeze %dma_wait3A_328 : memref<1x1x10240xf32, #tpu.memory_space<vmem_shared>> -> memref<10240xf32, #tpu.memory_space<vmem_shared>>
      tpu.wait_dma2 semaphore(%run_scoped3A_317 : memref<!tpu.dma_semaphore, #tpu.memory_space<semaphore_mem>>) src(%arg23 : memref<10240xf32, #tpu.memory_space<vmem>>) dst(%dma_wait3A_329 : memref<10240xf32, #tpu.memory_space<vmem_shared>>)
      tpu.yield
    }) : () -> ()
    %run_scoped3A_14 = arith.constant 1 : i32
    "tpu.region"() ({
      %run_scoped3A_317 = tpu.sem_alloc : memref<!tpu.dma_semaphore, #tpu.memory_space<semaphore_mem>>
      %dma_start3A_318 = arith.constant 0 : i32
      %dma_start3A_319 = tpu.memref_slice %arg30[%arg1, %run_scoped3A_14, %dma_start3A_318] : memref<16x2x10240xf32, #tpu.memory_space<vmem_shared>> -> memref<1x1x10240xf32, #tpu.memory_space<vmem_shared>>
      %dma_start3A_320 = tpu.memref_squeeze %dma_start3A_319 : memref<1x1x10240xf32, #tpu.memory_space<vmem_shared>> -> memref<10240xf32, #tpu.memory_space<vmem_shared>>
      %dma_start3A_321 = arith.constant 0 : i32
      %dma_start3A_322 = tpu.memref_slice %arg30[%arg1, %run_scoped3A_14, %dma_start3A_321] : memref<16x2x10240xf32, #tpu.memory_space<vmem_shared>> -> memref<1x1x10240xf32, #tpu.memory_space<vmem_shared>>
      %dma_start3A_323 = tpu.memref_squeeze %dma_start3A_322 : memref<1x1x10240xf32, #tpu.memory_space<vmem_shared>> -> memref<10240xf32, #tpu.memory_space<vmem_shared>>
      tpu.enqueue_dma source(%arg24 : memref<10240xf32, #tpu.memory_space<vmem>>) target(%dma_start3A_323 : memref<10240xf32, #tpu.memory_space<vmem_shared>>) target_semaphore(%run_scoped3A_317 : memref<!tpu.dma_semaphore, #tpu.memory_space<semaphore_mem>>)
      %dma_wait3A_324 = arith.constant 0 : i32
      %dma_wait3A_325 = tpu.memref_slice %arg30[%arg1, %run_scoped3A_14, %dma_wait3A_324] : memref<16x2x10240xf32, #tpu.memory_space<vmem_shared>> -> memref<1x1x10240xf32, #tpu.memory_space<vmem_shared>>
      %dma_wait3A_326 = tpu.memref_squeeze %dma_wait3A_325 : memref<1x1x10240xf32, #tpu.memory_space<vmem_shared>> -> memref<10240xf32, #tpu.memory_space<vmem_shared>>
      %dma_wait3A_327 = arith.constant 0 : i32
      %dma_wait3A_328 = tpu.memref_slice %arg30[%arg1, %run_scoped3A_14, %dma_wait3A_327] : memref<16x2x10240xf32, #tpu.memory_space<vmem_shared>> -> memref<1x1x10240xf32, #tpu.memory_space<vmem_shared>>
      %dma_wait3A_329 = tpu.memref_squeeze %dma_wait3A_328 : memref<1x1x10240xf32, #tpu.memory_space<vmem_shared>> -> memref<10240xf32, #tpu.memory_space<vmem_shared>>
      tpu.wait_dma2 semaphore(%run_scoped3A_317 : memref<!tpu.dma_semaphore, #tpu.memory_space<semaphore_mem>>) src(%arg24 : memref<10240xf32, #tpu.memory_space<vmem>>) dst(%dma_wait3A_329 : memref<10240xf32, #tpu.memory_space<vmem_shared>>)
      tpu.yield
    }) : () -> ()
    %barrier3A = arith.constant 0 : index
    tpu.barrier barrier_id(%barrier3A)
    %mul3A_15 = arith.constant 640 : i32
    %mul3A_16 = arith.muli %arg1, %mul3A_15 : i32
    %run_scoped3A_17 = arith.constant 0 : i32
    %run_scoped3A_18 = arith.constant 0 : i32
    "tpu.region"() ({
      %run_scoped3A_317 = tpu.sem_alloc : memref<!tpu.dma_semaphore, #tpu.memory_space<semaphore_mem>>
      %dma_start3A_318 = tpu.memref_slice %arg30[%run_scoped3A_17, %run_scoped3A_18, %mul3A_16] : memref<16x2x10240xf32, #tpu.memory_space<vmem_shared>> -> memref<1x1x640xf32, #tpu.memory_space<vmem_shared>>
      %dma_start3A_319 = tpu.memref_squeeze %dma_start3A_318 : memref<1x1x640xf32, #tpu.memory_space<vmem_shared>> -> memref<640xf32, #tpu.memory_space<vmem_shared>>
      %dma_start3A_320 = tpu.memref_slice %arg30[%run_scoped3A_17, %run_scoped3A_18, %mul3A_16] : memref<16x2x10240xf32, #tpu.memory_space<vmem_shared>> -> memref<1x1x640xf32, #tpu.memory_space<vmem_shared>>
      %dma_start3A_321 = tpu.memref_squeeze %dma_start3A_320 : memref<1x1x640xf32, #tpu.memory_space<vmem_shared>> -> memref<640xf32, #tpu.memory_space<vmem_shared>>
      tpu.enqueue_dma source(%dma_start3A_321 : memref<640xf32, #tpu.memory_space<vmem_shared>>) target(%arg29 : memref<640xf32, #tpu.memory_space<vmem>>) target_semaphore(%run_scoped3A_317 : memref<!tpu.dma_semaphore, #tpu.memory_space<semaphore_mem>>)
      %dma_wait3A_322 = tpu.memref_slice %arg30[%run_scoped3A_17, %run_scoped3A_18, %mul3A_16] : memref<16x2x10240xf32, #tpu.memory_space<vmem_shared>> -> memref<1x1x640xf32, #tpu.memory_space<vmem_shared>>
      %dma_wait3A_323 = tpu.memref_squeeze %dma_wait3A_322 : memref<1x1x640xf32, #tpu.memory_space<vmem_shared>> -> memref<640xf32, #tpu.memory_space<vmem_shared>>
      %dma_wait3A_324 = tpu.memref_slice %arg30[%run_scoped3A_17, %run_scoped3A_18, %mul3A_16] : memref<16x2x10240xf32, #tpu.memory_space<vmem_shared>> -> memref<1x1x640xf32, #tpu.memory_space<vmem_shared>>
      %dma_wait3A_325 = tpu.memref_squeeze %dma_wait3A_324 : memref<1x1x640xf32, #tpu.memory_space<vmem_shared>> -> memref<640xf32, #tpu.memory_space<vmem_shared>>
      tpu.wait_dma2 semaphore(%run_scoped3A_317 : memref<!tpu.dma_semaphore, #tpu.memory_space<semaphore_mem>>) src(%dma_wait3A_325 : memref<640xf32, #tpu.memory_space<vmem_shared>>) dst(%arg29 : memref<640xf32, #tpu.memory_space<vmem>>)
      tpu.yield
    }) : () -> ()
    %scan3A_19 = arith.constant 0 : i32
    %scan3A_20 = arith.constant 0 : i32
    %scan3A_21 = arith.constant 40 : i32
    %scan3A_22 = arith.addi %scan3A_20, %scan3A_21 : i32
    %scan3A_23 = arith.constant 1 : i32
    scf.for %scan3A_317 = %scan3A_20 to %scan3A_22 step %scan3A_23  : i32 {
      %mul3A_318 = arith.constant 16 : i32
      %mul3A_319 = arith.muli %scan3A_317, %mul3A_318 : i32
      %get3A = arith.index_cast %mul3A_319 : i32 to index
      %get3A_320 = tpu.vector_load %arg29[%get3A] {strides = array<i32>} : memref<640xf32, #tpu.memory_space<vmem>>, vector<16xf32>,
      %swap3A = arith.index_cast %mul3A_319 : i32 to index
      %swap3A_321 = tpu.vector_load %arg27[%swap3A] {strides = array<i32>} : memref<640xf32, #tpu.memory_space<vmem>>, vector<16xf32>,
      tpu.vector_store %arg27[%swap3A], %get3A_320 {strides = array<i32>} : memref<640xf32, #tpu.memory_space<vmem>>, vector<16xf32>,
    }
    %scan3A_24 = arith.constant 40 : i32
    %run_scoped3A_25 = arith.constant 1 : i32
    %run_scoped3A_26 = arith.constant 0 : i32
    "tpu.region"() ({
      %run_scoped3A_317 = tpu.sem_alloc : memref<!tpu.dma_semaphore, #tpu.memory_space<semaphore_mem>>
      %dma_start3A_318 = tpu.memref_slice %arg30[%run_scoped3A_25, %run_scoped3A_26, %mul3A_16] : memref<16x2x10240xf32, #tpu.memory_space<vmem_shared>> -> memref<1x1x640xf32, #tpu.memory_space<vmem_shared>>
      %dma_start3A_319 = tpu.memref_squeeze %dma_start3A_318 : memref<1x1x640xf32, #tpu.memory_space<vmem_shared>> -> memref<640xf32, #tpu.memory_space<vmem_shared>>
      %dma_start3A_320 = tpu.memref_slice %arg30[%run_scoped3A_25, %run_scoped3A_26, %mul3A_16] : memref<16x2x10240xf32, #tpu.memory_space<vmem_shared>> -> memref<1x1x640xf32, #tpu.memory_space<vmem_shared>>
      %dma_start3A_321 = tpu.memref_squeeze %dma_start3A_320 : memref<1x1x640xf32, #tpu.memory_space<vmem_shared>> -> memref<640xf32, #tpu.memory_space<vmem_shared>>
      tpu.enqueue_dma source(%dma_start3A_321 : memref<640xf32, #tpu.memory_space<vmem_shared>>) target(%arg29 : memref<640xf32, #tpu.memory_space<vmem>>) target_semaphore(%run_scoped3A_317 : memref<!tpu.dma_semaphore, #tpu.memory_space<semaphore_mem>>)
      %dma_wait3A_322 = tpu.memref_slice %arg30[%run_scoped3A_25, %run_scoped3A_26, %mul3A_16] : memref<16x2x10240xf32, #tpu.memory_space<vmem_shared>> -> memref<1x1x640xf32, #tpu.memory_space<vmem_shared>>
      %dma_wait3A_323 = tpu.memref_squeeze %dma_wait3A_322 : memref<1x1x640xf32, #tpu.memory_space<vmem_shared>> -> memref<640xf32, #tpu.memory_space<vmem_shared>>
      %dma_wait3A_324 = tpu.memref_slice %arg30[%run_scoped3A_25, %run_scoped3A_26, %mul3A_16] : memref<16x2x10240xf32, #tpu.memory_space<vmem_shared>> -> memref<1x1x640xf32, #tpu.memory_space<vmem_shared>>
      %dma_wait3A_325 = tpu.memref_squeeze %dma_wait3A_324 : memref<1x1x640xf32, #tpu.memory_space<vmem_shared>> -> memref<640xf32, #tpu.memory_space<vmem_shared>>
      tpu.wait_dma2 semaphore(%run_scoped3A_317 : memref<!tpu.dma_semaphore, #tpu.memory_space<semaphore_mem>>) src(%dma_wait3A_325 : memref<640xf32, #tpu.memory_space<vmem_shared>>) dst(%arg29 : memref<640xf32, #tpu.memory_space<vmem>>)
      tpu.yield
    }) : () -> ()
    %scan3A_27 = arith.constant 0 : i32
    %scan3A_28 = arith.constant 0 : i32
    %scan3A_29 = arith.constant 40 : i32
    %scan3A_30 = arith.addi %scan3A_28, %scan3A_29 : i32
    %scan3A_31 = arith.constant 1 : i32
    scf.for %scan3A_317 = %scan3A_28 to %scan3A_30 step %scan3A_31  : i32 {
      %mul3A_318 = arith.constant 16 : i32
      %mul3A_319 = arith.muli %scan3A_317, %mul3A_318 : i32
      %get3A = arith.index_cast %mul3A_319 : i32 to index
      %get3A_320 = tpu.vector_load %arg27[%get3A] {strides = array<i32>} : memref<640xf32, #tpu.memory_space<vmem>>, vector<16xf32>,
      %get3A_321 = arith.index_cast %mul3A_319 : i32 to index
      %get3A_322 = tpu.vector_load %arg29[%get3A_321] {strides = array<i32>} : memref<640xf32, #tpu.memory_space<vmem>>, vector<16xf32>,
      %add3A_323 = arith.addf %get3A_320, %get3A_322 : vector<16xf32>
      %swap3A = arith.index_cast %mul3A_319 : i32 to index
      %swap3A_324 = tpu.vector_load %arg27[%swap3A] {strides = array<i32>} : memref<640xf32, #tpu.memory_space<vmem>>, vector<16xf32>,
      tpu.vector_store %arg27[%swap3A], %add3A_323 {strides = array<i32>} : memref<640xf32, #tpu.memory_space<vmem>>, vector<16xf32>,
    }
    %scan3A_32 = arith.constant 40 : i32
    %run_scoped3A_33 = arith.constant 2 : i32
    %run_scoped3A_34 = arith.constant 0 : i32
    "tpu.region"() ({
      %run_scoped3A_317 = tpu.sem_alloc : memref<!tpu.dma_semaphore, #tpu.memory_space<semaphore_mem>>
      %dma_start3A_318 = tpu.memref_slice %arg30[%run_scoped3A_33, %run_scoped3A_34, %mul3A_16] : memref<16x2x10240xf32, #tpu.memory_space<vmem_shared>> -> memref<1x1x640xf32, #tpu.memory_space<vmem_shared>>
      %dma_start3A_319 = tpu.memref_squeeze %dma_start3A_318 : memref<1x1x640xf32, #tpu.memory_space<vmem_shared>> -> memref<640xf32, #tpu.memory_space<vmem_shared>>
      %dma_start3A_320 = tpu.memref_slice %arg30[%run_scoped3A_33, %run_scoped3A_34, %mul3A_16] : memref<16x2x10240xf32, #tpu.memory_space<vmem_shared>> -> memref<1x1x640xf32, #tpu.memory_space<vmem_shared>>
      %dma_start3A_321 = tpu.memref_squeeze %dma_start3A_320 : memref<1x1x640xf32, #tpu.memory_space<vmem_shared>> -> memref<640xf32, #tpu.memory_space<vmem_shared>>
      tpu.enqueue_dma source(%dma_start3A_321 : memref<640xf32, #tpu.memory_space<vmem_shared>>) target(%arg29 : memref<640xf32, #tpu.memory_space<vmem>>) target_semaphore(%run_scoped3A_317 : memref<!tpu.dma_semaphore, #tpu.memory_space<semaphore_mem>>)
      %dma_wait3A_322 = tpu.memref_slice %arg30[%run_scoped3A_33, %run_scoped3A_34, %mul3A_16] : memref<16x2x10240xf32, #tpu.memory_space<vmem_shared>> -> memref<1x1x640xf32, #tpu.memory_space<vmem_shared>>
      %dma_wait3A_323 = tpu.memref_squeeze %dma_wait3A_322 : memref<1x1x640xf32, #tpu.memory_space<vmem_shared>> -> memref<640xf32, #tpu.memory_space<vmem_shared>>
      %dma_wait3A_324 = tpu.memref_slice %arg30[%run_scoped3A_33, %run_scoped3A_34, %mul3A_16] : memref<16x2x10240xf32, #tpu.memory_space<vmem_shared>> -> memref<1x1x640xf32, #tpu.memory_space<vmem_shared>>
      %dma_wait3A_325 = tpu.memref_squeeze %dma_wait3A_324 : memref<1x1x640xf32, #tpu.memory_space<vmem_shared>> -> memref<640xf32, #tpu.memory_space<vmem_shared>>
      tpu.wait_dma2 semaphore(%run_scoped3A_317 : memref<!tpu.dma_semaphore, #tpu.memory_space<semaphore_mem>>) src(%dma_wait3A_325 : memref<640xf32, #tpu.memory_space<vmem_shared>>) dst(%arg29 : memref<640xf32, #tpu.memory_space<vmem>>)
      tpu.yield
    }) : () -> ()
    %scan3A_35 = arith.constant 0 : i32
    %scan3A_36 = arith.constant 0 : i32
    %scan3A_37 = arith.constant 40 : i32
    %scan3A_38 = arith.addi %scan3A_36, %scan3A_37 : i32
    %scan3A_39 = arith.constant 1 : i32
    scf.for %scan3A_317 = %scan3A_36 to %scan3A_38 step %scan3A_39  : i32 {
      %mul3A_318 = arith.constant 16 : i32
      %mul3A_319 = arith.muli %scan3A_317, %mul3A_318 : i32
      %get3A = arith.index_cast %mul3A_319 : i32 to index
      %get3A_320 = tpu.vector_load %arg27[%get3A] {strides = array<i32>} : memref<640xf32, #tpu.memory_space<vmem>>, vector<16xf32>,
      %get3A_321 = arith.index_cast %mul3A_319 : i32 to index
      %get3A_322 = tpu.vector_load %arg29[%get3A_321] {strides = array<i32>} : memref<640xf32, #tpu.memory_space<vmem>>, vector<16xf32>,
      %add3A_323 = arith.addf %get3A_320, %get3A_322 : vector<16xf32>
      %swap3A = arith.index_cast %mul3A_319 : i32 to index
      %swap3A_324 = tpu.vector_load %arg27[%swap3A] {strides = array<i32>} : memref<640xf32, #tpu.memory_space<vmem>>, vector<16xf32>,
      tpu.vector_store %arg27[%swap3A], %add3A_323 {strides = array<i32>} : memref<640xf32, #tpu.memory_space<vmem>>, vector<16xf32>,
    }
    %scan3A_40 = arith.constant 40 : i32
    %run_scoped3A_41 = arith.constant 3 : i32
    %run_scoped3A_42 = arith.constant 0 : i32
    "tpu.region"() ({
      %run_scoped3A_317 = tpu.sem_alloc : memref<!tpu.dma_semaphore, #tpu.memory_space<semaphore_mem>>
      %dma_start3A_318 = tpu.memref_slice %arg30[%run_scoped3A_41, %run_scoped3A_42, %mul3A_16] : memref<16x2x10240xf32, #tpu.memory_space<vmem_shared>> -> memref<1x1x640xf32, #tpu.memory_space<vmem_shared>>
      %dma_start3A_319 = tpu.memref_squeeze %dma_start3A_318 : memref<1x1x640xf32, #tpu.memory_space<vmem_shared>> -> memref<640xf32, #tpu.memory_space<vmem_shared>>
      %dma_start3A_320 = tpu.memref_slice %arg30[%run_scoped3A_41, %run_scoped3A_42, %mul3A_16] : memref<16x2x10240xf32, #tpu.memory_space<vmem_shared>> -> memref<1x1x640xf32, #tpu.memory_space<vmem_shared>>
      %dma_start3A_321 = tpu.memref_squeeze %dma_start3A_320 : memref<1x1x640xf32, #tpu.memory_space<vmem_shared>> -> memref<640xf32, #tpu.memory_space<vmem_shared>>
      tpu.enqueue_dma source(%dma_start3A_321 : memref<640xf32, #tpu.memory_space<vmem_shared>>) target(%arg29 : memref<640xf32, #tpu.memory_space<vmem>>) target_semaphore(%run_scoped3A_317 : memref<!tpu.dma_semaphore, #tpu.memory_space<semaphore_mem>>)
      %dma_wait3A_322 = tpu.memref_slice %arg30[%run_scoped3A_41, %run_scoped3A_42, %mul3A_16] : memref<16x2x10240xf32, #tpu.memory_space<vmem_shared>> -> memref<1x1x640xf32, #tpu.memory_space<vmem_shared>>
      %dma_wait3A_323 = tpu.memref_squeeze %dma_wait3A_322 : memref<1x1x640xf32, #tpu.memory_space<vmem_shared>> -> memref<640xf32, #tpu.memory_space<vmem_shared>>
      %dma_wait3A_324 = tpu.memref_slice %arg30[%run_scoped3A_41, %run_scoped3A_42, %mul3A_16] : memref<16x2x10240xf32, #tpu.memory_space<vmem_shared>> -> memref<1x1x640xf32, #tpu.memory_space<vmem_shared>>
      %dma_wait3A_325 = tpu.memref_squeeze %dma_wait3A_324 : memref<1x1x640xf32, #tpu.memory_space<vmem_shared>> -> memref<640xf32, #tpu.memory_space<vmem_shared>>
      tpu.wait_dma2 semaphore(%run_scoped3A_317 : memref<!tpu.dma_semaphore, #tpu.memory_space<semaphore_mem>>) src(%dma_wait3A_325 : memref<640xf32, #tpu.memory_space<vmem_shared>>) dst(%arg29 : memref<640xf32, #tpu.memory_space<vmem>>)
      tpu.yield
    }) : () -> ()
    %scan3A_43 = arith.constant 0 : i32
    %scan3A_44 = arith.constant 0 : i32
    %scan3A_45 = arith.constant 40 : i32
    %scan3A_46 = arith.addi %scan3A_44, %scan3A_45 : i32
    %scan3A_47 = arith.constant 1 : i32
    scf.for %scan3A_317 = %scan3A_44 to %scan3A_46 step %scan3A_47  : i32 {
      %mul3A_318 = arith.constant 16 : i32
      %mul3A_319 = arith.muli %scan3A_317, %mul3A_318 : i32
      %get3A = arith.index_cast %mul3A_319 : i32 to index
      %get3A_320 = tpu.vector_load %arg27[%get3A] {strides = array<i32>} : memref<640xf32, #tpu.memory_space<vmem>>, vector<16xf32>,
      %get3A_321 = arith.index_cast %mul3A_319 : i32 to index
      %get3A_322 = tpu.vector_load %arg29[%get3A_321] {strides = array<i32>} : memref<640xf32, #tpu.memory_space<vmem>>, vector<16xf32>,
      %add3A_323 = arith.addf %get3A_320, %get3A_322 : vector<16xf32>
      %swap3A = arith.index_cast %mul3A_319 : i32 to index
      %swap3A_324 = tpu.vector_load %arg27[%swap3A] {strides = array<i32>} : memref<640xf32, #tpu.memory_space<vmem>>, vector<16xf32>,
      tpu.vector_store %arg27[%swap3A], %add3A_323 {strides = array<i32>} : memref<640xf32, #tpu.memory_space<vmem>>, vector<16xf32>,
    }
    %scan3A_48 = arith.constant 40 : i32
    %run_scoped3A_49 = arith.constant 4 : i32
    %run_scoped3A_50 = arith.constant 0 : i32
    "tpu.region"() ({
      %run_scoped3A_317 = tpu.sem_alloc : memref<!tpu.dma_semaphore, #tpu.memory_space<semaphore_mem>>
      %dma_start3A_318 = tpu.memref_slice %arg30[%run_scoped3A_49, %run_scoped3A_50, %mul3A_16] : memref<16x2x10240xf32, #tpu.memory_space<vmem_shared>> -> memref<1x1x640xf32, #tpu.memory_space<vmem_shared>>
      %dma_start3A_319 = tpu.memref_squeeze %dma_start3A_318 : memref<1x1x640xf32, #tpu.memory_space<vmem_shared>> -> memref<640xf32, #tpu.memory_space<vmem_shared>>
      %dma_start3A_320 = tpu.memref_slice %arg30[%run_scoped3A_49, %run_scoped3A_50, %mul3A_16] : memref<16x2x10240xf32, #tpu.memory_space<vmem_shared>> -> memref<1x1x640xf32, #tpu.memory_space<vmem_shared>>
      %dma_start3A_321 = tpu.memref_squeeze %dma_start3A_320 : memref<1x1x640xf32, #tpu.memory_space<vmem_shared>> -> memref<640xf32, #tpu.memory_space<vmem_shared>>
      tpu.enqueue_dma source(%dma_start3A_321 : memref<640xf32, #tpu.memory_space<vmem_shared>>) target(%arg29 : memref<640xf32, #tpu.memory_space<vmem>>) target_semaphore(%run_scoped3A_317 : memref<!tpu.dma_semaphore, #tpu.memory_space<semaphore_mem>>)
      %dma_wait3A_322 = tpu.memref_slice %arg30[%run_scoped3A_49, %run_scoped3A_50, %mul3A_16] : memref<16x2x10240xf32, #tpu.memory_space<vmem_shared>> -> memref<1x1x640xf32, #tpu.memory_space<vmem_shared>>
      %dma_wait3A_323 = tpu.memref_squeeze %dma_wait3A_322 : memref<1x1x640xf32, #tpu.memory_space<vmem_shared>> -> memref<640xf32, #tpu.memory_space<vmem_shared>>
      %dma_wait3A_324 = tpu.memref_slice %arg30[%run_scoped3A_49, %run_scoped3A_50, %mul3A_16] : memref<16x2x10240xf32, #tpu.memory_space<vmem_shared>> -> memref<1x1x640xf32, #tpu.memory_space<vmem_shared>>
      %dma_wait3A_325 = tpu.memref_squeeze %dma_wait3A_324 : memref<1x1x640xf32, #tpu.memory_space<vmem_shared>> -> memref<640xf32, #tpu.memory_space<vmem_shared>>
      tpu.wait_dma2 semaphore(%run_scoped3A_317 : memref<!tpu.dma_semaphore, #tpu.memory_space<semaphore_mem>>) src(%dma_wait3A_325 : memref<640xf32, #tpu.memory_space<vmem_shared>>) dst(%arg29 : memref<640xf32, #tpu.memory_space<vmem>>)
      tpu.yield
    }) : () -> ()
    %scan3A_51 = arith.constant 0 : i32
    %scan3A_52 = arith.constant 0 : i32
    %scan3A_53 = arith.constant 40 : i32
    %scan3A_54 = arith.addi %scan3A_52, %scan3A_53 : i32
    %scan3A_55 = arith.constant 1 : i32
    scf.for %scan3A_317 = %scan3A_52 to %scan3A_54 step %scan3A_55  : i32 {
      %mul3A_318 = arith.constant 16 : i32
      %mul3A_319 = arith.muli %scan3A_317, %mul3A_318 : i32
      %get3A = arith.index_cast %mul3A_319 : i32 to index
      %get3A_320 = tpu.vector_load %arg27[%get3A] {strides = array<i32>} : memref<640xf32, #tpu.memory_space<vmem>>, vector<16xf32>,
      %get3A_321 = arith.index_cast %mul3A_319 : i32 to index
      %get3A_322 = tpu.vector_load %arg29[%get3A_321] {strides = array<i32>} : memref<640xf32, #tpu.memory_space<vmem>>, vector<16xf32>,
      %add3A_323 = arith.addf %get3A_320, %get3A_322 : vector<16xf32>
      %swap3A = arith.index_cast %mul3A_319 : i32 to index
      %swap3A_324 = tpu.vector_load %arg27[%swap3A] {strides = array<i32>} : memref<640xf32, #tpu.memory_space<vmem>>, vector<16xf32>,
      tpu.vector_store %arg27[%swap3A], %add3A_323 {strides = array<i32>} : memref<640xf32, #tpu.memory_space<vmem>>, vector<16xf32>,
    }
    %scan3A_56 = arith.constant 40 : i32
    %run_scoped3A_57 = arith.constant 5 : i32
    %run_scoped3A_58 = arith.constant 0 : i32
    "tpu.region"() ({
      %run_scoped3A_317 = tpu.sem_alloc : memref<!tpu.dma_semaphore, #tpu.memory_space<semaphore_mem>>
      %dma_start3A_318 = tpu.memref_slice %arg30[%run_scoped3A_57, %run_scoped3A_58, %mul3A_16] : memref<16x2x10240xf32, #tpu.memory_space<vmem_shared>> -> memref<1x1x640xf32, #tpu.memory_space<vmem_shared>>
      %dma_start3A_319 = tpu.memref_squeeze %dma_start3A_318 : memref<1x1x640xf32, #tpu.memory_space<vmem_shared>> -> memref<640xf32, #tpu.memory_space<vmem_shared>>
      %dma_start3A_320 = tpu.memref_slice %arg30[%run_scoped3A_57, %run_scoped3A_58, %mul3A_16] : memref<16x2x10240xf32, #tpu.memory_space<vmem_shared>> -> memref<1x1x640xf32, #tpu.memory_space<vmem_shared>>
      %dma_start3A_321 = tpu.memref_squeeze %dma_start3A_320 : memref<1x1x640xf32, #tpu.memory_space<vmem_shared>> -> memref<640xf32, #tpu.memory_space<vmem_shared>>
      tpu.enqueue_dma source(%dma_start3A_321 : memref<640xf32, #tpu.memory_space<vmem_shared>>) target(%arg29 : memref<640xf32, #tpu.memory_space<vmem>>) target_semaphore(%run_scoped3A_317 : memref<!tpu.dma_semaphore, #tpu.memory_space<semaphore_mem>>)
      %dma_wait3A_322 = tpu.memref_slice %arg30[%run_scoped3A_57, %run_scoped3A_58, %mul3A_16] : memref<16x2x10240xf32, #tpu.memory_space<vmem_shared>> -> memref<1x1x640xf32, #tpu.memory_space<vmem_shared>>
      %dma_wait3A_323 = tpu.memref_squeeze %dma_wait3A_322 : memref<1x1x640xf32, #tpu.memory_space<vmem_shared>> -> memref<640xf32, #tpu.memory_space<vmem_shared>>
      %dma_wait3A_324 = tpu.memref_slice %arg30[%run_scoped3A_57, %run_scoped3A_58, %mul3A_16] : memref<16x2x10240xf32, #tpu.memory_space<vmem_shared>> -> memref<1x1x640xf32, #tpu.memory_space<vmem_shared>>
      %dma_wait3A_325 = tpu.memref_squeeze %dma_wait3A_324 : memref<1x1x640xf32, #tpu.memory_space<vmem_shared>> -> memref<640xf32, #tpu.memory_space<vmem_shared>>
      tpu.wait_dma2 semaphore(%run_scoped3A_317 : memref<!tpu.dma_semaphore, #tpu.memory_space<semaphore_mem>>) src(%dma_wait3A_325 : memref<640xf32, #tpu.memory_space<vmem_shared>>) dst(%arg29 : memref<640xf32, #tpu.memory_space<vmem>>)
      tpu.yield
    }) : () -> ()
    %scan3A_59 = arith.constant 0 : i32
    %scan3A_60 = arith.constant 0 : i32
    %scan3A_61 = arith.constant 40 : i32
    %scan3A_62 = arith.addi %scan3A_60, %scan3A_61 : i32
    %scan3A_63 = arith.constant 1 : i32
    scf.for %scan3A_317 = %scan3A_60 to %scan3A_62 step %scan3A_63  : i32 {
      %mul3A_318 = arith.constant 16 : i32
      %mul3A_319 = arith.muli %scan3A_317, %mul3A_318 : i32
      %get3A = arith.index_cast %mul3A_319 : i32 to index
      %get3A_320 = tpu.vector_load %arg27[%get3A] {strides = array<i32>} : memref<640xf32, #tpu.memory_space<vmem>>, vector<16xf32>,
      %get3A_321 = arith.index_cast %mul3A_319 : i32 to index
      %get3A_322 = tpu.vector_load %arg29[%get3A_321] {strides = array<i32>} : memref<640xf32, #tpu.memory_space<vmem>>, vector<16xf32>,
      %add3A_323 = arith.addf %get3A_320, %get3A_322 : vector<16xf32>
      %swap3A = arith.index_cast %mul3A_319 : i32 to index
      %swap3A_324 = tpu.vector_load %arg27[%swap3A] {strides = array<i32>} : memref<640xf32, #tpu.memory_space<vmem>>, vector<16xf32>,
      tpu.vector_store %arg27[%swap3A], %add3A_323 {strides = array<i32>} : memref<640xf32, #tpu.memory_space<vmem>>, vector<16xf32>,
    }
    %scan3A_64 = arith.constant 40 : i32
    %run_scoped3A_65 = arith.constant 6 : i32
    %run_scoped3A_66 = arith.constant 0 : i32
    "tpu.region"() ({
      %run_scoped3A_317 = tpu.sem_alloc : memref<!tpu.dma_semaphore, #tpu.memory_space<semaphore_mem>>
      %dma_start3A_318 = tpu.memref_slice %arg30[%run_scoped3A_65, %run_scoped3A_66, %mul3A_16] : memref<16x2x10240xf32, #tpu.memory_space<vmem_shared>> -> memref<1x1x640xf32, #tpu.memory_space<vmem_shared>>
      %dma_start3A_319 = tpu.memref_squeeze %dma_start3A_318 : memref<1x1x640xf32, #tpu.memory_space<vmem_shared>> -> memref<640xf32, #tpu.memory_space<vmem_shared>>
      %dma_start3A_320 = tpu.memref_slice %arg30[%run_scoped3A_65, %run_scoped3A_66, %mul3A_16] : memref<16x2x10240xf32, #tpu.memory_space<vmem_shared>> -> memref<1x1x640xf32, #tpu.memory_space<vmem_shared>>
      %dma_start3A_321 = tpu.memref_squeeze %dma_start3A_320 : memref<1x1x640xf32, #tpu.memory_space<vmem_shared>> -> memref<640xf32, #tpu.memory_space<vmem_shared>>
      tpu.enqueue_dma source(%dma_start3A_321 : memref<640xf32, #tpu.memory_space<vmem_shared>>) target(%arg29 : memref<640xf32, #tpu.memory_space<vmem>>) target_semaphore(%run_scoped3A_317 : memref<!tpu.dma_semaphore, #tpu.memory_space<semaphore_mem>>)
      %dma_wait3A_322 = tpu.memref_slice %arg30[%run_scoped3A_65, %run_scoped3A_66, %mul3A_16] : memref<16x2x10240xf32, #tpu.memory_space<vmem_shared>> -> memref<1x1x640xf32, #tpu.memory_space<vmem_shared>>
      %dma_wait3A_323 = tpu.memref_squeeze %dma_wait3A_322 : memref<1x1x640xf32, #tpu.memory_space<vmem_shared>> -> memref<640xf32, #tpu.memory_space<vmem_shared>>
      %dma_wait3A_324 = tpu.memref_slice %arg30[%run_scoped3A_65, %run_scoped3A_66, %mul3A_16] : memref<16x2x10240xf32, #tpu.memory_space<vmem_shared>> -> memref<1x1x640xf32, #tpu.memory_space<vmem_shared>>
      %dma_wait3A_325 = tpu.memref_squeeze %dma_wait3A_324 : memref<1x1x640xf32, #tpu.memory_space<vmem_shared>> -> memref<640xf32, #tpu.memory_space<vmem_shared>>
      tpu.wait_dma2 semaphore(%run_scoped3A_317 : memref<!tpu.dma_semaphore, #tpu.memory_space<semaphore_mem>>) src(%dma_wait3A_325 : memref<640xf32, #tpu.memory_space<vmem_shared>>) dst(%arg29 : memref<640xf32, #tpu.memory_space<vmem>>)
      tpu.yield
    }) : () -> ()
    %scan3A_67 = arith.constant 0 : i32
    %scan3A_68 = arith.constant 0 : i32
    %scan3A_69 = arith.constant 40 : i32
    %scan3A_70 = arith.addi %scan3A_68, %scan3A_69 : i32
    %scan3A_71 = arith.constant 1 : i32
    scf.for %scan3A_317 = %scan3A_68 to %scan3A_70 step %scan3A_71  : i32 {
      %mul3A_318 = arith.constant 16 : i32
      %mul3A_319 = arith.muli %scan3A_317, %mul3A_318 : i32
      %get3A = arith.index_cast %mul3A_319 : i32 to index
      %get3A_320 = tpu.vector_load %arg27[%get3A] {strides = array<i32>} : memref<640xf32, #tpu.memory_space<vmem>>, vector<16xf32>,
      %get3A_321 = arith.index_cast %mul3A_319 : i32 to index
      %get3A_322 = tpu.vector_load %arg29[%get3A_321] {strides = array<i32>} : memref<640xf32, #tpu.memory_space<vmem>>, vector<16xf32>,
      %add3A_323 = arith.addf %get3A_320, %get3A_322 : vector<16xf32>
      %swap3A = arith.index_cast %mul3A_319 : i32 to index
      %swap3A_324 = tpu.vector_load %arg27[%swap3A] {strides = array<i32>} : memref<640xf32, #tpu.memory_space<vmem>>, vector<16xf32>,
      tpu.vector_store %arg27[%swap3A], %add3A_323 {strides = array<i32>} : memref<640xf32, #tpu.memory_space<vmem>>, vector<16xf32>,
    }
    %scan3A_72 = arith.constant 40 : i32
    %run_scoped3A_73 = arith.constant 7 : i32
    %run_scoped3A_74 = arith.constant 0 : i32
    "tpu.region"() ({
      %run_scoped3A_317 = tpu.sem_alloc : memref<!tpu.dma_semaphore, #tpu.memory_space<semaphore_mem>>
      %dma_start3A_318 = tpu.memref_slice %arg30[%run_scoped3A_73, %run_scoped3A_74, %mul3A_16] : memref<16x2x10240xf32, #tpu.memory_space<vmem_shared>> -> memref<1x1x640xf32, #tpu.memory_space<vmem_shared>>
      %dma_start3A_319 = tpu.memref_squeeze %dma_start3A_318 : memref<1x1x640xf32, #tpu.memory_space<vmem_shared>> -> memref<640xf32, #tpu.memory_space<vmem_shared>>
      %dma_start3A_320 = tpu.memref_slice %arg30[%run_scoped3A_73, %run_scoped3A_74, %mul3A_16] : memref<16x2x10240xf32, #tpu.memory_space<vmem_shared>> -> memref<1x1x640xf32, #tpu.memory_space<vmem_shared>>
      %dma_start3A_321 = tpu.memref_squeeze %dma_start3A_320 : memref<1x1x640xf32, #tpu.memory_space<vmem_shared>> -> memref<640xf32, #tpu.memory_space<vmem_shared>>
      tpu.enqueue_dma source(%dma_start3A_321 : memref<640xf32, #tpu.memory_space<vmem_shared>>) target(%arg29 : memref<640xf32, #tpu.memory_space<vmem>>) target_semaphore(%run_scoped3A_317 : memref<!tpu.dma_semaphore, #tpu.memory_space<semaphore_mem>>)
      %dma_wait3A_322 = tpu.memref_slice %arg30[%run_scoped3A_73, %run_scoped3A_74, %mul3A_16] : memref<16x2x10240xf32, #tpu.memory_space<vmem_shared>> -> memref<1x1x640xf32, #tpu.memory_space<vmem_shared>>
      %dma_wait3A_323 = tpu.memref_squeeze %dma_wait3A_322 : memref<1x1x640xf32, #tpu.memory_space<vmem_shared>> -> memref<640xf32, #tpu.memory_space<vmem_shared>>
      %dma_wait3A_324 = tpu.memref_slice %arg30[%run_scoped3A_73, %run_scoped3A_74, %mul3A_16] : memref<16x2x10240xf32, #tpu.memory_space<vmem_shared>> -> memref<1x1x640xf32, #tpu.memory_space<vmem_shared>>
      %dma_wait3A_325 = tpu.memref_squeeze %dma_wait3A_324 : memref<1x1x640xf32, #tpu.memory_space<vmem_shared>> -> memref<640xf32, #tpu.memory_space<vmem_shared>>
      tpu.wait_dma2 semaphore(%run_scoped3A_317 : memref<!tpu.dma_semaphore, #tpu.memory_space<semaphore_mem>>) src(%dma_wait3A_325 : memref<640xf32, #tpu.memory_space<vmem_shared>>) dst(%arg29 : memref<640xf32, #tpu.memory_space<vmem>>)
      tpu.yield
    }) : () -> ()
    %scan3A_75 = arith.constant 0 : i32
    %scan3A_76 = arith.constant 0 : i32
    %scan3A_77 = arith.constant 40 : i32
    %scan3A_78 = arith.addi %scan3A_76, %scan3A_77 : i32
    %scan3A_79 = arith.constant 1 : i32
    scf.for %scan3A_317 = %scan3A_76 to %scan3A_78 step %scan3A_79  : i32 {
      %mul3A_318 = arith.constant 16 : i32
      %mul3A_319 = arith.muli %scan3A_317, %mul3A_318 : i32
      %get3A = arith.index_cast %mul3A_319 : i32 to index
      %get3A_320 = tpu.vector_load %arg27[%get3A] {strides = array<i32>} : memref<640xf32, #tpu.memory_space<vmem>>, vector<16xf32>,
      %get3A_321 = arith.index_cast %mul3A_319 : i32 to index
      %get3A_322 = tpu.vector_load %arg29[%get3A_321] {strides = array<i32>} : memref<640xf32, #tpu.memory_space<vmem>>, vector<16xf32>,
      %add3A_323 = arith.addf %get3A_320, %get3A_322 : vector<16xf32>
      %swap3A = arith.index_cast %mul3A_319 : i32 to index
      %swap3A_324 = tpu.vector_load %arg27[%swap3A] {strides = array<i32>} : memref<640xf32, #tpu.memory_space<vmem>>, vector<16xf32>,
      tpu.vector_store %arg27[%swap3A], %add3A_323 {strides = array<i32>} : memref<640xf32, #tpu.memory_space<vmem>>, vector<16xf32>,
    }
    %scan3A_80 = arith.constant 40 : i32
    %run_scoped3A_81 = arith.constant 8 : i32
    %run_scoped3A_82 = arith.constant 0 : i32
    "tpu.region"() ({
      %run_scoped3A_317 = tpu.sem_alloc : memref<!tpu.dma_semaphore, #tpu.memory_space<semaphore_mem>>
      %dma_start3A_318 = tpu.memref_slice %arg30[%run_scoped3A_81, %run_scoped3A_82, %mul3A_16] : memref<16x2x10240xf32, #tpu.memory_space<vmem_shared>> -> memref<1x1x640xf32, #tpu.memory_space<vmem_shared>>
      %dma_start3A_319 = tpu.memref_squeeze %dma_start3A_318 : memref<1x1x640xf32, #tpu.memory_space<vmem_shared>> -> memref<640xf32, #tpu.memory_space<vmem_shared>>
      %dma_start3A_320 = tpu.memref_slice %arg30[%run_scoped3A_81, %run_scoped3A_82, %mul3A_16] : memref<16x2x10240xf32, #tpu.memory_space<vmem_shared>> -> memref<1x1x640xf32, #tpu.memory_space<vmem_shared>>
      %dma_start3A_321 = tpu.memref_squeeze %dma_start3A_320 : memref<1x1x640xf32, #tpu.memory_space<vmem_shared>> -> memref<640xf32, #tpu.memory_space<vmem_shared>>
      tpu.enqueue_dma source(%dma_start3A_321 : memref<640xf32, #tpu.memory_space<vmem_shared>>) target(%arg29 : memref<640xf32, #tpu.memory_space<vmem>>) target_semaphore(%run_scoped3A_317 : memref<!tpu.dma_semaphore, #tpu.memory_space<semaphore_mem>>)
      %dma_wait3A_322 = tpu.memref_slice %arg30[%run_scoped3A_81, %run_scoped3A_82, %mul3A_16] : memref<16x2x10240xf32, #tpu.memory_space<vmem_shared>> -> memref<1x1x640xf32, #tpu.memory_space<vmem_shared>>
      %dma_wait3A_323 = tpu.memref_squeeze %dma_wait3A_322 : memref<1x1x640xf32, #tpu.memory_space<vmem_shared>> -> memref<640xf32, #tpu.memory_space<vmem_shared>>
      %dma_wait3A_324 = tpu.memref_slice %arg30[%run_scoped3A_81, %run_scoped3A_82, %mul3A_16] : memref<16x2x10240xf32, #tpu.memory_space<vmem_shared>> -> memref<1x1x640xf32, #tpu.memory_space<vmem_shared>>
      %dma_wait3A_325 = tpu.memref_squeeze %dma_wait3A_324 : memref<1x1x640xf32, #tpu.memory_space<vmem_shared>> -> memref<640xf32, #tpu.memory_space<vmem_shared>>
      tpu.wait_dma2 semaphore(%run_scoped3A_317 : memref<!tpu.dma_semaphore, #tpu.memory_space<semaphore_mem>>) src(%dma_wait3A_325 : memref<640xf32, #tpu.memory_space<vmem_shared>>) dst(%arg29 : memref<640xf32, #tpu.memory_space<vmem>>)
      tpu.yield
    }) : () -> ()
    %scan3A_83 = arith.constant 0 : i32
    %scan3A_84 = arith.constant 0 : i32
    %scan3A_85 = arith.constant 40 : i32
    %scan3A_86 = arith.addi %scan3A_84, %scan3A_85 : i32
    %scan3A_87 = arith.constant 1 : i32
    scf.for %scan3A_317 = %scan3A_84 to %scan3A_86 step %scan3A_87  : i32 {
      %mul3A_318 = arith.constant 16 : i32
      %mul3A_319 = arith.muli %scan3A_317, %mul3A_318 : i32
      %get3A = arith.index_cast %mul3A_319 : i32 to index
      %get3A_320 = tpu.vector_load %arg27[%get3A] {strides = array<i32>} : memref<640xf32, #tpu.memory_space<vmem>>, vector<16xf32>,
      %get3A_321 = arith.index_cast %mul3A_319 : i32 to index
      %get3A_322 = tpu.vector_load %arg29[%get3A_321] {strides = array<i32>} : memref<640xf32, #tpu.memory_space<vmem>>, vector<16xf32>,
      %add3A_323 = arith.addf %get3A_320, %get3A_322 : vector<16xf32>
      %swap3A = arith.index_cast %mul3A_319 : i32 to index
      %swap3A_324 = tpu.vector_load %arg27[%swap3A] {strides = array<i32>} : memref<640xf32, #tpu.memory_space<vmem>>, vector<16xf32>,
      tpu.vector_store %arg27[%swap3A], %add3A_323 {strides = array<i32>} : memref<640xf32, #tpu.memory_space<vmem>>, vector<16xf32>,
    }
    %scan3A_88 = arith.constant 40 : i32
    %run_scoped3A_89 = arith.constant 9 : i32
    %run_scoped3A_90 = arith.constant 0 : i32
    "tpu.region"() ({
      %run_scoped3A_317 = tpu.sem_alloc : memref<!tpu.dma_semaphore, #tpu.memory_space<semaphore_mem>>
      %dma_start3A_318 = tpu.memref_slice %arg30[%run_scoped3A_89, %run_scoped3A_90, %mul3A_16] : memref<16x2x10240xf32, #tpu.memory_space<vmem_shared>> -> memref<1x1x640xf32, #tpu.memory_space<vmem_shared>>
      %dma_start3A_319 = tpu.memref_squeeze %dma_start3A_318 : memref<1x1x640xf32, #tpu.memory_space<vmem_shared>> -> memref<640xf32, #tpu.memory_space<vmem_shared>>
      %dma_start3A_320 = tpu.memref_slice %arg30[%run_scoped3A_89, %run_scoped3A_90, %mul3A_16] : memref<16x2x10240xf32, #tpu.memory_space<vmem_shared>> -> memref<1x1x640xf32, #tpu.memory_space<vmem_shared>>
      %dma_start3A_321 = tpu.memref_squeeze %dma_start3A_320 : memref<1x1x640xf32, #tpu.memory_space<vmem_shared>> -> memref<640xf32, #tpu.memory_space<vmem_shared>>
      tpu.enqueue_dma source(%dma_start3A_321 : memref<640xf32, #tpu.memory_space<vmem_shared>>) target(%arg29 : memref<640xf32, #tpu.memory_space<vmem>>) target_semaphore(%run_scoped3A_317 : memref<!tpu.dma_semaphore, #tpu.memory_space<semaphore_mem>>)
      %dma_wait3A_322 = tpu.memref_slice %arg30[%run_scoped3A_89, %run_scoped3A_90, %mul3A_16] : memref<16x2x10240xf32, #tpu.memory_space<vmem_shared>> -> memref<1x1x640xf32, #tpu.memory_space<vmem_shared>>
      %dma_wait3A_323 = tpu.memref_squeeze %dma_wait3A_322 : memref<1x1x640xf32, #tpu.memory_space<vmem_shared>> -> memref<640xf32, #tpu.memory_space<vmem_shared>>
      %dma_wait3A_324 = tpu.memref_slice %arg30[%run_scoped3A_89, %run_scoped3A_90, %mul3A_16] : memref<16x2x10240xf32, #tpu.memory_space<vmem_shared>> -> memref<1x1x640xf32, #tpu.memory_space<vmem_shared>>
      %dma_wait3A_325 = tpu.memref_squeeze %dma_wait3A_324 : memref<1x1x640xf32, #tpu.memory_space<vmem_shared>> -> memref<640xf32, #tpu.memory_space<vmem_shared>>
      tpu.wait_dma2 semaphore(%run_scoped3A_317 : memref<!tpu.dma_semaphore, #tpu.memory_space<semaphore_mem>>) src(%dma_wait3A_325 : memref<640xf32, #tpu.memory_space<vmem_shared>>) dst(%arg29 : memref<640xf32, #tpu.memory_space<vmem>>)
      tpu.yield
    }) : () -> ()
    %scan3A_91 = arith.constant 0 : i32
    %scan3A_92 = arith.constant 0 : i32
    %scan3A_93 = arith.constant 40 : i32
    %scan3A_94 = arith.addi %scan3A_92, %scan3A_93 : i32
    %scan3A_95 = arith.constant 1 : i32
    scf.for %scan3A_317 = %scan3A_92 to %scan3A_94 step %scan3A_95  : i32 {
      %mul3A_318 = arith.constant 16 : i32
      %mul3A_319 = arith.muli %scan3A_317, %mul3A_318 : i32
      %get3A = arith.index_cast %mul3A_319 : i32 to index
      %get3A_320 = tpu.vector_load %arg27[%get3A] {strides = array<i32>} : memref<640xf32, #tpu.memory_space<vmem>>, vector<16xf32>,
      %get3A_321 = arith.index_cast %mul3A_319 : i32 to index
      %get3A_322 = tpu.vector_load %arg29[%get3A_321] {strides = array<i32>} : memref<640xf32, #tpu.memory_space<vmem>>, vector<16xf32>,
      %add3A_323 = arith.addf %get3A_320, %get3A_322 : vector<16xf32>
      %swap3A = arith.index_cast %mul3A_319 : i32 to index
      %swap3A_324 = tpu.vector_load %arg27[%swap3A] {strides = array<i32>} : memref<640xf32, #tpu.memory_space<vmem>>, vector<16xf32>,
      tpu.vector_store %arg27[%swap3A], %add3A_323 {strides = array<i32>} : memref<640xf32, #tpu.memory_space<vmem>>, vector<16xf32>,
    }
    %scan3A_96 = arith.constant 40 : i32
    %run_scoped3A_97 = arith.constant 10 : i32
    %run_scoped3A_98 = arith.constant 0 : i32
    "tpu.region"() ({
      %run_scoped3A_317 = tpu.sem_alloc : memref<!tpu.dma_semaphore, #tpu.memory_space<semaphore_mem>>
      %dma_start3A_318 = tpu.memref_slice %arg30[%run_scoped3A_97, %run_scoped3A_98, %mul3A_16] : memref<16x2x10240xf32, #tpu.memory_space<vmem_shared>> -> memref<1x1x640xf32, #tpu.memory_space<vmem_shared>>
      %dma_start3A_319 = tpu.memref_squeeze %dma_start3A_318 : memref<1x1x640xf32, #tpu.memory_space<vmem_shared>> -> memref<640xf32, #tpu.memory_space<vmem_shared>>
      %dma_start3A_320 = tpu.memref_slice %arg30[%run_scoped3A_97, %run_scoped3A_98, %mul3A_16] : memref<16x2x10240xf32, #tpu.memory_space<vmem_shared>> -> memref<1x1x640xf32, #tpu.memory_space<vmem_shared>>
      %dma_start3A_321 = tpu.memref_squeeze %dma_start3A_320 : memref<1x1x640xf32, #tpu.memory_space<vmem_shared>> -> memref<640xf32, #tpu.memory_space<vmem_shared>>
      tpu.enqueue_dma source(%dma_start3A_321 : memref<640xf32, #tpu.memory_space<vmem_shared>>) target(%arg29 : memref<640xf32, #tpu.memory_space<vmem>>) target_semaphore(%run_scoped3A_317 : memref<!tpu.dma_semaphore, #tpu.memory_space<semaphore_mem>>)
      %dma_wait3A_322 = tpu.memref_slice %arg30[%run_scoped3A_97, %run_scoped3A_98, %mul3A_16] : memref<16x2x10240xf32, #tpu.memory_space<vmem_shared>> -> memref<1x1x640xf32, #tpu.memory_space<vmem_shared>>
      %dma_wait3A_323 = tpu.memref_squeeze %dma_wait3A_322 : memref<1x1x640xf32, #tpu.memory_space<vmem_shared>> -> memref<640xf32, #tpu.memory_space<vmem_shared>>
      %dma_wait3A_324 = tpu.memref_slice %arg30[%run_scoped3A_97, %run_scoped3A_98, %mul3A_16] : memref<16x2x10240xf32, #tpu.memory_space<vmem_shared>> -> memref<1x1x640xf32, #tpu.memory_space<vmem_shared>>
      %dma_wait3A_325 = tpu.memref_squeeze %dma_wait3A_324 : memref<1x1x640xf32, #tpu.memory_space<vmem_shared>> -> memref<640xf32, #tpu.memory_space<vmem_shared>>
      tpu.wait_dma2 semaphore(%run_scoped3A_317 : memref<!tpu.dma_semaphore, #tpu.memory_space<semaphore_mem>>) src(%dma_wait3A_325 : memref<640xf32, #tpu.memory_space<vmem_shared>>) dst(%arg29 : memref<640xf32, #tpu.memory_space<vmem>>)
      tpu.yield
    }) : () -> ()
    %scan3A_99 = arith.constant 0 : i32
    %scan3A_100 = arith.constant 0 : i32
    %scan3A_101 = arith.constant 40 : i32
    %scan3A_102 = arith.addi %scan3A_100, %scan3A_101 : i32
    %scan3A_103 = arith.constant 1 : i32
    scf.for %scan3A_317 = %scan3A_100 to %scan3A_102 step %scan3A_103  : i32 {
      %mul3A_318 = arith.constant 16 : i32
      %mul3A_319 = arith.muli %scan3A_317, %mul3A_318 : i32
      %get3A = arith.index_cast %mul3A_319 : i32 to index
      %get3A_320 = tpu.vector_load %arg27[%get3A] {strides = array<i32>} : memref<640xf32, #tpu.memory_space<vmem>>, vector<16xf32>,
      %get3A_321 = arith.index_cast %mul3A_319 : i32 to index
      %get3A_322 = tpu.vector_load %arg29[%get3A_321] {strides = array<i32>} : memref<640xf32, #tpu.memory_space<vmem>>, vector<16xf32>,
      %add3A_323 = arith.addf %get3A_320, %get3A_322 : vector<16xf32>
      %swap3A = arith.index_cast %mul3A_319 : i32 to index
      %swap3A_324 = tpu.vector_load %arg27[%swap3A] {strides = array<i32>} : memref<640xf32, #tpu.memory_space<vmem>>, vector<16xf32>,
      tpu.vector_store %arg27[%swap3A], %add3A_323 {strides = array<i32>} : memref<640xf32, #tpu.memory_space<vmem>>, vector<16xf32>,
    }
    %scan3A_104 = arith.constant 40 : i32
    %run_scoped3A_105 = arith.constant 11 : i32
    %run_scoped3A_106 = arith.constant 0 : i32
    "tpu.region"() ({
      %run_scoped3A_317 = tpu.sem_alloc : memref<!tpu.dma_semaphore, #tpu.memory_space<semaphore_mem>>
      %dma_start3A_318 = tpu.memref_slice %arg30[%run_scoped3A_105, %run_scoped3A_106, %mul3A_16] : memref<16x2x10240xf32, #tpu.memory_space<vmem_shared>> -> memref<1x1x640xf32, #tpu.memory_space<vmem_shared>>
      %dma_start3A_319 = tpu.memref_squeeze %dma_start3A_318 : memref<1x1x640xf32, #tpu.memory_space<vmem_shared>> -> memref<640xf32, #tpu.memory_space<vmem_shared>>
      %dma_start3A_320 = tpu.memref_slice %arg30[%run_scoped3A_105, %run_scoped3A_106, %mul3A_16] : memref<16x2x10240xf32, #tpu.memory_space<vmem_shared>> -> memref<1x1x640xf32, #tpu.memory_space<vmem_shared>>
      %dma_start3A_321 = tpu.memref_squeeze %dma_start3A_320 : memref<1x1x640xf32, #tpu.memory_space<vmem_shared>> -> memref<640xf32, #tpu.memory_space<vmem_shared>>
      tpu.enqueue_dma source(%dma_start3A_321 : memref<640xf32, #tpu.memory_space<vmem_shared>>) target(%arg29 : memref<640xf32, #tpu.memory_space<vmem>>) target_semaphore(%run_scoped3A_317 : memref<!tpu.dma_semaphore, #tpu.memory_space<semaphore_mem>>)
      %dma_wait3A_322 = tpu.memref_slice %arg30[%run_scoped3A_105, %run_scoped3A_106, %mul3A_16] : memref<16x2x10240xf32, #tpu.memory_space<vmem_shared>> -> memref<1x1x640xf32, #tpu.memory_space<vmem_shared>>
      %dma_wait3A_323 = tpu.memref_squeeze %dma_wait3A_322 : memref<1x1x640xf32, #tpu.memory_space<vmem_shared>> -> memref<640xf32, #tpu.memory_space<vmem_shared>>
      %dma_wait3A_324 = tpu.memref_slice %arg30[%run_scoped3A_105, %run_scoped3A_106, %mul3A_16] : memref<16x2x10240xf32, #tpu.memory_space<vmem_shared>> -> memref<1x1x640xf32, #tpu.memory_space<vmem_shared>>
      %dma_wait3A_325 = tpu.memref_squeeze %dma_wait3A_324 : memref<1x1x640xf32, #tpu.memory_space<vmem_shared>> -> memref<640xf32, #tpu.memory_space<vmem_shared>>
      tpu.wait_dma2 semaphore(%run_scoped3A_317 : memref<!tpu.dma_semaphore, #tpu.memory_space<semaphore_mem>>) src(%dma_wait3A_325 : memref<640xf32, #tpu.memory_space<vmem_shared>>) dst(%arg29 : memref<640xf32, #tpu.memory_space<vmem>>)
      tpu.yield
    }) : () -> ()
    %scan3A_107 = arith.constant 0 : i32
    %scan3A_108 = arith.constant 0 : i32
    %scan3A_109 = arith.constant 40 : i32
    %scan3A_110 = arith.addi %scan3A_108, %scan3A_109 : i32
    %scan3A_111 = arith.constant 1 : i32
    scf.for %scan3A_317 = %scan3A_108 to %scan3A_110 step %scan3A_111  : i32 {
      %mul3A_318 = arith.constant 16 : i32
      %mul3A_319 = arith.muli %scan3A_317, %mul3A_318 : i32
      %get3A = arith.index_cast %mul3A_319 : i32 to index
      %get3A_320 = tpu.vector_load %arg27[%get3A] {strides = array<i32>} : memref<640xf32, #tpu.memory_space<vmem>>, vector<16xf32>,
      %get3A_321 = arith.index_cast %mul3A_319 : i32 to index
      %get3A_322 = tpu.vector_load %arg29[%get3A_321] {strides = array<i32>} : memref<640xf32, #tpu.memory_space<vmem>>, vector<16xf32>,
      %add3A_323 = arith.addf %get3A_320, %get3A_322 : vector<16xf32>
      %swap3A = arith.index_cast %mul3A_319 : i32 to index
      %swap3A_324 = tpu.vector_load %arg27[%swap3A] {strides = array<i32>} : memref<640xf32, #tpu.memory_space<vmem>>, vector<16xf32>,
      tpu.vector_store %arg27[%swap3A], %add3A_323 {strides = array<i32>} : memref<640xf32, #tpu.memory_space<vmem>>, vector<16xf32>,
    }
    %scan3A_112 = arith.constant 40 : i32
    %run_scoped3A_113 = arith.constant 12 : i32
    %run_scoped3A_114 = arith.constant 0 : i32
    "tpu.region"() ({
      %run_scoped3A_317 = tpu.sem_alloc : memref<!tpu.dma_semaphore, #tpu.memory_space<semaphore_mem>>
      %dma_start3A_318 = tpu.memref_slice %arg30[%run_scoped3A_113, %run_scoped3A_114, %mul3A_16] : memref<16x2x10240xf32, #tpu.memory_space<vmem_shared>> -> memref<1x1x640xf32, #tpu.memory_space<vmem_shared>>
      %dma_start3A_319 = tpu.memref_squeeze %dma_start3A_318 : memref<1x1x640xf32, #tpu.memory_space<vmem_shared>> -> memref<640xf32, #tpu.memory_space<vmem_shared>>
      %dma_start3A_320 = tpu.memref_slice %arg30[%run_scoped3A_113, %run_scoped3A_114, %mul3A_16] : memref<16x2x10240xf32, #tpu.memory_space<vmem_shared>> -> memref<1x1x640xf32, #tpu.memory_space<vmem_shared>>
      %dma_start3A_321 = tpu.memref_squeeze %dma_start3A_320 : memref<1x1x640xf32, #tpu.memory_space<vmem_shared>> -> memref<640xf32, #tpu.memory_space<vmem_shared>>
      tpu.enqueue_dma source(%dma_start3A_321 : memref<640xf32, #tpu.memory_space<vmem_shared>>) target(%arg29 : memref<640xf32, #tpu.memory_space<vmem>>) target_semaphore(%run_scoped3A_317 : memref<!tpu.dma_semaphore, #tpu.memory_space<semaphore_mem>>)
      %dma_wait3A_322 = tpu.memref_slice %arg30[%run_scoped3A_113, %run_scoped3A_114, %mul3A_16] : memref<16x2x10240xf32, #tpu.memory_space<vmem_shared>> -> memref<1x1x640xf32, #tpu.memory_space<vmem_shared>>
      %dma_wait3A_323 = tpu.memref_squeeze %dma_wait3A_322 : memref<1x1x640xf32, #tpu.memory_space<vmem_shared>> -> memref<640xf32, #tpu.memory_space<vmem_shared>>
      %dma_wait3A_324 = tpu.memref_slice %arg30[%run_scoped3A_113, %run_scoped3A_114, %mul3A_16] : memref<16x2x10240xf32, #tpu.memory_space<vmem_shared>> -> memref<1x1x640xf32, #tpu.memory_space<vmem_shared>>
      %dma_wait3A_325 = tpu.memref_squeeze %dma_wait3A_324 : memref<1x1x640xf32, #tpu.memory_space<vmem_shared>> -> memref<640xf32, #tpu.memory_space<vmem_shared>>
      tpu.wait_dma2 semaphore(%run_scoped3A_317 : memref<!tpu.dma_semaphore, #tpu.memory_space<semaphore_mem>>) src(%dma_wait3A_325 : memref<640xf32, #tpu.memory_space<vmem_shared>>) dst(%arg29 : memref<640xf32, #tpu.memory_space<vmem>>)
      tpu.yield
    }) : () -> ()
    %scan3A_115 = arith.constant 0 : i32
    %scan3A_116 = arith.constant 0 : i32
    %scan3A_117 = arith.constant 40 : i32
    %scan3A_118 = arith.addi %scan3A_116, %scan3A_117 : i32
    %scan3A_119 = arith.constant 1 : i32
    scf.for %scan3A_317 = %scan3A_116 to %scan3A_118 step %scan3A_119  : i32 {
      %mul3A_318 = arith.constant 16 : i32
      %mul3A_319 = arith.muli %scan3A_317, %mul3A_318 : i32
      %get3A = arith.index_cast %mul3A_319 : i32 to index
      %get3A_320 = tpu.vector_load %arg27[%get3A] {strides = array<i32>} : memref<640xf32, #tpu.memory_space<vmem>>, vector<16xf32>,
      %get3A_321 = arith.index_cast %mul3A_319 : i32 to index
      %get3A_322 = tpu.vector_load %arg29[%get3A_321] {strides = array<i32>} : memref<640xf32, #tpu.memory_space<vmem>>, vector<16xf32>,
      %add3A_323 = arith.addf %get3A_320, %get3A_322 : vector<16xf32>
      %swap3A = arith.index_cast %mul3A_319 : i32 to index
      %swap3A_324 = tpu.vector_load %arg27[%swap3A] {strides = array<i32>} : memref<640xf32, #tpu.memory_space<vmem>>, vector<16xf32>,
      tpu.vector_store %arg27[%swap3A], %add3A_323 {strides = array<i32>} : memref<640xf32, #tpu.memory_space<vmem>>, vector<16xf32>,
    }
    %scan3A_120 = arith.constant 40 : i32
    %run_scoped3A_121 = arith.constant 13 : i32
    %run_scoped3A_122 = arith.constant 0 : i32
    "tpu.region"() ({
      %run_scoped3A_317 = tpu.sem_alloc : memref<!tpu.dma_semaphore, #tpu.memory_space<semaphore_mem>>
      %dma_start3A_318 = tpu.memref_slice %arg30[%run_scoped3A_121, %run_scoped3A_122, %mul3A_16] : memref<16x2x10240xf32, #tpu.memory_space<vmem_shared>> -> memref<1x1x640xf32, #tpu.memory_space<vmem_shared>>
      %dma_start3A_319 = tpu.memref_squeeze %dma_start3A_318 : memref<1x1x640xf32, #tpu.memory_space<vmem_shared>> -> memref<640xf32, #tpu.memory_space<vmem_shared>>
      %dma_start3A_320 = tpu.memref_slice %arg30[%run_scoped3A_121, %run_scoped3A_122, %mul3A_16] : memref<16x2x10240xf32, #tpu.memory_space<vmem_shared>> -> memref<1x1x640xf32, #tpu.memory_space<vmem_shared>>
      %dma_start3A_321 = tpu.memref_squeeze %dma_start3A_320 : memref<1x1x640xf32, #tpu.memory_space<vmem_shared>> -> memref<640xf32, #tpu.memory_space<vmem_shared>>
      tpu.enqueue_dma source(%dma_start3A_321 : memref<640xf32, #tpu.memory_space<vmem_shared>>) target(%arg29 : memref<640xf32, #tpu.memory_space<vmem>>) target_semaphore(%run_scoped3A_317 : memref<!tpu.dma_semaphore, #tpu.memory_space<semaphore_mem>>)
      %dma_wait3A_322 = tpu.memref_slice %arg30[%run_scoped3A_121, %run_scoped3A_122, %mul3A_16] : memref<16x2x10240xf32, #tpu.memory_space<vmem_shared>> -> memref<1x1x640xf32, #tpu.memory_space<vmem_shared>>
      %dma_wait3A_323 = tpu.memref_squeeze %dma_wait3A_322 : memref<1x1x640xf32, #tpu.memory_space<vmem_shared>> -> memref<640xf32, #tpu.memory_space<vmem_shared>>
      %dma_wait3A_324 = tpu.memref_slice %arg30[%run_scoped3A_121, %run_scoped3A_122, %mul3A_16] : memref<16x2x10240xf32, #tpu.memory_space<vmem_shared>> -> memref<1x1x640xf32, #tpu.memory_space<vmem_shared>>
      %dma_wait3A_325 = tpu.memref_squeeze %dma_wait3A_324 : memref<1x1x640xf32, #tpu.memory_space<vmem_shared>> -> memref<640xf32, #tpu.memory_space<vmem_shared>>
      tpu.wait_dma2 semaphore(%run_scoped3A_317 : memref<!tpu.dma_semaphore, #tpu.memory_space<semaphore_mem>>) src(%dma_wait3A_325 : memref<640xf32, #tpu.memory_space<vmem_shared>>) dst(%arg29 : memref<640xf32, #tpu.memory_space<vmem>>)
      tpu.yield
    }) : () -> ()
    %scan3A_123 = arith.constant 0 : i32
    %scan3A_124 = arith.constant 0 : i32
    %scan3A_125 = arith.constant 40 : i32
    %scan3A_126 = arith.addi %scan3A_124, %scan3A_125 : i32
    %scan3A_127 = arith.constant 1 : i32
    scf.for %scan3A_317 = %scan3A_124 to %scan3A_126 step %scan3A_127  : i32 {
      %mul3A_318 = arith.constant 16 : i32
      %mul3A_319 = arith.muli %scan3A_317, %mul3A_318 : i32
      %get3A = arith.index_cast %mul3A_319 : i32 to index
      %get3A_320 = tpu.vector_load %arg27[%get3A] {strides = array<i32>} : memref<640xf32, #tpu.memory_space<vmem>>, vector<16xf32>,
      %get3A_321 = arith.index_cast %mul3A_319 : i32 to index
      %get3A_322 = tpu.vector_load %arg29[%get3A_321] {strides = array<i32>} : memref<640xf32, #tpu.memory_space<vmem>>, vector<16xf32>,
      %add3A_323 = arith.addf %get3A_320, %get3A_322 : vector<16xf32>
      %swap3A = arith.index_cast %mul3A_319 : i32 to index
      %swap3A_324 = tpu.vector_load %arg27[%swap3A] {strides = array<i32>} : memref<640xf32, #tpu.memory_space<vmem>>, vector<16xf32>,
      tpu.vector_store %arg27[%swap3A], %add3A_323 {strides = array<i32>} : memref<640xf32, #tpu.memory_space<vmem>>, vector<16xf32>,
    }
    %scan3A_128 = arith.constant 40 : i32
    %run_scoped3A_129 = arith.constant 14 : i32
    %run_scoped3A_130 = arith.constant 0 : i32
    "tpu.region"() ({
      %run_scoped3A_317 = tpu.sem_alloc : memref<!tpu.dma_semaphore, #tpu.memory_space<semaphore_mem>>
      %dma_start3A_318 = tpu.memref_slice %arg30[%run_scoped3A_129, %run_scoped3A_130, %mul3A_16] : memref<16x2x10240xf32, #tpu.memory_space<vmem_shared>> -> memref<1x1x640xf32, #tpu.memory_space<vmem_shared>>
      %dma_start3A_319 = tpu.memref_squeeze %dma_start3A_318 : memref<1x1x640xf32, #tpu.memory_space<vmem_shared>> -> memref<640xf32, #tpu.memory_space<vmem_shared>>
      %dma_start3A_320 = tpu.memref_slice %arg30[%run_scoped3A_129, %run_scoped3A_130, %mul3A_16] : memref<16x2x10240xf32, #tpu.memory_space<vmem_shared>> -> memref<1x1x640xf32, #tpu.memory_space<vmem_shared>>
      %dma_start3A_321 = tpu.memref_squeeze %dma_start3A_320 : memref<1x1x640xf32, #tpu.memory_space<vmem_shared>> -> memref<640xf32, #tpu.memory_space<vmem_shared>>
      tpu.enqueue_dma source(%dma_start3A_321 : memref<640xf32, #tpu.memory_space<vmem_shared>>) target(%arg29 : memref<640xf32, #tpu.memory_space<vmem>>) target_semaphore(%run_scoped3A_317 : memref<!tpu.dma_semaphore, #tpu.memory_space<semaphore_mem>>)
      %dma_wait3A_322 = tpu.memref_slice %arg30[%run_scoped3A_129, %run_scoped3A_130, %mul3A_16] : memref<16x2x10240xf32, #tpu.memory_space<vmem_shared>> -> memref<1x1x640xf32, #tpu.memory_space<vmem_shared>>
      %dma_wait3A_323 = tpu.memref_squeeze %dma_wait3A_322 : memref<1x1x640xf32, #tpu.memory_space<vmem_shared>> -> memref<640xf32, #tpu.memory_space<vmem_shared>>
      %dma_wait3A_324 = tpu.memref_slice %arg30[%run_scoped3A_129, %run_scoped3A_130, %mul3A_16] : memref<16x2x10240xf32, #tpu.memory_space<vmem_shared>> -> memref<1x1x640xf32, #tpu.memory_space<vmem_shared>>
      %dma_wait3A_325 = tpu.memref_squeeze %dma_wait3A_324 : memref<1x1x640xf32, #tpu.memory_space<vmem_shared>> -> memref<640xf32, #tpu.memory_space<vmem_shared>>
      tpu.wait_dma2 semaphore(%run_scoped3A_317 : memref<!tpu.dma_semaphore, #tpu.memory_space<semaphore_mem>>) src(%dma_wait3A_325 : memref<640xf32, #tpu.memory_space<vmem_shared>>) dst(%arg29 : memref<640xf32, #tpu.memory_space<vmem>>)
      tpu.yield
    }) : () -> ()
    %scan3A_131 = arith.constant 0 : i32
    %scan3A_132 = arith.constant 0 : i32
    %scan3A_133 = arith.constant 40 : i32
    %scan3A_134 = arith.addi %scan3A_132, %scan3A_133 : i32
    %scan3A_135 = arith.constant 1 : i32
    scf.for %scan3A_317 = %scan3A_132 to %scan3A_134 step %scan3A_135  : i32 {
      %mul3A_318 = arith.constant 16 : i32
      %mul3A_319 = arith.muli %scan3A_317, %mul3A_318 : i32
      %get3A = arith.index_cast %mul3A_319 : i32 to index
      %get3A_320 = tpu.vector_load %arg27[%get3A] {strides = array<i32>} : memref<640xf32, #tpu.memory_space<vmem>>, vector<16xf32>,
      %get3A_321 = arith.index_cast %mul3A_319 : i32 to index
      %get3A_322 = tpu.vector_load %arg29[%get3A_321] {strides = array<i32>} : memref<640xf32, #tpu.memory_space<vmem>>, vector<16xf32>,
      %add3A_323 = arith.addf %get3A_320, %get3A_322 : vector<16xf32>
      %swap3A = arith.index_cast %mul3A_319 : i32 to index
      %swap3A_324 = tpu.vector_load %arg27[%swap3A] {strides = array<i32>} : memref<640xf32, #tpu.memory_space<vmem>>, vector<16xf32>,
      tpu.vector_store %arg27[%swap3A], %add3A_323 {strides = array<i32>} : memref<640xf32, #tpu.memory_space<vmem>>, vector<16xf32>,
    }
    %scan3A_136 = arith.constant 40 : i32
    %run_scoped3A_137 = arith.constant 15 : i32
    %run_scoped3A_138 = arith.constant 0 : i32
    "tpu.region"() ({
      %run_scoped3A_317 = tpu.sem_alloc : memref<!tpu.dma_semaphore, #tpu.memory_space<semaphore_mem>>
      %dma_start3A_318 = tpu.memref_slice %arg30[%run_scoped3A_137, %run_scoped3A_138, %mul3A_16] : memref<16x2x10240xf32, #tpu.memory_space<vmem_shared>> -> memref<1x1x640xf32, #tpu.memory_space<vmem_shared>>
      %dma_start3A_319 = tpu.memref_squeeze %dma_start3A_318 : memref<1x1x640xf32, #tpu.memory_space<vmem_shared>> -> memref<640xf32, #tpu.memory_space<vmem_shared>>
      %dma_start3A_320 = tpu.memref_slice %arg30[%run_scoped3A_137, %run_scoped3A_138, %mul3A_16] : memref<16x2x10240xf32, #tpu.memory_space<vmem_shared>> -> memref<1x1x640xf32, #tpu.memory_space<vmem_shared>>
      %dma_start3A_321 = tpu.memref_squeeze %dma_start3A_320 : memref<1x1x640xf32, #tpu.memory_space<vmem_shared>> -> memref<640xf32, #tpu.memory_space<vmem_shared>>
      tpu.enqueue_dma source(%dma_start3A_321 : memref<640xf32, #tpu.memory_space<vmem_shared>>) target(%arg29 : memref<640xf32, #tpu.memory_space<vmem>>) target_semaphore(%run_scoped3A_317 : memref<!tpu.dma_semaphore, #tpu.memory_space<semaphore_mem>>)
      %dma_wait3A_322 = tpu.memref_slice %arg30[%run_scoped3A_137, %run_scoped3A_138, %mul3A_16] : memref<16x2x10240xf32, #tpu.memory_space<vmem_shared>> -> memref<1x1x640xf32, #tpu.memory_space<vmem_shared>>
      %dma_wait3A_323 = tpu.memref_squeeze %dma_wait3A_322 : memref<1x1x640xf32, #tpu.memory_space<vmem_shared>> -> memref<640xf32, #tpu.memory_space<vmem_shared>>
      %dma_wait3A_324 = tpu.memref_slice %arg30[%run_scoped3A_137, %run_scoped3A_138, %mul3A_16] : memref<16x2x10240xf32, #tpu.memory_space<vmem_shared>> -> memref<1x1x640xf32, #tpu.memory_space<vmem_shared>>
      %dma_wait3A_325 = tpu.memref_squeeze %dma_wait3A_324 : memref<1x1x640xf32, #tpu.memory_space<vmem_shared>> -> memref<640xf32, #tpu.memory_space<vmem_shared>>
      tpu.wait_dma2 semaphore(%run_scoped3A_317 : memref<!tpu.dma_semaphore, #tpu.memory_space<semaphore_mem>>) src(%dma_wait3A_325 : memref<640xf32, #tpu.memory_space<vmem_shared>>) dst(%arg29 : memref<640xf32, #tpu.memory_space<vmem>>)
      tpu.yield
    }) : () -> ()
    %scan3A_139 = arith.constant 0 : i32
    %scan3A_140 = arith.constant 0 : i32
    %scan3A_141 = arith.constant 40 : i32
    %scan3A_142 = arith.addi %scan3A_140, %scan3A_141 : i32
    %scan3A_143 = arith.constant 1 : i32
    scf.for %scan3A_317 = %scan3A_140 to %scan3A_142 step %scan3A_143  : i32 {
      %mul3A_318 = arith.constant 16 : i32
      %mul3A_319 = arith.muli %scan3A_317, %mul3A_318 : i32
      %get3A = arith.index_cast %mul3A_319 : i32 to index
      %get3A_320 = tpu.vector_load %arg27[%get3A] {strides = array<i32>} : memref<640xf32, #tpu.memory_space<vmem>>, vector<16xf32>,
      %get3A_321 = arith.index_cast %mul3A_319 : i32 to index
      %get3A_322 = tpu.vector_load %arg29[%get3A_321] {strides = array<i32>} : memref<640xf32, #tpu.memory_space<vmem>>, vector<16xf32>,
      %add3A_323 = arith.addf %get3A_320, %get3A_322 : vector<16xf32>
      %swap3A = arith.index_cast %mul3A_319 : i32 to index
      %swap3A_324 = tpu.vector_load %arg27[%swap3A] {strides = array<i32>} : memref<640xf32, #tpu.memory_space<vmem>>, vector<16xf32>,
      tpu.vector_store %arg27[%swap3A], %add3A_323 {strides = array<i32>} : memref<640xf32, #tpu.memory_space<vmem>>, vector<16xf32>,
    }
    %scan3A_144 = arith.constant 40 : i32
    %run_scoped3A_145 = arith.constant 0 : i32
    %run_scoped3A_146 = arith.constant 1 : i32
    "tpu.region"() ({
      %run_scoped3A_317 = tpu.sem_alloc : memref<!tpu.dma_semaphore, #tpu.memory_space<semaphore_mem>>
      %dma_start3A_318 = tpu.memref_slice %arg30[%run_scoped3A_145, %run_scoped3A_146, %mul3A_16] : memref<16x2x10240xf32, #tpu.memory_space<vmem_shared>> -> memref<1x1x640xf32, #tpu.memory_space<vmem_shared>>
      %dma_start3A_319 = tpu.memref_squeeze %dma_start3A_318 : memref<1x1x640xf32, #tpu.memory_space<vmem_shared>> -> memref<640xf32, #tpu.memory_space<vmem_shared>>
      %dma_start3A_320 = tpu.memref_slice %arg30[%run_scoped3A_145, %run_scoped3A_146, %mul3A_16] : memref<16x2x10240xf32, #tpu.memory_space<vmem_shared>> -> memref<1x1x640xf32, #tpu.memory_space<vmem_shared>>
      %dma_start3A_321 = tpu.memref_squeeze %dma_start3A_320 : memref<1x1x640xf32, #tpu.memory_space<vmem_shared>> -> memref<640xf32, #tpu.memory_space<vmem_shared>>
      tpu.enqueue_dma source(%dma_start3A_321 : memref<640xf32, #tpu.memory_space<vmem_shared>>) target(%arg29 : memref<640xf32, #tpu.memory_space<vmem>>) target_semaphore(%run_scoped3A_317 : memref<!tpu.dma_semaphore, #tpu.memory_space<semaphore_mem>>)
      %dma_wait3A_322 = tpu.memref_slice %arg30[%run_scoped3A_145, %run_scoped3A_146, %mul3A_16] : memref<16x2x10240xf32, #tpu.memory_space<vmem_shared>> -> memref<1x1x640xf32, #tpu.memory_space<vmem_shared>>
      %dma_wait3A_323 = tpu.memref_squeeze %dma_wait3A_322 : memref<1x1x640xf32, #tpu.memory_space<vmem_shared>> -> memref<640xf32, #tpu.memory_space<vmem_shared>>
      %dma_wait3A_324 = tpu.memref_slice %arg30[%run_scoped3A_145, %run_scoped3A_146, %mul3A_16] : memref<16x2x10240xf32, #tpu.memory_space<vmem_shared>> -> memref<1x1x640xf32, #tpu.memory_space<vmem_shared>>
      %dma_wait3A_325 = tpu.memref_squeeze %dma_wait3A_324 : memref<1x1x640xf32, #tpu.memory_space<vmem_shared>> -> memref<640xf32, #tpu.memory_space<vmem_shared>>
      tpu.wait_dma2 semaphore(%run_scoped3A_317 : memref<!tpu.dma_semaphore, #tpu.memory_space<semaphore_mem>>) src(%dma_wait3A_325 : memref<640xf32, #tpu.memory_space<vmem_shared>>) dst(%arg29 : memref<640xf32, #tpu.memory_space<vmem>>)
      tpu.yield
    }) : () -> ()
    %scan3A_147 = arith.constant 0 : i32
    %scan3A_148 = arith.constant 0 : i32
    %scan3A_149 = arith.constant 40 : i32
    %scan3A_150 = arith.addi %scan3A_148, %scan3A_149 : i32
    %scan3A_151 = arith.constant 1 : i32
    scf.for %scan3A_317 = %scan3A_148 to %scan3A_150 step %scan3A_151  : i32 {
      %mul3A_318 = arith.constant 16 : i32
      %mul3A_319 = arith.muli %scan3A_317, %mul3A_318 : i32
      %get3A = arith.index_cast %mul3A_319 : i32 to index
      %get3A_320 = tpu.vector_load %arg29[%get3A] {strides = array<i32>} : memref<640xf32, #tpu.memory_space<vmem>>, vector<16xf32>,
      %swap3A = arith.index_cast %mul3A_319 : i32 to index
      %swap3A_321 = tpu.vector_load %arg28[%swap3A] {strides = array<i32>} : memref<640xf32, #tpu.memory_space<vmem>>, vector<16xf32>,
      tpu.vector_store %arg28[%swap3A], %get3A_320 {strides = array<i32>} : memref<640xf32, #tpu.memory_space<vmem>>, vector<16xf32>,
    }
    %scan3A_152 = arith.constant 40 : i32
    %run_scoped3A_153 = arith.constant 1 : i32
    %run_scoped3A_154 = arith.constant 1 : i32
    "tpu.region"() ({
      %run_scoped3A_317 = tpu.sem_alloc : memref<!tpu.dma_semaphore, #tpu.memory_space<semaphore_mem>>
      %dma_start3A_318 = tpu.memref_slice %arg30[%run_scoped3A_153, %run_scoped3A_154, %mul3A_16] : memref<16x2x10240xf32, #tpu.memory_space<vmem_shared>> -> memref<1x1x640xf32, #tpu.memory_space<vmem_shared>>
      %dma_start3A_319 = tpu.memref_squeeze %dma_start3A_318 : memref<1x1x640xf32, #tpu.memory_space<vmem_shared>> -> memref<640xf32, #tpu.memory_space<vmem_shared>>
      %dma_start3A_320 = tpu.memref_slice %arg30[%run_scoped3A_153, %run_scoped3A_154, %mul3A_16] : memref<16x2x10240xf32, #tpu.memory_space<vmem_shared>> -> memref<1x1x640xf32, #tpu.memory_space<vmem_shared>>
      %dma_start3A_321 = tpu.memref_squeeze %dma_start3A_320 : memref<1x1x640xf32, #tpu.memory_space<vmem_shared>> -> memref<640xf32, #tpu.memory_space<vmem_shared>>
      tpu.enqueue_dma source(%dma_start3A_321 : memref<640xf32, #tpu.memory_space<vmem_shared>>) target(%arg29 : memref<640xf32, #tpu.memory_space<vmem>>) target_semaphore(%run_scoped3A_317 : memref<!tpu.dma_semaphore, #tpu.memory_space<semaphore_mem>>)
      %dma_wait3A_322 = tpu.memref_slice %arg30[%run_scoped3A_153, %run_scoped3A_154, %mul3A_16] : memref<16x2x10240xf32, #tpu.memory_space<vmem_shared>> -> memref<1x1x640xf32, #tpu.memory_space<vmem_shared>>
      %dma_wait3A_323 = tpu.memref_squeeze %dma_wait3A_322 : memref<1x1x640xf32, #tpu.memory_space<vmem_shared>> -> memref<640xf32, #tpu.memory_space<vmem_shared>>
      %dma_wait3A_324 = tpu.memref_slice %arg30[%run_scoped3A_153, %run_scoped3A_154, %mul3A_16] : memref<16x2x10240xf32, #tpu.memory_space<vmem_shared>> -> memref<1x1x640xf32, #tpu.memory_space<vmem_shared>>
      %dma_wait3A_325 = tpu.memref_squeeze %dma_wait3A_324 : memref<1x1x640xf32, #tpu.memory_space<vmem_shared>> -> memref<640xf32, #tpu.memory_space<vmem_shared>>
      tpu.wait_dma2 semaphore(%run_scoped3A_317 : memref<!tpu.dma_semaphore, #tpu.memory_space<semaphore_mem>>) src(%dma_wait3A_325 : memref<640xf32, #tpu.memory_space<vmem_shared>>) dst(%arg29 : memref<640xf32, #tpu.memory_space<vmem>>)
      tpu.yield
    }) : () -> ()
    %scan3A_155 = arith.constant 0 : i32
    %scan3A_156 = arith.constant 0 : i32
    %scan3A_157 = arith.constant 40 : i32
    %scan3A_158 = arith.addi %scan3A_156, %scan3A_157 : i32
    %scan3A_159 = arith.constant 1 : i32
    scf.for %scan3A_317 = %scan3A_156 to %scan3A_158 step %scan3A_159  : i32 {
      %mul3A_318 = arith.constant 16 : i32
      %mul3A_319 = arith.muli %scan3A_317, %mul3A_318 : i32
      %get3A = arith.index_cast %mul3A_319 : i32 to index
      %get3A_320 = tpu.vector_load %arg28[%get3A] {strides = array<i32>} : memref<640xf32, #tpu.memory_space<vmem>>, vector<16xf32>,
      %get3A_321 = arith.index_cast %mul3A_319 : i32 to index
      %get3A_322 = tpu.vector_load %arg29[%get3A_321] {strides = array<i32>} : memref<640xf32, #tpu.memory_space<vmem>>, vector<16xf32>,
      %add3A_323 = arith.addf %get3A_320, %get3A_322 : vector<16xf32>
      %swap3A = arith.index_cast %mul3A_319 : i32 to index
      %swap3A_324 = tpu.vector_load %arg28[%swap3A] {strides = array<i32>} : memref<640xf32, #tpu.memory_space<vmem>>, vector<16xf32>,
      tpu.vector_store %arg28[%swap3A], %add3A_323 {strides = array<i32>} : memref<640xf32, #tpu.memory_space<vmem>>, vector<16xf32>,
    }
    %scan3A_160 = arith.constant 40 : i32
    %run_scoped3A_161 = arith.constant 2 : i32
    %run_scoped3A_162 = arith.constant 1 : i32
    "tpu.region"() ({
      %run_scoped3A_317 = tpu.sem_alloc : memref<!tpu.dma_semaphore, #tpu.memory_space<semaphore_mem>>
      %dma_start3A_318 = tpu.memref_slice %arg30[%run_scoped3A_161, %run_scoped3A_162, %mul3A_16] : memref<16x2x10240xf32, #tpu.memory_space<vmem_shared>> -> memref<1x1x640xf32, #tpu.memory_space<vmem_shared>>
      %dma_start3A_319 = tpu.memref_squeeze %dma_start3A_318 : memref<1x1x640xf32, #tpu.memory_space<vmem_shared>> -> memref<640xf32, #tpu.memory_space<vmem_shared>>
      %dma_start3A_320 = tpu.memref_slice %arg30[%run_scoped3A_161, %run_scoped3A_162, %mul3A_16] : memref<16x2x10240xf32, #tpu.memory_space<vmem_shared>> -> memref<1x1x640xf32, #tpu.memory_space<vmem_shared>>
      %dma_start3A_321 = tpu.memref_squeeze %dma_start3A_320 : memref<1x1x640xf32, #tpu.memory_space<vmem_shared>> -> memref<640xf32, #tpu.memory_space<vmem_shared>>
      tpu.enqueue_dma source(%dma_start3A_321 : memref<640xf32, #tpu.memory_space<vmem_shared>>) target(%arg29 : memref<640xf32, #tpu.memory_space<vmem>>) target_semaphore(%run_scoped3A_317 : memref<!tpu.dma_semaphore, #tpu.memory_space<semaphore_mem>>)
      %dma_wait3A_322 = tpu.memref_slice %arg30[%run_scoped3A_161, %run_scoped3A_162, %mul3A_16] : memref<16x2x10240xf32, #tpu.memory_space<vmem_shared>> -> memref<1x1x640xf32, #tpu.memory_space<vmem_shared>>
      %dma_wait3A_323 = tpu.memref_squeeze %dma_wait3A_322 : memref<1x1x640xf32, #tpu.memory_space<vmem_shared>> -> memref<640xf32, #tpu.memory_space<vmem_shared>>
      %dma_wait3A_324 = tpu.memref_slice %arg30[%run_scoped3A_161, %run_scoped3A_162, %mul3A_16] : memref<16x2x10240xf32, #tpu.memory_space<vmem_shared>> -> memref<1x1x640xf32, #tpu.memory_space<vmem_shared>>
      %dma_wait3A_325 = tpu.memref_squeeze %dma_wait3A_324 : memref<1x1x640xf32, #tpu.memory_space<vmem_shared>> -> memref<640xf32, #tpu.memory_space<vmem_shared>>
      tpu.wait_dma2 semaphore(%run_scoped3A_317 : memref<!tpu.dma_semaphore, #tpu.memory_space<semaphore_mem>>) src(%dma_wait3A_325 : memref<640xf32, #tpu.memory_space<vmem_shared>>) dst(%arg29 : memref<640xf32, #tpu.memory_space<vmem>>)
      tpu.yield
    }) : () -> ()
    %scan3A_163 = arith.constant 0 : i32
    %scan3A_164 = arith.constant 0 : i32
    %scan3A_165 = arith.constant 40 : i32
    %scan3A_166 = arith.addi %scan3A_164, %scan3A_165 : i32
    %scan3A_167 = arith.constant 1 : i32
    scf.for %scan3A_317 = %scan3A_164 to %scan3A_166 step %scan3A_167  : i32 {
      %mul3A_318 = arith.constant 16 : i32
      %mul3A_319 = arith.muli %scan3A_317, %mul3A_318 : i32
      %get3A = arith.index_cast %mul3A_319 : i32 to index
      %get3A_320 = tpu.vector_load %arg28[%get3A] {strides = array<i32>} : memref<640xf32, #tpu.memory_space<vmem>>, vector<16xf32>,
      %get3A_321 = arith.index_cast %mul3A_319 : i32 to index
      %get3A_322 = tpu.vector_load %arg29[%get3A_321] {strides = array<i32>} : memref<640xf32, #tpu.memory_space<vmem>>, vector<16xf32>,
      %add3A_323 = arith.addf %get3A_320, %get3A_322 : vector<16xf32>
      %swap3A = arith.index_cast %mul3A_319 : i32 to index
      %swap3A_324 = tpu.vector_load %arg28[%swap3A] {strides = array<i32>} : memref<640xf32, #tpu.memory_space<vmem>>, vector<16xf32>,
      tpu.vector_store %arg28[%swap3A], %add3A_323 {strides = array<i32>} : memref<640xf32, #tpu.memory_space<vmem>>, vector<16xf32>,
    }
    %scan3A_168 = arith.constant 40 : i32
    %run_scoped3A_169 = arith.constant 3 : i32
    %run_scoped3A_170 = arith.constant 1 : i32
    "tpu.region"() ({
      %run_scoped3A_317 = tpu.sem_alloc : memref<!tpu.dma_semaphore, #tpu.memory_space<semaphore_mem>>
      %dma_start3A_318 = tpu.memref_slice %arg30[%run_scoped3A_169, %run_scoped3A_170, %mul3A_16] : memref<16x2x10240xf32, #tpu.memory_space<vmem_shared>> -> memref<1x1x640xf32, #tpu.memory_space<vmem_shared>>
      %dma_start3A_319 = tpu.memref_squeeze %dma_start3A_318 : memref<1x1x640xf32, #tpu.memory_space<vmem_shared>> -> memref<640xf32, #tpu.memory_space<vmem_shared>>
      %dma_start3A_320 = tpu.memref_slice %arg30[%run_scoped3A_169, %run_scoped3A_170, %mul3A_16] : memref<16x2x10240xf32, #tpu.memory_space<vmem_shared>> -> memref<1x1x640xf32, #tpu.memory_space<vmem_shared>>
      %dma_start3A_321 = tpu.memref_squeeze %dma_start3A_320 : memref<1x1x640xf32, #tpu.memory_space<vmem_shared>> -> memref<640xf32, #tpu.memory_space<vmem_shared>>
      tpu.enqueue_dma source(%dma_start3A_321 : memref<640xf32, #tpu.memory_space<vmem_shared>>) target(%arg29 : memref<640xf32, #tpu.memory_space<vmem>>) target_semaphore(%run_scoped3A_317 : memref<!tpu.dma_semaphore, #tpu.memory_space<semaphore_mem>>)
      %dma_wait3A_322 = tpu.memref_slice %arg30[%run_scoped3A_169, %run_scoped3A_170, %mul3A_16] : memref<16x2x10240xf32, #tpu.memory_space<vmem_shared>> -> memref<1x1x640xf32, #tpu.memory_space<vmem_shared>>
      %dma_wait3A_323 = tpu.memref_squeeze %dma_wait3A_322 : memref<1x1x640xf32, #tpu.memory_space<vmem_shared>> -> memref<640xf32, #tpu.memory_space<vmem_shared>>
      %dma_wait3A_324 = tpu.memref_slice %arg30[%run_scoped3A_169, %run_scoped3A_170, %mul3A_16] : memref<16x2x10240xf32, #tpu.memory_space<vmem_shared>> -> memref<1x1x640xf32, #tpu.memory_space<vmem_shared>>
      %dma_wait3A_325 = tpu.memref_squeeze %dma_wait3A_324 : memref<1x1x640xf32, #tpu.memory_space<vmem_shared>> -> memref<640xf32, #tpu.memory_space<vmem_shared>>
      tpu.wait_dma2 semaphore(%run_scoped3A_317 : memref<!tpu.dma_semaphore, #tpu.memory_space<semaphore_mem>>) src(%dma_wait3A_325 : memref<640xf32, #tpu.memory_space<vmem_shared>>) dst(%arg29 : memref<640xf32, #tpu.memory_space<vmem>>)
      tpu.yield
    }) : () -> ()
    %scan3A_171 = arith.constant 0 : i32
    %scan3A_172 = arith.constant 0 : i32
    %scan3A_173 = arith.constant 40 : i32
    %scan3A_174 = arith.addi %scan3A_172, %scan3A_173 : i32
    %scan3A_175 = arith.constant 1 : i32
    scf.for %scan3A_317 = %scan3A_172 to %scan3A_174 step %scan3A_175  : i32 {
      %mul3A_318 = arith.constant 16 : i32
      %mul3A_319 = arith.muli %scan3A_317, %mul3A_318 : i32
      %get3A = arith.index_cast %mul3A_319 : i32 to index
      %get3A_320 = tpu.vector_load %arg28[%get3A] {strides = array<i32>} : memref<640xf32, #tpu.memory_space<vmem>>, vector<16xf32>,
      %get3A_321 = arith.index_cast %mul3A_319 : i32 to index
      %get3A_322 = tpu.vector_load %arg29[%get3A_321] {strides = array<i32>} : memref<640xf32, #tpu.memory_space<vmem>>, vector<16xf32>,
      %add3A_323 = arith.addf %get3A_320, %get3A_322 : vector<16xf32>
      %swap3A = arith.index_cast %mul3A_319 : i32 to index
      %swap3A_324 = tpu.vector_load %arg28[%swap3A] {strides = array<i32>} : memref<640xf32, #tpu.memory_space<vmem>>, vector<16xf32>,
      tpu.vector_store %arg28[%swap3A], %add3A_323 {strides = array<i32>} : memref<640xf32, #tpu.memory_space<vmem>>, vector<16xf32>,
    }
    %scan3A_176 = arith.constant 40 : i32
    %run_scoped3A_177 = arith.constant 4 : i32
    %run_scoped3A_178 = arith.constant 1 : i32
    "tpu.region"() ({
      %run_scoped3A_317 = tpu.sem_alloc : memref<!tpu.dma_semaphore, #tpu.memory_space<semaphore_mem>>
      %dma_start3A_318 = tpu.memref_slice %arg30[%run_scoped3A_177, %run_scoped3A_178, %mul3A_16] : memref<16x2x10240xf32, #tpu.memory_space<vmem_shared>> -> memref<1x1x640xf32, #tpu.memory_space<vmem_shared>>
      %dma_start3A_319 = tpu.memref_squeeze %dma_start3A_318 : memref<1x1x640xf32, #tpu.memory_space<vmem_shared>> -> memref<640xf32, #tpu.memory_space<vmem_shared>>
      %dma_start3A_320 = tpu.memref_slice %arg30[%run_scoped3A_177, %run_scoped3A_178, %mul3A_16] : memref<16x2x10240xf32, #tpu.memory_space<vmem_shared>> -> memref<1x1x640xf32, #tpu.memory_space<vmem_shared>>
      %dma_start3A_321 = tpu.memref_squeeze %dma_start3A_320 : memref<1x1x640xf32, #tpu.memory_space<vmem_shared>> -> memref<640xf32, #tpu.memory_space<vmem_shared>>
      tpu.enqueue_dma source(%dma_start3A_321 : memref<640xf32, #tpu.memory_space<vmem_shared>>) target(%arg29 : memref<640xf32, #tpu.memory_space<vmem>>) target_semaphore(%run_scoped3A_317 : memref<!tpu.dma_semaphore, #tpu.memory_space<semaphore_mem>>)
      %dma_wait3A_322 = tpu.memref_slice %arg30[%run_scoped3A_177, %run_scoped3A_178, %mul3A_16] : memref<16x2x10240xf32, #tpu.memory_space<vmem_shared>> -> memref<1x1x640xf32, #tpu.memory_space<vmem_shared>>
      %dma_wait3A_323 = tpu.memref_squeeze %dma_wait3A_322 : memref<1x1x640xf32, #tpu.memory_space<vmem_shared>> -> memref<640xf32, #tpu.memory_space<vmem_shared>>
      %dma_wait3A_324 = tpu.memref_slice %arg30[%run_scoped3A_177, %run_scoped3A_178, %mul3A_16] : memref<16x2x10240xf32, #tpu.memory_space<vmem_shared>> -> memref<1x1x640xf32, #tpu.memory_space<vmem_shared>>
      %dma_wait3A_325 = tpu.memref_squeeze %dma_wait3A_324 : memref<1x1x640xf32, #tpu.memory_space<vmem_shared>> -> memref<640xf32, #tpu.memory_space<vmem_shared>>
      tpu.wait_dma2 semaphore(%run_scoped3A_317 : memref<!tpu.dma_semaphore, #tpu.memory_space<semaphore_mem>>) src(%dma_wait3A_325 : memref<640xf32, #tpu.memory_space<vmem_shared>>) dst(%arg29 : memref<640xf32, #tpu.memory_space<vmem>>)
      tpu.yield
    }) : () -> ()
    %scan3A_179 = arith.constant 0 : i32
    %scan3A_180 = arith.constant 0 : i32
    %scan3A_181 = arith.constant 40 : i32
    %scan3A_182 = arith.addi %scan3A_180, %scan3A_181 : i32
    %scan3A_183 = arith.constant 1 : i32
    scf.for %scan3A_317 = %scan3A_180 to %scan3A_182 step %scan3A_183  : i32 {
      %mul3A_318 = arith.constant 16 : i32
      %mul3A_319 = arith.muli %scan3A_317, %mul3A_318 : i32
      %get3A = arith.index_cast %mul3A_319 : i32 to index
      %get3A_320 = tpu.vector_load %arg28[%get3A] {strides = array<i32>} : memref<640xf32, #tpu.memory_space<vmem>>, vector<16xf32>,
      %get3A_321 = arith.index_cast %mul3A_319 : i32 to index
      %get3A_322 = tpu.vector_load %arg29[%get3A_321] {strides = array<i32>} : memref<640xf32, #tpu.memory_space<vmem>>, vector<16xf32>,
      %add3A_323 = arith.addf %get3A_320, %get3A_322 : vector<16xf32>
      %swap3A = arith.index_cast %mul3A_319 : i32 to index
      %swap3A_324 = tpu.vector_load %arg28[%swap3A] {strides = array<i32>} : memref<640xf32, #tpu.memory_space<vmem>>, vector<16xf32>,
      tpu.vector_store %arg28[%swap3A], %add3A_323 {strides = array<i32>} : memref<640xf32, #tpu.memory_space<vmem>>, vector<16xf32>,
    }
    %scan3A_184 = arith.constant 40 : i32
    %run_scoped3A_185 = arith.constant 5 : i32
    %run_scoped3A_186 = arith.constant 1 : i32
    "tpu.region"() ({
      %run_scoped3A_317 = tpu.sem_alloc : memref<!tpu.dma_semaphore, #tpu.memory_space<semaphore_mem>>
      %dma_start3A_318 = tpu.memref_slice %arg30[%run_scoped3A_185, %run_scoped3A_186, %mul3A_16] : memref<16x2x10240xf32, #tpu.memory_space<vmem_shared>> -> memref<1x1x640xf32, #tpu.memory_space<vmem_shared>>
      %dma_start3A_319 = tpu.memref_squeeze %dma_start3A_318 : memref<1x1x640xf32, #tpu.memory_space<vmem_shared>> -> memref<640xf32, #tpu.memory_space<vmem_shared>>
      %dma_start3A_320 = tpu.memref_slice %arg30[%run_scoped3A_185, %run_scoped3A_186, %mul3A_16] : memref<16x2x10240xf32, #tpu.memory_space<vmem_shared>> -> memref<1x1x640xf32, #tpu.memory_space<vmem_shared>>
      %dma_start3A_321 = tpu.memref_squeeze %dma_start3A_320 : memref<1x1x640xf32, #tpu.memory_space<vmem_shared>> -> memref<640xf32, #tpu.memory_space<vmem_shared>>
      tpu.enqueue_dma source(%dma_start3A_321 : memref<640xf32, #tpu.memory_space<vmem_shared>>) target(%arg29 : memref<640xf32, #tpu.memory_space<vmem>>) target_semaphore(%run_scoped3A_317 : memref<!tpu.dma_semaphore, #tpu.memory_space<semaphore_mem>>)
      %dma_wait3A_322 = tpu.memref_slice %arg30[%run_scoped3A_185, %run_scoped3A_186, %mul3A_16] : memref<16x2x10240xf32, #tpu.memory_space<vmem_shared>> -> memref<1x1x640xf32, #tpu.memory_space<vmem_shared>>
      %dma_wait3A_323 = tpu.memref_squeeze %dma_wait3A_322 : memref<1x1x640xf32, #tpu.memory_space<vmem_shared>> -> memref<640xf32, #tpu.memory_space<vmem_shared>>
      %dma_wait3A_324 = tpu.memref_slice %arg30[%run_scoped3A_185, %run_scoped3A_186, %mul3A_16] : memref<16x2x10240xf32, #tpu.memory_space<vmem_shared>> -> memref<1x1x640xf32, #tpu.memory_space<vmem_shared>>
      %dma_wait3A_325 = tpu.memref_squeeze %dma_wait3A_324 : memref<1x1x640xf32, #tpu.memory_space<vmem_shared>> -> memref<640xf32, #tpu.memory_space<vmem_shared>>
      tpu.wait_dma2 semaphore(%run_scoped3A_317 : memref<!tpu.dma_semaphore, #tpu.memory_space<semaphore_mem>>) src(%dma_wait3A_325 : memref<640xf32, #tpu.memory_space<vmem_shared>>) dst(%arg29 : memref<640xf32, #tpu.memory_space<vmem>>)
      tpu.yield
    }) : () -> ()
    %scan3A_187 = arith.constant 0 : i32
    %scan3A_188 = arith.constant 0 : i32
    %scan3A_189 = arith.constant 40 : i32
    %scan3A_190 = arith.addi %scan3A_188, %scan3A_189 : i32
    %scan3A_191 = arith.constant 1 : i32
    scf.for %scan3A_317 = %scan3A_188 to %scan3A_190 step %scan3A_191  : i32 {
      %mul3A_318 = arith.constant 16 : i32
      %mul3A_319 = arith.muli %scan3A_317, %mul3A_318 : i32
      %get3A = arith.index_cast %mul3A_319 : i32 to index
      %get3A_320 = tpu.vector_load %arg28[%get3A] {strides = array<i32>} : memref<640xf32, #tpu.memory_space<vmem>>, vector<16xf32>,
      %get3A_321 = arith.index_cast %mul3A_319 : i32 to index
      %get3A_322 = tpu.vector_load %arg29[%get3A_321] {strides = array<i32>} : memref<640xf32, #tpu.memory_space<vmem>>, vector<16xf32>,
      %add3A_323 = arith.addf %get3A_320, %get3A_322 : vector<16xf32>
      %swap3A = arith.index_cast %mul3A_319 : i32 to index
      %swap3A_324 = tpu.vector_load %arg28[%swap3A] {strides = array<i32>} : memref<640xf32, #tpu.memory_space<vmem>>, vector<16xf32>,
      tpu.vector_store %arg28[%swap3A], %add3A_323 {strides = array<i32>} : memref<640xf32, #tpu.memory_space<vmem>>, vector<16xf32>,
    }
    %scan3A_192 = arith.constant 40 : i32
    %run_scoped3A_193 = arith.constant 6 : i32
    %run_scoped3A_194 = arith.constant 1 : i32
    "tpu.region"() ({
      %run_scoped3A_317 = tpu.sem_alloc : memref<!tpu.dma_semaphore, #tpu.memory_space<semaphore_mem>>
      %dma_start3A_318 = tpu.memref_slice %arg30[%run_scoped3A_193, %run_scoped3A_194, %mul3A_16] : memref<16x2x10240xf32, #tpu.memory_space<vmem_shared>> -> memref<1x1x640xf32, #tpu.memory_space<vmem_shared>>
      %dma_start3A_319 = tpu.memref_squeeze %dma_start3A_318 : memref<1x1x640xf32, #tpu.memory_space<vmem_shared>> -> memref<640xf32, #tpu.memory_space<vmem_shared>>
      %dma_start3A_320 = tpu.memref_slice %arg30[%run_scoped3A_193, %run_scoped3A_194, %mul3A_16] : memref<16x2x10240xf32, #tpu.memory_space<vmem_shared>> -> memref<1x1x640xf32, #tpu.memory_space<vmem_shared>>
      %dma_start3A_321 = tpu.memref_squeeze %dma_start3A_320 : memref<1x1x640xf32, #tpu.memory_space<vmem_shared>> -> memref<640xf32, #tpu.memory_space<vmem_shared>>
      tpu.enqueue_dma source(%dma_start3A_321 : memref<640xf32, #tpu.memory_space<vmem_shared>>) target(%arg29 : memref<640xf32, #tpu.memory_space<vmem>>) target_semaphore(%run_scoped3A_317 : memref<!tpu.dma_semaphore, #tpu.memory_space<semaphore_mem>>)
      %dma_wait3A_322 = tpu.memref_slice %arg30[%run_scoped3A_193, %run_scoped3A_194, %mul3A_16] : memref<16x2x10240xf32, #tpu.memory_space<vmem_shared>> -> memref<1x1x640xf32, #tpu.memory_space<vmem_shared>>
      %dma_wait3A_323 = tpu.memref_squeeze %dma_wait3A_322 : memref<1x1x640xf32, #tpu.memory_space<vmem_shared>> -> memref<640xf32, #tpu.memory_space<vmem_shared>>
      %dma_wait3A_324 = tpu.memref_slice %arg30[%run_scoped3A_193, %run_scoped3A_194, %mul3A_16] : memref<16x2x10240xf32, #tpu.memory_space<vmem_shared>> -> memref<1x1x640xf32, #tpu.memory_space<vmem_shared>>
      %dma_wait3A_325 = tpu.memref_squeeze %dma_wait3A_324 : memref<1x1x640xf32, #tpu.memory_space<vmem_shared>> -> memref<640xf32, #tpu.memory_space<vmem_shared>>
      tpu.wait_dma2 semaphore(%run_scoped3A_317 : memref<!tpu.dma_semaphore, #tpu.memory_space<semaphore_mem>>) src(%dma_wait3A_325 : memref<640xf32, #tpu.memory_space<vmem_shared>>) dst(%arg29 : memref<640xf32, #tpu.memory_space<vmem>>)
      tpu.yield
    }) : () -> ()
    %scan3A_195 = arith.constant 0 : i32
    %scan3A_196 = arith.constant 0 : i32
    %scan3A_197 = arith.constant 40 : i32
    %scan3A_198 = arith.addi %scan3A_196, %scan3A_197 : i32
    %scan3A_199 = arith.constant 1 : i32
    scf.for %scan3A_317 = %scan3A_196 to %scan3A_198 step %scan3A_199  : i32 {
      %mul3A_318 = arith.constant 16 : i32
      %mul3A_319 = arith.muli %scan3A_317, %mul3A_318 : i32
      %get3A = arith.index_cast %mul3A_319 : i32 to index
      %get3A_320 = tpu.vector_load %arg28[%get3A] {strides = array<i32>} : memref<640xf32, #tpu.memory_space<vmem>>, vector<16xf32>,
      %get3A_321 = arith.index_cast %mul3A_319 : i32 to index
      %get3A_322 = tpu.vector_load %arg29[%get3A_321] {strides = array<i32>} : memref<640xf32, #tpu.memory_space<vmem>>, vector<16xf32>,
      %add3A_323 = arith.addf %get3A_320, %get3A_322 : vector<16xf32>
      %swap3A = arith.index_cast %mul3A_319 : i32 to index
      %swap3A_324 = tpu.vector_load %arg28[%swap3A] {strides = array<i32>} : memref<640xf32, #tpu.memory_space<vmem>>, vector<16xf32>,
      tpu.vector_store %arg28[%swap3A], %add3A_323 {strides = array<i32>} : memref<640xf32, #tpu.memory_space<vmem>>, vector<16xf32>,
    }
    %scan3A_200 = arith.constant 40 : i32
    %run_scoped3A_201 = arith.constant 7 : i32
    %run_scoped3A_202 = arith.constant 1 : i32
    "tpu.region"() ({
      %run_scoped3A_317 = tpu.sem_alloc : memref<!tpu.dma_semaphore, #tpu.memory_space<semaphore_mem>>
      %dma_start3A_318 = tpu.memref_slice %arg30[%run_scoped3A_201, %run_scoped3A_202, %mul3A_16] : memref<16x2x10240xf32, #tpu.memory_space<vmem_shared>> -> memref<1x1x640xf32, #tpu.memory_space<vmem_shared>>
      %dma_start3A_319 = tpu.memref_squeeze %dma_start3A_318 : memref<1x1x640xf32, #tpu.memory_space<vmem_shared>> -> memref<640xf32, #tpu.memory_space<vmem_shared>>
      %dma_start3A_320 = tpu.memref_slice %arg30[%run_scoped3A_201, %run_scoped3A_202, %mul3A_16] : memref<16x2x10240xf32, #tpu.memory_space<vmem_shared>> -> memref<1x1x640xf32, #tpu.memory_space<vmem_shared>>
      %dma_start3A_321 = tpu.memref_squeeze %dma_start3A_320 : memref<1x1x640xf32, #tpu.memory_space<vmem_shared>> -> memref<640xf32, #tpu.memory_space<vmem_shared>>
      tpu.enqueue_dma source(%dma_start3A_321 : memref<640xf32, #tpu.memory_space<vmem_shared>>) target(%arg29 : memref<640xf32, #tpu.memory_space<vmem>>) target_semaphore(%run_scoped3A_317 : memref<!tpu.dma_semaphore, #tpu.memory_space<semaphore_mem>>)
      %dma_wait3A_322 = tpu.memref_slice %arg30[%run_scoped3A_201, %run_scoped3A_202, %mul3A_16] : memref<16x2x10240xf32, #tpu.memory_space<vmem_shared>> -> memref<1x1x640xf32, #tpu.memory_space<vmem_shared>>
      %dma_wait3A_323 = tpu.memref_squeeze %dma_wait3A_322 : memref<1x1x640xf32, #tpu.memory_space<vmem_shared>> -> memref<640xf32, #tpu.memory_space<vmem_shared>>
      %dma_wait3A_324 = tpu.memref_slice %arg30[%run_scoped3A_201, %run_scoped3A_202, %mul3A_16] : memref<16x2x10240xf32, #tpu.memory_space<vmem_shared>> -> memref<1x1x640xf32, #tpu.memory_space<vmem_shared>>
      %dma_wait3A_325 = tpu.memref_squeeze %dma_wait3A_324 : memref<1x1x640xf32, #tpu.memory_space<vmem_shared>> -> memref<640xf32, #tpu.memory_space<vmem_shared>>
      tpu.wait_dma2 semaphore(%run_scoped3A_317 : memref<!tpu.dma_semaphore, #tpu.memory_space<semaphore_mem>>) src(%dma_wait3A_325 : memref<640xf32, #tpu.memory_space<vmem_shared>>) dst(%arg29 : memref<640xf32, #tpu.memory_space<vmem>>)
      tpu.yield
    }) : () -> ()
    %scan3A_203 = arith.constant 0 : i32
    %scan3A_204 = arith.constant 0 : i32
    %scan3A_205 = arith.constant 40 : i32
    %scan3A_206 = arith.addi %scan3A_204, %scan3A_205 : i32
    %scan3A_207 = arith.constant 1 : i32
    scf.for %scan3A_317 = %scan3A_204 to %scan3A_206 step %scan3A_207  : i32 {
      %mul3A_318 = arith.constant 16 : i32
      %mul3A_319 = arith.muli %scan3A_317, %mul3A_318 : i32
      %get3A = arith.index_cast %mul3A_319 : i32 to index
      %get3A_320 = tpu.vector_load %arg28[%get3A] {strides = array<i32>} : memref<640xf32, #tpu.memory_space<vmem>>, vector<16xf32>,
      %get3A_321 = arith.index_cast %mul3A_319 : i32 to index
      %get3A_322 = tpu.vector_load %arg29[%get3A_321] {strides = array<i32>} : memref<640xf32, #tpu.memory_space<vmem>>, vector<16xf32>,
      %add3A_323 = arith.addf %get3A_320, %get3A_322 : vector<16xf32>
      %swap3A = arith.index_cast %mul3A_319 : i32 to index
      %swap3A_324 = tpu.vector_load %arg28[%swap3A] {strides = array<i32>} : memref<640xf32, #tpu.memory_space<vmem>>, vector<16xf32>,
      tpu.vector_store %arg28[%swap3A], %add3A_323 {strides = array<i32>} : memref<640xf32, #tpu.memory_space<vmem>>, vector<16xf32>,
    }
    %scan3A_208 = arith.constant 40 : i32
    %run_scoped3A_209 = arith.constant 8 : i32
    %run_scoped3A_210 = arith.constant 1 : i32
    "tpu.region"() ({
      %run_scoped3A_317 = tpu.sem_alloc : memref<!tpu.dma_semaphore, #tpu.memory_space<semaphore_mem>>
      %dma_start3A_318 = tpu.memref_slice %arg30[%run_scoped3A_209, %run_scoped3A_210, %mul3A_16] : memref<16x2x10240xf32, #tpu.memory_space<vmem_shared>> -> memref<1x1x640xf32, #tpu.memory_space<vmem_shared>>
      %dma_start3A_319 = tpu.memref_squeeze %dma_start3A_318 : memref<1x1x640xf32, #tpu.memory_space<vmem_shared>> -> memref<640xf32, #tpu.memory_space<vmem_shared>>
      %dma_start3A_320 = tpu.memref_slice %arg30[%run_scoped3A_209, %run_scoped3A_210, %mul3A_16] : memref<16x2x10240xf32, #tpu.memory_space<vmem_shared>> -> memref<1x1x640xf32, #tpu.memory_space<vmem_shared>>
      %dma_start3A_321 = tpu.memref_squeeze %dma_start3A_320 : memref<1x1x640xf32, #tpu.memory_space<vmem_shared>> -> memref<640xf32, #tpu.memory_space<vmem_shared>>
      tpu.enqueue_dma source(%dma_start3A_321 : memref<640xf32, #tpu.memory_space<vmem_shared>>) target(%arg29 : memref<640xf32, #tpu.memory_space<vmem>>) target_semaphore(%run_scoped3A_317 : memref<!tpu.dma_semaphore, #tpu.memory_space<semaphore_mem>>)
      %dma_wait3A_322 = tpu.memref_slice %arg30[%run_scoped3A_209, %run_scoped3A_210, %mul3A_16] : memref<16x2x10240xf32, #tpu.memory_space<vmem_shared>> -> memref<1x1x640xf32, #tpu.memory_space<vmem_shared>>
      %dma_wait3A_323 = tpu.memref_squeeze %dma_wait3A_322 : memref<1x1x640xf32, #tpu.memory_space<vmem_shared>> -> memref<640xf32, #tpu.memory_space<vmem_shared>>
      %dma_wait3A_324 = tpu.memref_slice %arg30[%run_scoped3A_209, %run_scoped3A_210, %mul3A_16] : memref<16x2x10240xf32, #tpu.memory_space<vmem_shared>> -> memref<1x1x640xf32, #tpu.memory_space<vmem_shared>>
      %dma_wait3A_325 = tpu.memref_squeeze %dma_wait3A_324 : memref<1x1x640xf32, #tpu.memory_space<vmem_shared>> -> memref<640xf32, #tpu.memory_space<vmem_shared>>
      tpu.wait_dma2 semaphore(%run_scoped3A_317 : memref<!tpu.dma_semaphore, #tpu.memory_space<semaphore_mem>>) src(%dma_wait3A_325 : memref<640xf32, #tpu.memory_space<vmem_shared>>) dst(%arg29 : memref<640xf32, #tpu.memory_space<vmem>>)
      tpu.yield
    }) : () -> ()
    %scan3A_211 = arith.constant 0 : i32
    %scan3A_212 = arith.constant 0 : i32
    %scan3A_213 = arith.constant 40 : i32
    %scan3A_214 = arith.addi %scan3A_212, %scan3A_213 : i32
    %scan3A_215 = arith.constant 1 : i32
    scf.for %scan3A_317 = %scan3A_212 to %scan3A_214 step %scan3A_215  : i32 {
      %mul3A_318 = arith.constant 16 : i32
      %mul3A_319 = arith.muli %scan3A_317, %mul3A_318 : i32
      %get3A = arith.index_cast %mul3A_319 : i32 to index
      %get3A_320 = tpu.vector_load %arg28[%get3A] {strides = array<i32>} : memref<640xf32, #tpu.memory_space<vmem>>, vector<16xf32>,
      %get3A_321 = arith.index_cast %mul3A_319 : i32 to index
      %get3A_322 = tpu.vector_load %arg29[%get3A_321] {strides = array<i32>} : memref<640xf32, #tpu.memory_space<vmem>>, vector<16xf32>,
      %add3A_323 = arith.addf %get3A_320, %get3A_322 : vector<16xf32>
      %swap3A = arith.index_cast %mul3A_319 : i32 to index
      %swap3A_324 = tpu.vector_load %arg28[%swap3A] {strides = array<i32>} : memref<640xf32, #tpu.memory_space<vmem>>, vector<16xf32>,
      tpu.vector_store %arg28[%swap3A], %add3A_323 {strides = array<i32>} : memref<640xf32, #tpu.memory_space<vmem>>, vector<16xf32>,
    }
    %scan3A_216 = arith.constant 40 : i32
    %run_scoped3A_217 = arith.constant 9 : i32
    %run_scoped3A_218 = arith.constant 1 : i32
    "tpu.region"() ({
      %run_scoped3A_317 = tpu.sem_alloc : memref<!tpu.dma_semaphore, #tpu.memory_space<semaphore_mem>>
      %dma_start3A_318 = tpu.memref_slice %arg30[%run_scoped3A_217, %run_scoped3A_218, %mul3A_16] : memref<16x2x10240xf32, #tpu.memory_space<vmem_shared>> -> memref<1x1x640xf32, #tpu.memory_space<vmem_shared>>
      %dma_start3A_319 = tpu.memref_squeeze %dma_start3A_318 : memref<1x1x640xf32, #tpu.memory_space<vmem_shared>> -> memref<640xf32, #tpu.memory_space<vmem_shared>>
      %dma_start3A_320 = tpu.memref_slice %arg30[%run_scoped3A_217, %run_scoped3A_218, %mul3A_16] : memref<16x2x10240xf32, #tpu.memory_space<vmem_shared>> -> memref<1x1x640xf32, #tpu.memory_space<vmem_shared>>
      %dma_start3A_321 = tpu.memref_squeeze %dma_start3A_320 : memref<1x1x640xf32, #tpu.memory_space<vmem_shared>> -> memref<640xf32, #tpu.memory_space<vmem_shared>>
      tpu.enqueue_dma source(%dma_start3A_321 : memref<640xf32, #tpu.memory_space<vmem_shared>>) target(%arg29 : memref<640xf32, #tpu.memory_space<vmem>>) target_semaphore(%run_scoped3A_317 : memref<!tpu.dma_semaphore, #tpu.memory_space<semaphore_mem>>)
      %dma_wait3A_322 = tpu.memref_slice %arg30[%run_scoped3A_217, %run_scoped3A_218, %mul3A_16] : memref<16x2x10240xf32, #tpu.memory_space<vmem_shared>> -> memref<1x1x640xf32, #tpu.memory_space<vmem_shared>>
      %dma_wait3A_323 = tpu.memref_squeeze %dma_wait3A_322 : memref<1x1x640xf32, #tpu.memory_space<vmem_shared>> -> memref<640xf32, #tpu.memory_space<vmem_shared>>
      %dma_wait3A_324 = tpu.memref_slice %arg30[%run_scoped3A_217, %run_scoped3A_218, %mul3A_16] : memref<16x2x10240xf32, #tpu.memory_space<vmem_shared>> -> memref<1x1x640xf32, #tpu.memory_space<vmem_shared>>
      %dma_wait3A_325 = tpu.memref_squeeze %dma_wait3A_324 : memref<1x1x640xf32, #tpu.memory_space<vmem_shared>> -> memref<640xf32, #tpu.memory_space<vmem_shared>>
      tpu.wait_dma2 semaphore(%run_scoped3A_317 : memref<!tpu.dma_semaphore, #tpu.memory_space<semaphore_mem>>) src(%dma_wait3A_325 : memref<640xf32, #tpu.memory_space<vmem_shared>>) dst(%arg29 : memref<640xf32, #tpu.memory_space<vmem>>)
      tpu.yield
    }) : () -> ()
    %scan3A_219 = arith.constant 0 : i32
    %scan3A_220 = arith.constant 0 : i32
    %scan3A_221 = arith.constant 40 : i32
    %scan3A_222 = arith.addi %scan3A_220, %scan3A_221 : i32
    %scan3A_223 = arith.constant 1 : i32
    scf.for %scan3A_317 = %scan3A_220 to %scan3A_222 step %scan3A_223  : i32 {
      %mul3A_318 = arith.constant 16 : i32
      %mul3A_319 = arith.muli %scan3A_317, %mul3A_318 : i32
      %get3A = arith.index_cast %mul3A_319 : i32 to index
      %get3A_320 = tpu.vector_load %arg28[%get3A] {strides = array<i32>} : memref<640xf32, #tpu.memory_space<vmem>>, vector<16xf32>,
      %get3A_321 = arith.index_cast %mul3A_319 : i32 to index
      %get3A_322 = tpu.vector_load %arg29[%get3A_321] {strides = array<i32>} : memref<640xf32, #tpu.memory_space<vmem>>, vector<16xf32>,
      %add3A_323 = arith.addf %get3A_320, %get3A_322 : vector<16xf32>
      %swap3A = arith.index_cast %mul3A_319 : i32 to index
      %swap3A_324 = tpu.vector_load %arg28[%swap3A] {strides = array<i32>} : memref<640xf32, #tpu.memory_space<vmem>>, vector<16xf32>,
      tpu.vector_store %arg28[%swap3A], %add3A_323 {strides = array<i32>} : memref<640xf32, #tpu.memory_space<vmem>>, vector<16xf32>,
    }
    %scan3A_224 = arith.constant 40 : i32
    %run_scoped3A_225 = arith.constant 10 : i32
    %run_scoped3A_226 = arith.constant 1 : i32
    "tpu.region"() ({
      %run_scoped3A_317 = tpu.sem_alloc : memref<!tpu.dma_semaphore, #tpu.memory_space<semaphore_mem>>
      %dma_start3A_318 = tpu.memref_slice %arg30[%run_scoped3A_225, %run_scoped3A_226, %mul3A_16] : memref<16x2x10240xf32, #tpu.memory_space<vmem_shared>> -> memref<1x1x640xf32, #tpu.memory_space<vmem_shared>>
      %dma_start3A_319 = tpu.memref_squeeze %dma_start3A_318 : memref<1x1x640xf32, #tpu.memory_space<vmem_shared>> -> memref<640xf32, #tpu.memory_space<vmem_shared>>
      %dma_start3A_320 = tpu.memref_slice %arg30[%run_scoped3A_225, %run_scoped3A_226, %mul3A_16] : memref<16x2x10240xf32, #tpu.memory_space<vmem_shared>> -> memref<1x1x640xf32, #tpu.memory_space<vmem_shared>>
      %dma_start3A_321 = tpu.memref_squeeze %dma_start3A_320 : memref<1x1x640xf32, #tpu.memory_space<vmem_shared>> -> memref<640xf32, #tpu.memory_space<vmem_shared>>
      tpu.enqueue_dma source(%dma_start3A_321 : memref<640xf32, #tpu.memory_space<vmem_shared>>) target(%arg29 : memref<640xf32, #tpu.memory_space<vmem>>) target_semaphore(%run_scoped3A_317 : memref<!tpu.dma_semaphore, #tpu.memory_space<semaphore_mem>>)
      %dma_wait3A_322 = tpu.memref_slice %arg30[%run_scoped3A_225, %run_scoped3A_226, %mul3A_16] : memref<16x2x10240xf32, #tpu.memory_space<vmem_shared>> -> memref<1x1x640xf32, #tpu.memory_space<vmem_shared>>
      %dma_wait3A_323 = tpu.memref_squeeze %dma_wait3A_322 : memref<1x1x640xf32, #tpu.memory_space<vmem_shared>> -> memref<640xf32, #tpu.memory_space<vmem_shared>>
      %dma_wait3A_324 = tpu.memref_slice %arg30[%run_scoped3A_225, %run_scoped3A_226, %mul3A_16] : memref<16x2x10240xf32, #tpu.memory_space<vmem_shared>> -> memref<1x1x640xf32, #tpu.memory_space<vmem_shared>>
      %dma_wait3A_325 = tpu.memref_squeeze %dma_wait3A_324 : memref<1x1x640xf32, #tpu.memory_space<vmem_shared>> -> memref<640xf32, #tpu.memory_space<vmem_shared>>
      tpu.wait_dma2 semaphore(%run_scoped3A_317 : memref<!tpu.dma_semaphore, #tpu.memory_space<semaphore_mem>>) src(%dma_wait3A_325 : memref<640xf32, #tpu.memory_space<vmem_shared>>) dst(%arg29 : memref<640xf32, #tpu.memory_space<vmem>>)
      tpu.yield
    }) : () -> ()
    %scan3A_227 = arith.constant 0 : i32
    %scan3A_228 = arith.constant 0 : i32
    %scan3A_229 = arith.constant 40 : i32
    %scan3A_230 = arith.addi %scan3A_228, %scan3A_229 : i32
    %scan3A_231 = arith.constant 1 : i32
    scf.for %scan3A_317 = %scan3A_228 to %scan3A_230 step %scan3A_231  : i32 {
      %mul3A_318 = arith.constant 16 : i32
      %mul3A_319 = arith.muli %scan3A_317, %mul3A_318 : i32
      %get3A = arith.index_cast %mul3A_319 : i32 to index
      %get3A_320 = tpu.vector_load %arg28[%get3A] {strides = array<i32>} : memref<640xf32, #tpu.memory_space<vmem>>, vector<16xf32>,
      %get3A_321 = arith.index_cast %mul3A_319 : i32 to index
      %get3A_322 = tpu.vector_load %arg29[%get3A_321] {strides = array<i32>} : memref<640xf32, #tpu.memory_space<vmem>>, vector<16xf32>,
      %add3A_323 = arith.addf %get3A_320, %get3A_322 : vector<16xf32>
      %swap3A = arith.index_cast %mul3A_319 : i32 to index
      %swap3A_324 = tpu.vector_load %arg28[%swap3A] {strides = array<i32>} : memref<640xf32, #tpu.memory_space<vmem>>, vector<16xf32>,
      tpu.vector_store %arg28[%swap3A], %add3A_323 {strides = array<i32>} : memref<640xf32, #tpu.memory_space<vmem>>, vector<16xf32>,
    }
    %scan3A_232 = arith.constant 40 : i32
    %run_scoped3A_233 = arith.constant 11 : i32
    %run_scoped3A_234 = arith.constant 1 : i32
    "tpu.region"() ({
      %run_scoped3A_317 = tpu.sem_alloc : memref<!tpu.dma_semaphore, #tpu.memory_space<semaphore_mem>>
      %dma_start3A_318 = tpu.memref_slice %arg30[%run_scoped3A_233, %run_scoped3A_234, %mul3A_16] : memref<16x2x10240xf32, #tpu.memory_space<vmem_shared>> -> memref<1x1x640xf32, #tpu.memory_space<vmem_shared>>
      %dma_start3A_319 = tpu.memref_squeeze %dma_start3A_318 : memref<1x1x640xf32, #tpu.memory_space<vmem_shared>> -> memref<640xf32, #tpu.memory_space<vmem_shared>>
      %dma_start3A_320 = tpu.memref_slice %arg30[%run_scoped3A_233, %run_scoped3A_234, %mul3A_16] : memref<16x2x10240xf32, #tpu.memory_space<vmem_shared>> -> memref<1x1x640xf32, #tpu.memory_space<vmem_shared>>
      %dma_start3A_321 = tpu.memref_squeeze %dma_start3A_320 : memref<1x1x640xf32, #tpu.memory_space<vmem_shared>> -> memref<640xf32, #tpu.memory_space<vmem_shared>>
      tpu.enqueue_dma source(%dma_start3A_321 : memref<640xf32, #tpu.memory_space<vmem_shared>>) target(%arg29 : memref<640xf32, #tpu.memory_space<vmem>>) target_semaphore(%run_scoped3A_317 : memref<!tpu.dma_semaphore, #tpu.memory_space<semaphore_mem>>)
      %dma_wait3A_322 = tpu.memref_slice %arg30[%run_scoped3A_233, %run_scoped3A_234, %mul3A_16] : memref<16x2x10240xf32, #tpu.memory_space<vmem_shared>> -> memref<1x1x640xf32, #tpu.memory_space<vmem_shared>>
      %dma_wait3A_323 = tpu.memref_squeeze %dma_wait3A_322 : memref<1x1x640xf32, #tpu.memory_space<vmem_shared>> -> memref<640xf32, #tpu.memory_space<vmem_shared>>
      %dma_wait3A_324 = tpu.memref_slice %arg30[%run_scoped3A_233, %run_scoped3A_234, %mul3A_16] : memref<16x2x10240xf32, #tpu.memory_space<vmem_shared>> -> memref<1x1x640xf32, #tpu.memory_space<vmem_shared>>
      %dma_wait3A_325 = tpu.memref_squeeze %dma_wait3A_324 : memref<1x1x640xf32, #tpu.memory_space<vmem_shared>> -> memref<640xf32, #tpu.memory_space<vmem_shared>>
      tpu.wait_dma2 semaphore(%run_scoped3A_317 : memref<!tpu.dma_semaphore, #tpu.memory_space<semaphore_mem>>) src(%dma_wait3A_325 : memref<640xf32, #tpu.memory_space<vmem_shared>>) dst(%arg29 : memref<640xf32, #tpu.memory_space<vmem>>)
      tpu.yield
    }) : () -> ()
    %scan3A_235 = arith.constant 0 : i32
    %scan3A_236 = arith.constant 0 : i32
    %scan3A_237 = arith.constant 40 : i32
    %scan3A_238 = arith.addi %scan3A_236, %scan3A_237 : i32
    %scan3A_239 = arith.constant 1 : i32
    scf.for %scan3A_317 = %scan3A_236 to %scan3A_238 step %scan3A_239  : i32 {
      %mul3A_318 = arith.constant 16 : i32
      %mul3A_319 = arith.muli %scan3A_317, %mul3A_318 : i32
      %get3A = arith.index_cast %mul3A_319 : i32 to index
      %get3A_320 = tpu.vector_load %arg28[%get3A] {strides = array<i32>} : memref<640xf32, #tpu.memory_space<vmem>>, vector<16xf32>,
      %get3A_321 = arith.index_cast %mul3A_319 : i32 to index
      %get3A_322 = tpu.vector_load %arg29[%get3A_321] {strides = array<i32>} : memref<640xf32, #tpu.memory_space<vmem>>, vector<16xf32>,
      %add3A_323 = arith.addf %get3A_320, %get3A_322 : vector<16xf32>
      %swap3A = arith.index_cast %mul3A_319 : i32 to index
      %swap3A_324 = tpu.vector_load %arg28[%swap3A] {strides = array<i32>} : memref<640xf32, #tpu.memory_space<vmem>>, vector<16xf32>,
      tpu.vector_store %arg28[%swap3A], %add3A_323 {strides = array<i32>} : memref<640xf32, #tpu.memory_space<vmem>>, vector<16xf32>,
    }
    %scan3A_240 = arith.constant 40 : i32
    %run_scoped3A_241 = arith.constant 12 : i32
    %run_scoped3A_242 = arith.constant 1 : i32
    "tpu.region"() ({
      %run_scoped3A_317 = tpu.sem_alloc : memref<!tpu.dma_semaphore, #tpu.memory_space<semaphore_mem>>
      %dma_start3A_318 = tpu.memref_slice %arg30[%run_scoped3A_241, %run_scoped3A_242, %mul3A_16] : memref<16x2x10240xf32, #tpu.memory_space<vmem_shared>> -> memref<1x1x640xf32, #tpu.memory_space<vmem_shared>>
      %dma_start3A_319 = tpu.memref_squeeze %dma_start3A_318 : memref<1x1x640xf32, #tpu.memory_space<vmem_shared>> -> memref<640xf32, #tpu.memory_space<vmem_shared>>
      %dma_start3A_320 = tpu.memref_slice %arg30[%run_scoped3A_241, %run_scoped3A_242, %mul3A_16] : memref<16x2x10240xf32, #tpu.memory_space<vmem_shared>> -> memref<1x1x640xf32, #tpu.memory_space<vmem_shared>>
      %dma_start3A_321 = tpu.memref_squeeze %dma_start3A_320 : memref<1x1x640xf32, #tpu.memory_space<vmem_shared>> -> memref<640xf32, #tpu.memory_space<vmem_shared>>
      tpu.enqueue_dma source(%dma_start3A_321 : memref<640xf32, #tpu.memory_space<vmem_shared>>) target(%arg29 : memref<640xf32, #tpu.memory_space<vmem>>) target_semaphore(%run_scoped3A_317 : memref<!tpu.dma_semaphore, #tpu.memory_space<semaphore_mem>>)
      %dma_wait3A_322 = tpu.memref_slice %arg30[%run_scoped3A_241, %run_scoped3A_242, %mul3A_16] : memref<16x2x10240xf32, #tpu.memory_space<vmem_shared>> -> memref<1x1x640xf32, #tpu.memory_space<vmem_shared>>
      %dma_wait3A_323 = tpu.memref_squeeze %dma_wait3A_322 : memref<1x1x640xf32, #tpu.memory_space<vmem_shared>> -> memref<640xf32, #tpu.memory_space<vmem_shared>>
      %dma_wait3A_324 = tpu.memref_slice %arg30[%run_scoped3A_241, %run_scoped3A_242, %mul3A_16] : memref<16x2x10240xf32, #tpu.memory_space<vmem_shared>> -> memref<1x1x640xf32, #tpu.memory_space<vmem_shared>>
      %dma_wait3A_325 = tpu.memref_squeeze %dma_wait3A_324 : memref<1x1x640xf32, #tpu.memory_space<vmem_shared>> -> memref<640xf32, #tpu.memory_space<vmem_shared>>
      tpu.wait_dma2 semaphore(%run_scoped3A_317 : memref<!tpu.dma_semaphore, #tpu.memory_space<semaphore_mem>>) src(%dma_wait3A_325 : memref<640xf32, #tpu.memory_space<vmem_shared>>) dst(%arg29 : memref<640xf32, #tpu.memory_space<vmem>>)
      tpu.yield
    }) : () -> ()
    %scan3A_243 = arith.constant 0 : i32
    %scan3A_244 = arith.constant 0 : i32
    %scan3A_245 = arith.constant 40 : i32
    %scan3A_246 = arith.addi %scan3A_244, %scan3A_245 : i32
    %scan3A_247 = arith.constant 1 : i32
    scf.for %scan3A_317 = %scan3A_244 to %scan3A_246 step %scan3A_247  : i32 {
      %mul3A_318 = arith.constant 16 : i32
      %mul3A_319 = arith.muli %scan3A_317, %mul3A_318 : i32
      %get3A = arith.index_cast %mul3A_319 : i32 to index
      %get3A_320 = tpu.vector_load %arg28[%get3A] {strides = array<i32>} : memref<640xf32, #tpu.memory_space<vmem>>, vector<16xf32>,
      %get3A_321 = arith.index_cast %mul3A_319 : i32 to index
      %get3A_322 = tpu.vector_load %arg29[%get3A_321] {strides = array<i32>} : memref<640xf32, #tpu.memory_space<vmem>>, vector<16xf32>,
      %add3A_323 = arith.addf %get3A_320, %get3A_322 : vector<16xf32>
      %swap3A = arith.index_cast %mul3A_319 : i32 to index
      %swap3A_324 = tpu.vector_load %arg28[%swap3A] {strides = array<i32>} : memref<640xf32, #tpu.memory_space<vmem>>, vector<16xf32>,
      tpu.vector_store %arg28[%swap3A], %add3A_323 {strides = array<i32>} : memref<640xf32, #tpu.memory_space<vmem>>, vector<16xf32>,
    }
    %scan3A_248 = arith.constant 40 : i32
    %run_scoped3A_249 = arith.constant 13 : i32
    %run_scoped3A_250 = arith.constant 1 : i32
    "tpu.region"() ({
      %run_scoped3A_317 = tpu.sem_alloc : memref<!tpu.dma_semaphore, #tpu.memory_space<semaphore_mem>>
      %dma_start3A_318 = tpu.memref_slice %arg30[%run_scoped3A_249, %run_scoped3A_250, %mul3A_16] : memref<16x2x10240xf32, #tpu.memory_space<vmem_shared>> -> memref<1x1x640xf32, #tpu.memory_space<vmem_shared>>
      %dma_start3A_319 = tpu.memref_squeeze %dma_start3A_318 : memref<1x1x640xf32, #tpu.memory_space<vmem_shared>> -> memref<640xf32, #tpu.memory_space<vmem_shared>>
      %dma_start3A_320 = tpu.memref_slice %arg30[%run_scoped3A_249, %run_scoped3A_250, %mul3A_16] : memref<16x2x10240xf32, #tpu.memory_space<vmem_shared>> -> memref<1x1x640xf32, #tpu.memory_space<vmem_shared>>
      %dma_start3A_321 = tpu.memref_squeeze %dma_start3A_320 : memref<1x1x640xf32, #tpu.memory_space<vmem_shared>> -> memref<640xf32, #tpu.memory_space<vmem_shared>>
      tpu.enqueue_dma source(%dma_start3A_321 : memref<640xf32, #tpu.memory_space<vmem_shared>>) target(%arg29 : memref<640xf32, #tpu.memory_space<vmem>>) target_semaphore(%run_scoped3A_317 : memref<!tpu.dma_semaphore, #tpu.memory_space<semaphore_mem>>)
      %dma_wait3A_322 = tpu.memref_slice %arg30[%run_scoped3A_249, %run_scoped3A_250, %mul3A_16] : memref<16x2x10240xf32, #tpu.memory_space<vmem_shared>> -> memref<1x1x640xf32, #tpu.memory_space<vmem_shared>>
      %dma_wait3A_323 = tpu.memref_squeeze %dma_wait3A_322 : memref<1x1x640xf32, #tpu.memory_space<vmem_shared>> -> memref<640xf32, #tpu.memory_space<vmem_shared>>
      %dma_wait3A_324 = tpu.memref_slice %arg30[%run_scoped3A_249, %run_scoped3A_250, %mul3A_16] : memref<16x2x10240xf32, #tpu.memory_space<vmem_shared>> -> memref<1x1x640xf32, #tpu.memory_space<vmem_shared>>
      %dma_wait3A_325 = tpu.memref_squeeze %dma_wait3A_324 : memref<1x1x640xf32, #tpu.memory_space<vmem_shared>> -> memref<640xf32, #tpu.memory_space<vmem_shared>>
      tpu.wait_dma2 semaphore(%run_scoped3A_317 : memref<!tpu.dma_semaphore, #tpu.memory_space<semaphore_mem>>) src(%dma_wait3A_325 : memref<640xf32, #tpu.memory_space<vmem_shared>>) dst(%arg29 : memref<640xf32, #tpu.memory_space<vmem>>)
      tpu.yield
    }) : () -> ()
    %scan3A_251 = arith.constant 0 : i32
    %scan3A_252 = arith.constant 0 : i32
    %scan3A_253 = arith.constant 40 : i32
    %scan3A_254 = arith.addi %scan3A_252, %scan3A_253 : i32
    %scan3A_255 = arith.constant 1 : i32
    scf.for %scan3A_317 = %scan3A_252 to %scan3A_254 step %scan3A_255  : i32 {
      %mul3A_318 = arith.constant 16 : i32
      %mul3A_319 = arith.muli %scan3A_317, %mul3A_318 : i32
      %get3A = arith.index_cast %mul3A_319 : i32 to index
      %get3A_320 = tpu.vector_load %arg28[%get3A] {strides = array<i32>} : memref<640xf32, #tpu.memory_space<vmem>>, vector<16xf32>,
      %get3A_321 = arith.index_cast %mul3A_319 : i32 to index
      %get3A_322 = tpu.vector_load %arg29[%get3A_321] {strides = array<i32>} : memref<640xf32, #tpu.memory_space<vmem>>, vector<16xf32>,
      %add3A_323 = arith.addf %get3A_320, %get3A_322 : vector<16xf32>
      %swap3A = arith.index_cast %mul3A_319 : i32 to index
      %swap3A_324 = tpu.vector_load %arg28[%swap3A] {strides = array<i32>} : memref<640xf32, #tpu.memory_space<vmem>>, vector<16xf32>,
      tpu.vector_store %arg28[%swap3A], %add3A_323 {strides = array<i32>} : memref<640xf32, #tpu.memory_space<vmem>>, vector<16xf32>,
    }
    %scan3A_256 = arith.constant 40 : i32
    %run_scoped3A_257 = arith.constant 14 : i32
    %run_scoped3A_258 = arith.constant 1 : i32
    "tpu.region"() ({
      %run_scoped3A_317 = tpu.sem_alloc : memref<!tpu.dma_semaphore, #tpu.memory_space<semaphore_mem>>
      %dma_start3A_318 = tpu.memref_slice %arg30[%run_scoped3A_257, %run_scoped3A_258, %mul3A_16] : memref<16x2x10240xf32, #tpu.memory_space<vmem_shared>> -> memref<1x1x640xf32, #tpu.memory_space<vmem_shared>>
      %dma_start3A_319 = tpu.memref_squeeze %dma_start3A_318 : memref<1x1x640xf32, #tpu.memory_space<vmem_shared>> -> memref<640xf32, #tpu.memory_space<vmem_shared>>
      %dma_start3A_320 = tpu.memref_slice %arg30[%run_scoped3A_257, %run_scoped3A_258, %mul3A_16] : memref<16x2x10240xf32, #tpu.memory_space<vmem_shared>> -> memref<1x1x640xf32, #tpu.memory_space<vmem_shared>>
      %dma_start3A_321 = tpu.memref_squeeze %dma_start3A_320 : memref<1x1x640xf32, #tpu.memory_space<vmem_shared>> -> memref<640xf32, #tpu.memory_space<vmem_shared>>
      tpu.enqueue_dma source(%dma_start3A_321 : memref<640xf32, #tpu.memory_space<vmem_shared>>) target(%arg29 : memref<640xf32, #tpu.memory_space<vmem>>) target_semaphore(%run_scoped3A_317 : memref<!tpu.dma_semaphore, #tpu.memory_space<semaphore_mem>>)
      %dma_wait3A_322 = tpu.memref_slice %arg30[%run_scoped3A_257, %run_scoped3A_258, %mul3A_16] : memref<16x2x10240xf32, #tpu.memory_space<vmem_shared>> -> memref<1x1x640xf32, #tpu.memory_space<vmem_shared>>
      %dma_wait3A_323 = tpu.memref_squeeze %dma_wait3A_322 : memref<1x1x640xf32, #tpu.memory_space<vmem_shared>> -> memref<640xf32, #tpu.memory_space<vmem_shared>>
      %dma_wait3A_324 = tpu.memref_slice %arg30[%run_scoped3A_257, %run_scoped3A_258, %mul3A_16] : memref<16x2x10240xf32, #tpu.memory_space<vmem_shared>> -> memref<1x1x640xf32, #tpu.memory_space<vmem_shared>>
      %dma_wait3A_325 = tpu.memref_squeeze %dma_wait3A_324 : memref<1x1x640xf32, #tpu.memory_space<vmem_shared>> -> memref<640xf32, #tpu.memory_space<vmem_shared>>
      tpu.wait_dma2 semaphore(%run_scoped3A_317 : memref<!tpu.dma_semaphore, #tpu.memory_space<semaphore_mem>>) src(%dma_wait3A_325 : memref<640xf32, #tpu.memory_space<vmem_shared>>) dst(%arg29 : memref<640xf32, #tpu.memory_space<vmem>>)
      tpu.yield
    }) : () -> ()
    %scan3A_259 = arith.constant 0 : i32
    %scan3A_260 = arith.constant 0 : i32
    %scan3A_261 = arith.constant 40 : i32
    %scan3A_262 = arith.addi %scan3A_260, %scan3A_261 : i32
    %scan3A_263 = arith.constant 1 : i32
    scf.for %scan3A_317 = %scan3A_260 to %scan3A_262 step %scan3A_263  : i32 {
      %mul3A_318 = arith.constant 16 : i32
      %mul3A_319 = arith.muli %scan3A_317, %mul3A_318 : i32
      %get3A = arith.index_cast %mul3A_319 : i32 to index
      %get3A_320 = tpu.vector_load %arg28[%get3A] {strides = array<i32>} : memref<640xf32, #tpu.memory_space<vmem>>, vector<16xf32>,
      %get3A_321 = arith.index_cast %mul3A_319 : i32 to index
      %get3A_322 = tpu.vector_load %arg29[%get3A_321] {strides = array<i32>} : memref<640xf32, #tpu.memory_space<vmem>>, vector<16xf32>,
      %add3A_323 = arith.addf %get3A_320, %get3A_322 : vector<16xf32>
      %swap3A = arith.index_cast %mul3A_319 : i32 to index
      %swap3A_324 = tpu.vector_load %arg28[%swap3A] {strides = array<i32>} : memref<640xf32, #tpu.memory_space<vmem>>, vector<16xf32>,
      tpu.vector_store %arg28[%swap3A], %add3A_323 {strides = array<i32>} : memref<640xf32, #tpu.memory_space<vmem>>, vector<16xf32>,
    }
    %scan3A_264 = arith.constant 40 : i32
    %run_scoped3A_265 = arith.constant 15 : i32
    %run_scoped3A_266 = arith.constant 1 : i32
    "tpu.region"() ({
      %run_scoped3A_317 = tpu.sem_alloc : memref<!tpu.dma_semaphore, #tpu.memory_space<semaphore_mem>>
      %dma_start3A_318 = tpu.memref_slice %arg30[%run_scoped3A_265, %run_scoped3A_266, %mul3A_16] : memref<16x2x10240xf32, #tpu.memory_space<vmem_shared>> -> memref<1x1x640xf32, #tpu.memory_space<vmem_shared>>
      %dma_start3A_319 = tpu.memref_squeeze %dma_start3A_318 : memref<1x1x640xf32, #tpu.memory_space<vmem_shared>> -> memref<640xf32, #tpu.memory_space<vmem_shared>>
      %dma_start3A_320 = tpu.memref_slice %arg30[%run_scoped3A_265, %run_scoped3A_266, %mul3A_16] : memref<16x2x10240xf32, #tpu.memory_space<vmem_shared>> -> memref<1x1x640xf32, #tpu.memory_space<vmem_shared>>
      %dma_start3A_321 = tpu.memref_squeeze %dma_start3A_320 : memref<1x1x640xf32, #tpu.memory_space<vmem_shared>> -> memref<640xf32, #tpu.memory_space<vmem_shared>>
      tpu.enqueue_dma source(%dma_start3A_321 : memref<640xf32, #tpu.memory_space<vmem_shared>>) target(%arg29 : memref<640xf32, #tpu.memory_space<vmem>>) target_semaphore(%run_scoped3A_317 : memref<!tpu.dma_semaphore, #tpu.memory_space<semaphore_mem>>)
      %dma_wait3A_322 = tpu.memref_slice %arg30[%run_scoped3A_265, %run_scoped3A_266, %mul3A_16] : memref<16x2x10240xf32, #tpu.memory_space<vmem_shared>> -> memref<1x1x640xf32, #tpu.memory_space<vmem_shared>>
      %dma_wait3A_323 = tpu.memref_squeeze %dma_wait3A_322 : memref<1x1x640xf32, #tpu.memory_space<vmem_shared>> -> memref<640xf32, #tpu.memory_space<vmem_shared>>
      %dma_wait3A_324 = tpu.memref_slice %arg30[%run_scoped3A_265, %run_scoped3A_266, %mul3A_16] : memref<16x2x10240xf32, #tpu.memory_space<vmem_shared>> -> memref<1x1x640xf32, #tpu.memory_space<vmem_shared>>
      %dma_wait3A_325 = tpu.memref_squeeze %dma_wait3A_324 : memref<1x1x640xf32, #tpu.memory_space<vmem_shared>> -> memref<640xf32, #tpu.memory_space<vmem_shared>>
      tpu.wait_dma2 semaphore(%run_scoped3A_317 : memref<!tpu.dma_semaphore, #tpu.memory_space<semaphore_mem>>) src(%dma_wait3A_325 : memref<640xf32, #tpu.memory_space<vmem_shared>>) dst(%arg29 : memref<640xf32, #tpu.memory_space<vmem>>)
      tpu.yield
    }) : () -> ()
    %scan3A_267 = arith.constant 0 : i32
    %scan3A_268 = arith.constant 0 : i32
    %scan3A_269 = arith.constant 40 : i32
    %scan3A_270 = arith.addi %scan3A_268, %scan3A_269 : i32
    %scan3A_271 = arith.constant 1 : i32
    scf.for %scan3A_317 = %scan3A_268 to %scan3A_270 step %scan3A_271  : i32 {
      %mul3A_318 = arith.constant 16 : i32
      %mul3A_319 = arith.muli %scan3A_317, %mul3A_318 : i32
      %get3A = arith.index_cast %mul3A_319 : i32 to index
      %get3A_320 = tpu.vector_load %arg28[%get3A] {strides = array<i32>} : memref<640xf32, #tpu.memory_space<vmem>>, vector<16xf32>,
      %get3A_321 = arith.index_cast %mul3A_319 : i32 to index
      %get3A_322 = tpu.vector_load %arg29[%get3A_321] {strides = array<i32>} : memref<640xf32, #tpu.memory_space<vmem>>, vector<16xf32>,
      %add3A_323 = arith.addf %get3A_320, %get3A_322 : vector<16xf32>
      %swap3A = arith.index_cast %mul3A_319 : i32 to index
      %swap3A_324 = tpu.vector_load %arg28[%swap3A] {strides = array<i32>} : memref<640xf32, #tpu.memory_space<vmem>>, vector<16xf32>,
      tpu.vector_store %arg28[%swap3A], %add3A_323 {strides = array<i32>} : memref<640xf32, #tpu.memory_space<vmem>>, vector<16xf32>,
    }
    %scan3A_272 = arith.constant 40 : i32
    %scan3A_273 = arith.constant 0 : i32
    %scan3A_274 = arith.constant 0 : i32
    %scan3A_275 = arith.constant 40 : i32
    %scan3A_276 = arith.addi %scan3A_274, %scan3A_275 : i32
    %scan3A_277 = arith.constant 1 : i32
    scf.for %scan3A_317 = %scan3A_274 to %scan3A_276 step %scan3A_277  : i32 {
      %mul3A_318 = arith.constant 16 : i32
      %mul3A_319 = arith.muli %scan3A_317, %mul3A_318 : i32
      %get3A = arith.index_cast %mul3A_319 : i32 to index
      %get3A_320 = tpu.vector_load %arg27[%get3A] {strides = array<i32>} : memref<640xf32, #tpu.memory_space<vmem>>, vector<16xf32>,
      %max3A = arith.constant 1.000000e+00 : f32
      %max3A_321 = vector.broadcast %max3A : f32 to vector<16xf32>
      %max3A_322 = arith.maximumf %get3A_320, %max3A_321 : vector<16xf32>
      %bitcast3A = vector.bitcast %max3A_322 : vector<16xf32> to vector<16xi32>
      %shift_right_arithmetic3A = arith.constant 1 : i32
      %shift_right_arithmetic3A_323 = vector.broadcast %shift_right_arithmetic3A : i32 to vector<16xi32>
      %shift_right_arithmetic3A_324 = arith.shrsi %bitcast3A, %shift_right_arithmetic3A_323 : vector<16xi32>
      %sub3A = arith.constant 1597463007 : i32
      %sub3A_325 = vector.broadcast %sub3A : i32 to vector<16xi32>
      %sub3A_326 = arith.subi %sub3A_325, %shift_right_arithmetic3A_324 : vector<16xi32>
      %bitcast3A_327 = vector.bitcast %sub3A_326 : vector<16xi32> to vector<16xf32>
      %mul3A_328 = arith.constant 5.000000e-01 : f32
      %mul3A_329 = vector.broadcast %mul3A_328 : f32 to vector<16xf32>
      %mul3A_330 = arith.mulf %mul3A_329, %max3A_322 : vector<16xf32>
      %mul3A_331 = arith.mulf %mul3A_330, %bitcast3A_327 : vector<16xf32>
      %mul3A_332 = arith.mulf %mul3A_331, %bitcast3A_327 : vector<16xf32>
      %sub3A_333 = arith.constant 1.500000e+00 : f32
      %sub3A_334 = vector.broadcast %sub3A_333 : f32 to vector<16xf32>
      %sub3A_335 = arith.subf %sub3A_334, %mul3A_332 : vector<16xf32>
      %mul3A_336 = arith.mulf %bitcast3A_327, %sub3A_335 : vector<16xf32>
      %mul3A_337 = arith.constant 5.000000e-01 : f32
      %mul3A_338 = vector.broadcast %mul3A_337 : f32 to vector<16xf32>
      %mul3A_339 = arith.mulf %mul3A_338, %max3A_322 : vector<16xf32>
      %mul3A_340 = arith.mulf %mul3A_339, %mul3A_336 : vector<16xf32>
      %mul3A_341 = arith.mulf %mul3A_340, %mul3A_336 : vector<16xf32>
      %sub3A_342 = arith.constant 1.500000e+00 : f32
      %sub3A_343 = vector.broadcast %sub3A_342 : f32 to vector<16xf32>
      %sub3A_344 = arith.subf %sub3A_343, %mul3A_341 : vector<16xf32>
      %mul3A_345 = arith.mulf %mul3A_336, %sub3A_344 : vector<16xf32>
      %mul3A_346 = arith.constant 5.000000e-01 : f32
      %mul3A_347 = vector.broadcast %mul3A_346 : f32 to vector<16xf32>
      %mul3A_348 = arith.mulf %mul3A_347, %max3A_322 : vector<16xf32>
      %mul3A_349 = arith.mulf %mul3A_348, %mul3A_345 : vector<16xf32>
      %mul3A_350 = arith.mulf %mul3A_349, %mul3A_345 : vector<16xf32>
      %sub3A_351 = arith.constant 1.500000e+00 : f32
      %sub3A_352 = vector.broadcast %sub3A_351 : f32 to vector<16xf32>
      %sub3A_353 = arith.subf %sub3A_352, %mul3A_350 : vector<16xf32>
      %mul3A_354 = arith.mulf %mul3A_345, %sub3A_353 : vector<16xf32>
      %get3A_355 = arith.index_cast %mul3A_319 : i32 to index
      %get3A_356 = tpu.vector_load %arg28[%get3A_355] {strides = array<i32>} : memref<640xf32, #tpu.memory_space<vmem>>, vector<16xf32>,
      %max3A_357 = arith.constant 1.000000e+00 : f32
      %max3A_358 = vector.broadcast %max3A_357 : f32 to vector<16xf32>
      %max3A_359 = arith.maximumf %get3A_356, %max3A_358 : vector<16xf32>
      %bitcast3A_360 = vector.bitcast %max3A_359 : vector<16xf32> to vector<16xi32>
      %shift_right_arithmetic3A_361 = arith.constant 1 : i32
      %shift_right_arithmetic3A_362 = vector.broadcast %shift_right_arithmetic3A_361 : i32 to vector<16xi32>
      %shift_right_arithmetic3A_363 = arith.shrsi %bitcast3A_360, %shift_right_arithmetic3A_362 : vector<16xi32>
      %sub3A_364 = arith.constant 1597463007 : i32
      %sub3A_365 = vector.broadcast %sub3A_364 : i32 to vector<16xi32>
      %sub3A_366 = arith.subi %sub3A_365, %shift_right_arithmetic3A_363 : vector<16xi32>
      %bitcast3A_367 = vector.bitcast %sub3A_366 : vector<16xi32> to vector<16xf32>
      %mul3A_368 = arith.constant 5.000000e-01 : f32
      %mul3A_369 = vector.broadcast %mul3A_368 : f32 to vector<16xf32>
      %mul3A_370 = arith.mulf %mul3A_369, %max3A_359 : vector<16xf32>
      %mul3A_371 = arith.mulf %mul3A_370, %bitcast3A_367 : vector<16xf32>
      %mul3A_372 = arith.mulf %mul3A_371, %bitcast3A_367 : vector<16xf32>
      %sub3A_373 = arith.constant 1.500000e+00 : f32
      %sub3A_374 = vector.broadcast %sub3A_373 : f32 to vector<16xf32>
      %sub3A_375 = arith.subf %sub3A_374, %mul3A_372 : vector<16xf32>
      %mul3A_376 = arith.mulf %bitcast3A_367, %sub3A_375 : vector<16xf32>
      %mul3A_377 = arith.constant 5.000000e-01 : f32
      %mul3A_378 = vector.broadcast %mul3A_377 : f32 to vector<16xf32>
      %mul3A_379 = arith.mulf %mul3A_378, %max3A_359 : vector<16xf32>
      %mul3A_380 = arith.mulf %mul3A_379, %mul3A_376 : vector<16xf32>
      %mul3A_381 = arith.mulf %mul3A_380, %mul3A_376 : vector<16xf32>
      %sub3A_382 = arith.constant 1.500000e+00 : f32
      %sub3A_383 = vector.broadcast %sub3A_382 : f32 to vector<16xf32>
      %sub3A_384 = arith.subf %sub3A_383, %mul3A_381 : vector<16xf32>
      %mul3A_385 = arith.mulf %mul3A_376, %sub3A_384 : vector<16xf32>
      %mul3A_386 = arith.constant 5.000000e-01 : f32
      %mul3A_387 = vector.broadcast %mul3A_386 : f32 to vector<16xf32>
      %mul3A_388 = arith.mulf %mul3A_387, %max3A_359 : vector<16xf32>
      %mul3A_389 = arith.mulf %mul3A_388, %mul3A_385 : vector<16xf32>
      %mul3A_390 = arith.mulf %mul3A_389, %mul3A_385 : vector<16xf32>
      %sub3A_391 = arith.constant 1.500000e+00 : f32
      %sub3A_392 = vector.broadcast %sub3A_391 : f32 to vector<16xf32>
      %sub3A_393 = arith.subf %sub3A_392, %mul3A_390 : vector<16xf32>
      %mul3A_394 = arith.mulf %mul3A_385, %sub3A_393 : vector<16xf32>
      %swap3A = arith.index_cast %mul3A_319 : i32 to index
      %swap3A_395 = tpu.vector_load %arg27[%swap3A] {strides = array<i32>} : memref<640xf32, #tpu.memory_space<vmem>>, vector<16xf32>,
      tpu.vector_store %arg27[%swap3A], %mul3A_354 {strides = array<i32>} : memref<640xf32, #tpu.memory_space<vmem>>, vector<16xf32>,
      %mul3A_396 = arith.mulf %mul3A_354, %mul3A_394 : vector<16xf32>
      %swap3A_397 = arith.index_cast %mul3A_319 : i32 to index
      %swap3A_398 = tpu.vector_load %arg28[%swap3A_397] {strides = array<i32>} : memref<640xf32, #tpu.memory_space<vmem>>, vector<16xf32>,
      tpu.vector_store %arg28[%swap3A_397], %mul3A_396 {strides = array<i32>} : memref<640xf32, #tpu.memory_space<vmem>>, vector<16xf32>,
      %swap3A_399 = arith.index_cast %mul3A_319 : i32 to index
      %swap3A_400 = tpu.vector_load %arg29[%swap3A_399] {strides = array<i32>} : memref<640xf32, #tpu.memory_space<vmem>>, vector<16xf32>,
      tpu.vector_store %arg29[%swap3A_399], %mul3A_394 {strides = array<i32>} : memref<640xf32, #tpu.memory_space<vmem>>, vector<16xf32>,
    }
    %scan3A_278 = arith.constant 40 : i32
    "tpu.region"() ({
      %run_scoped3A_317 = tpu.sem_alloc : memref<!tpu.dma_semaphore, #tpu.memory_space<semaphore_mem>>
      %dma_start3A_318 = tpu.memref_slice %arg31[%mul3A_16] : memref<10240xf32, #tpu.memory_space<vmem_shared>> -> memref<640xf32, #tpu.memory_space<vmem_shared>>
      %dma_start3A_319 = tpu.memref_slice %arg31[%mul3A_16] : memref<10240xf32, #tpu.memory_space<vmem_shared>> -> memref<640xf32, #tpu.memory_space<vmem_shared>>
      tpu.enqueue_dma source(%arg27 : memref<640xf32, #tpu.memory_space<vmem>>) target(%dma_start3A_319 : memref<640xf32, #tpu.memory_space<vmem_shared>>) target_semaphore(%run_scoped3A_317 : memref<!tpu.dma_semaphore, #tpu.memory_space<semaphore_mem>>)
      %dma_wait3A_320 = tpu.memref_slice %arg31[%mul3A_16] : memref<10240xf32, #tpu.memory_space<vmem_shared>> -> memref<640xf32, #tpu.memory_space<vmem_shared>>
      %dma_wait3A_321 = tpu.memref_slice %arg31[%mul3A_16] : memref<10240xf32, #tpu.memory_space<vmem_shared>> -> memref<640xf32, #tpu.memory_space<vmem_shared>>
      tpu.wait_dma2 semaphore(%run_scoped3A_317 : memref<!tpu.dma_semaphore, #tpu.memory_space<semaphore_mem>>) src(%arg27 : memref<640xf32, #tpu.memory_space<vmem>>) dst(%dma_wait3A_321 : memref<640xf32, #tpu.memory_space<vmem_shared>>)
      tpu.yield
    }) : () -> ()
    "tpu.region"() ({
      %run_scoped3A_317 = tpu.sem_alloc : memref<!tpu.dma_semaphore, #tpu.memory_space<semaphore_mem>>
      %dma_start3A_318 = tpu.memref_slice %arg32[%mul3A_16] : memref<10240xf32, #tpu.memory_space<vmem_shared>> -> memref<640xf32, #tpu.memory_space<vmem_shared>>
      %dma_start3A_319 = tpu.memref_slice %arg32[%mul3A_16] : memref<10240xf32, #tpu.memory_space<vmem_shared>> -> memref<640xf32, #tpu.memory_space<vmem_shared>>
      tpu.enqueue_dma source(%arg28 : memref<640xf32, #tpu.memory_space<vmem>>) target(%dma_start3A_319 : memref<640xf32, #tpu.memory_space<vmem_shared>>) target_semaphore(%run_scoped3A_317 : memref<!tpu.dma_semaphore, #tpu.memory_space<semaphore_mem>>)
      %dma_wait3A_320 = tpu.memref_slice %arg32[%mul3A_16] : memref<10240xf32, #tpu.memory_space<vmem_shared>> -> memref<640xf32, #tpu.memory_space<vmem_shared>>
      %dma_wait3A_321 = tpu.memref_slice %arg32[%mul3A_16] : memref<10240xf32, #tpu.memory_space<vmem_shared>> -> memref<640xf32, #tpu.memory_space<vmem_shared>>
      tpu.wait_dma2 semaphore(%run_scoped3A_317 : memref<!tpu.dma_semaphore, #tpu.memory_space<semaphore_mem>>) src(%arg28 : memref<640xf32, #tpu.memory_space<vmem>>) dst(%dma_wait3A_321 : memref<640xf32, #tpu.memory_space<vmem_shared>>)
      tpu.yield
    }) : () -> ()
    %eq3A = arith.constant 0 : i32
    %eq3A_279 = arith.cmpi eq, %arg0, %eq3A : i32
    %convert_element_type3A = arith.extui %eq3A_279 : i1 to i32
    %cond3A = arith.constant 0 : i32
    %cond3A_280 = arith.cmpi ne, %convert_element_type3A, %cond3A : i32
    scf.if %cond3A_280 {
      "tpu.region"() ({
        %run_scoped3A_317 = tpu.sem_alloc : memref<!tpu.dma_semaphore, #tpu.memory_space<semaphore_mem>>
        %dma_start3A_318 = tpu.memref_slice %arg9[%mul3A_16] : memref<10240xf32, #tpu.memory_space<hbm>> -> memref<640xf32, #tpu.memory_space<hbm>>
        %dma_start3A_319 = tpu.memref_slice %arg9[%mul3A_16] : memref<10240xf32, #tpu.memory_space<hbm>> -> memref<640xf32, #tpu.memory_space<hbm>>
        tpu.enqueue_dma source(%arg29 : memref<640xf32, #tpu.memory_space<vmem>>) target(%dma_start3A_319 : memref<640xf32, #tpu.memory_space<hbm>>) target_semaphore(%run_scoped3A_317 : memref<!tpu.dma_semaphore, #tpu.memory_space<semaphore_mem>>)
        %dma_wait3A_320 = tpu.memref_slice %arg9[%mul3A_16] : memref<10240xf32, #tpu.memory_space<hbm>> -> memref<640xf32, #tpu.memory_space<hbm>>
        %dma_wait3A_321 = tpu.memref_slice %arg9[%mul3A_16] : memref<10240xf32, #tpu.memory_space<hbm>> -> memref<640xf32, #tpu.memory_space<hbm>>
        tpu.wait_dma2 semaphore(%run_scoped3A_317 : memref<!tpu.dma_semaphore, #tpu.memory_space<semaphore_mem>>) src(%arg29 : memref<640xf32, #tpu.memory_space<vmem>>) dst(%dma_wait3A_321 : memref<640xf32, #tpu.memory_space<hbm>>)
        tpu.yield
      }) : () -> ()
    } else {
    }
    %barrier3A_281 = arith.constant 0 : index
    tpu.barrier barrier_id(%barrier3A_281)
    "tpu.region"() ({
      %run_scoped3A_317 = tpu.sem_alloc : memref<!tpu.dma_semaphore, #tpu.memory_space<semaphore_mem>>
      tpu.enqueue_dma source(%arg31 : memref<10240xf32, #tpu.memory_space<vmem_shared>>) target(%arg21 : memref<10240xf32, #tpu.memory_space<vmem>>) target_semaphore(%run_scoped3A_317 : memref<!tpu.dma_semaphore, #tpu.memory_space<semaphore_mem>>)
      tpu.wait_dma2 semaphore(%run_scoped3A_317 : memref<!tpu.dma_semaphore, #tpu.memory_space<semaphore_mem>>) src(%arg31 : memref<10240xf32, #tpu.memory_space<vmem_shared>>) dst(%arg21 : memref<10240xf32, #tpu.memory_space<vmem>>)
      tpu.yield
    }) : () -> ()
    "tpu.region"() ({
      %run_scoped3A_317 = tpu.sem_alloc : memref<!tpu.dma_semaphore, #tpu.memory_space<semaphore_mem>>
      tpu.enqueue_dma source(%arg32 : memref<10240xf32, #tpu.memory_space<vmem_shared>>) target(%arg22 : memref<10240xf32, #tpu.memory_space<vmem>>) target_semaphore(%run_scoped3A_317 : memref<!tpu.dma_semaphore, #tpu.memory_space<semaphore_mem>>)
      tpu.wait_dma2 semaphore(%run_scoped3A_317 : memref<!tpu.dma_semaphore, #tpu.memory_space<semaphore_mem>>) src(%arg32 : memref<10240xf32, #tpu.memory_space<vmem_shared>>) dst(%arg22 : memref<10240xf32, #tpu.memory_space<vmem>>)
      tpu.yield
    }) : () -> ()
    %mul3A_282 = arith.constant 39 : i32
    %mul3A_283 = arith.muli %add3A, %mul3A_282 : i32
    %mul3A_284 = arith.constant 128 : i32
    %mul3A_285 = arith.muli %mul3A_283, %mul3A_284 : i32
    "tpu.region"() ({
      %run_scoped3A_317 = tpu.sem_alloc : memref<!tpu.dma_semaphore, #tpu.memory_space<semaphore_mem>>
      %dma_start3A_318 = tpu.memref_slice %arg2[%mul3A_285] : memref<159744xi32, #tpu.memory_space<hbm>> -> memref<128xi32, #tpu.memory_space<hbm>>
      %dma_start3A_319 = tpu.memref_slice %arg2[%mul3A_285] : memref<159744xi32, #tpu.memory_space<hbm>> -> memref<128xi32, #tpu.memory_space<hbm>>
      tpu.enqueue_dma source(%dma_start3A_319 : memref<128xi32, #tpu.memory_space<hbm>>) target(%arg10 : memref<128xi32, #tpu.memory_space<vmem>>) target_semaphore(%run_scoped3A_317 : memref<!tpu.dma_semaphore, #tpu.memory_space<semaphore_mem>>)
      %dma_wait3A_320 = tpu.memref_slice %arg2[%mul3A_285] : memref<159744xi32, #tpu.memory_space<hbm>> -> memref<128xi32, #tpu.memory_space<hbm>>
      %dma_wait3A_321 = tpu.memref_slice %arg2[%mul3A_285] : memref<159744xi32, #tpu.memory_space<hbm>> -> memref<128xi32, #tpu.memory_space<hbm>>
      tpu.wait_dma2 semaphore(%run_scoped3A_317 : memref<!tpu.dma_semaphore, #tpu.memory_space<semaphore_mem>>) src(%dma_wait3A_321 : memref<128xi32, #tpu.memory_space<hbm>>) dst(%arg10 : memref<128xi32, #tpu.memory_space<vmem>>)
      tpu.yield
    }) : () -> ()
    %scan3A_286 = arith.constant 0 : i32
    %scan3A_287 = arith.constant 19 : i32
    %scan3A_288 = arith.addi %scan3A_286, %scan3A_287 : i32
    %scan3A_289 = arith.constant 1 : i32
    scf.for %scan3A_317 = %scan3A_286 to %scan3A_288 step %scan3A_289  : i32 {
      %mul3A_318 = arith.constant 2 : i32
      %mul3A_319 = arith.muli %scan3A_317, %mul3A_318 : i32
      %add3A_320 = arith.constant 0 : i32
      %add3A_321 = arith.addi %add3A_320, %mul3A_319 : i32
      %add3A_322 = arith.constant 0 : i32
      %add3A_323 = arith.addi %add3A_321, %add3A_322 : i32
      %dma_start3A_324 = arith.constant 0 : i32
      %dma_start3A_325 = tpu.memref_slice %arg3[%dma_start3A_324] : memref<320835xi32, #tpu.memory_space<hbm>> -> memref<320835xi32, #tpu.memory_space<hbm>>
      tpu.enqueue_indirect_dma source(%dma_start3A_325 : memref<320835xi32, #tpu.memory_space<hbm>>) target(%arg12 : memref<128xi32, #tpu.memory_space<vmem>>) offsets(%arg10 : memref<128xi32, #tpu.memory_space<vmem>>) semaphore(%arg33 : memref<!tpu.dma_semaphore, #tpu.memory_space<semaphore_mem>>)
      %dma_start3A_326 = arith.constant 0 : i32
      %dma_start3A_327 = tpu.memref_slice %arg4[%dma_start3A_326] : memref<320835xi32, #tpu.memory_space<hbm>> -> memref<320835xi32, #tpu.memory_space<hbm>>
      tpu.enqueue_indirect_dma source(%dma_start3A_327 : memref<320835xi32, #tpu.memory_space<hbm>>) target(%arg14 : memref<128xi32, #tpu.memory_space<vmem>>) offsets(%arg10 : memref<128xi32, #tpu.memory_space<vmem>>) semaphore(%arg33 : memref<!tpu.dma_semaphore, #tpu.memory_space<semaphore_mem>>)
      %dma_start3A_328 = arith.constant 0 : i32
      %dma_start3A_329 = tpu.memref_slice %arg5[%dma_start3A_328] : memref<320835xf32, #tpu.memory_space<hbm>> -> memref<320835xf32, #tpu.memory_space<hbm>>
      tpu.enqueue_indirect_dma source(%dma_start3A_329 : memref<320835xf32, #tpu.memory_space<hbm>>) target(%arg16 : memref<128xf32, #tpu.memory_space<vmem>>) offsets(%arg10 : memref<128xi32, #tpu.memory_space<vmem>>) semaphore(%arg33 : memref<!tpu.dma_semaphore, #tpu.memory_space<semaphore_mem>>)
      %gt3A = arith.constant 0 : i32
      %gt3A_330 = arith.cmpi sgt, %add3A_323, %gt3A : i32
      %convert_element_type3A_331 = arith.extui %gt3A_330 : i1 to i32
      %cond3A_332 = arith.constant 0 : i32
      %cond3A_333 = arith.cmpi ne, %convert_element_type3A_331, %cond3A_332 : i32
      scf.if %cond3A_333 {
        %sub3A = arith.constant 1 : i32
        %sub3A_372 = arith.subi %add3A_323, %sub3A : i32
        %scan3A_373 = arith.constant 0 : i32
        %scan3A_374 = arith.constant 0 : i32
        %scan3A_375 = arith.constant 8 : i32
        %scan3A_376 = arith.addi %scan3A_374, %scan3A_375 : i32
        %scan3A_377 = arith.constant 1 : i32
        scf.for %scan3A_382 = %scan3A_374 to %scan3A_376 step %scan3A_377  : i32 {
          %mul3A_383 = arith.constant 16 : i32
          %mul3A_384 = arith.muli %scan3A_382, %mul3A_383 : i32
          %get3A = arith.index_cast %mul3A_384 : i32 to index
          %get3A_385 = tpu.vector_load %arg13[%get3A] {strides = array<i32>} : memref<128xi32, #tpu.memory_space<vmem>>, vector<16xi32>,
          %get3A_386 = arith.index_cast %mul3A_384 : i32 to index
          %get3A_387 = tpu.vector_load %arg17[%get3A_386] {strides = array<i32>} : memref<128xf32, #tpu.memory_space<vmem>>, vector<16xf32>,
          %gather3A = tpu.vector_load_idx %arg21[%get3A_385] : memref<10240xf32, #tpu.memory_space<vmem>>[vector<16xi32>], vector<16xf32>,
          %mul3A_388 = arith.mulf %get3A_387, %gather3A : vector<16xf32>
          %swap3A = arith.index_cast %mul3A_384 : i32 to index
          %swap3A_389 = tpu.vector_load %arg18[%swap3A] {strides = array<i32>} : memref<128xf32, #tpu.memory_space<vmem>>, vector<16xf32>,
          tpu.vector_store %arg18[%swap3A], %mul3A_388 {strides = array<i32>} : memref<128xf32, #tpu.memory_space<vmem>>, vector<16xf32>,
          %gather3A_390 = tpu.vector_load_idx %arg22[%get3A_385] : memref<10240xf32, #tpu.memory_space<vmem>>[vector<16xi32>], vector<16xf32>,
          %mul3A_391 = arith.mulf %get3A_387, %gather3A_390 : vector<16xf32>
          %swap3A_392 = arith.index_cast %mul3A_384 : i32 to index
          %swap3A_393 = tpu.vector_load %arg19[%swap3A_392] {strides = array<i32>} : memref<128xf32, #tpu.memory_space<vmem>>, vector<16xf32>,
          tpu.vector_store %arg19[%swap3A_392], %mul3A_391 {strides = array<i32>} : memref<128xf32, #tpu.memory_space<vmem>>, vector<16xf32>,
          %shift_left3A = arith.constant 16 : i32
          %shift_left3A_394 = vector.broadcast %shift_left3A : i32 to vector<16xi32>
          %shift_left3A_395 = arith.shli %get3A_385, %shift_left3A_394 : vector<16xi32>
          %get3A_396 = arith.index_cast %mul3A_384 : i32 to index
          %get3A_397 = tpu.vector_load %arg15[%get3A_396] {strides = array<i32>} : memref<128xi32, #tpu.memory_space<vmem>>, vector<16xi32>,
          %or3A = arith.ori %shift_left3A_395, %get3A_397 : vector<16xi32>
          %swap3A_398 = arith.index_cast %mul3A_384 : i32 to index
          %swap3A_399 = tpu.vector_load %arg20[%swap3A_398] {strides = array<i32>} : memref<128xi32, #tpu.memory_space<vmem>>, vector<16xi32>,
          tpu.vector_store %arg20[%swap3A_398], %or3A {strides = array<i32>} : memref<128xi32, #tpu.memory_space<vmem>>, vector<16xi32>,
        }
        %scan3A_378 = arith.constant 8 : i32
        %mul3A_379 = arith.constant 128 : i32
        %mul3A_380 = arith.muli %sub3A_372, %mul3A_379 : i32
        %add3A_381 = arith.addi %mul3A_285, %mul3A_380 : i32
        "tpu.region"() ({
          %run_scoped3A_382 = tpu.sem_alloc : memref<!tpu.dma_semaphore, #tpu.memory_space<semaphore_mem>>
          %dma_start3A_383 = tpu.memref_slice %arg6[%add3A_381] : memref<159744xi32, #tpu.memory_space<hbm>> -> memref<128xi32, #tpu.memory_space<hbm>>
          %dma_start3A_384 = tpu.memref_slice %arg6[%add3A_381] : memref<159744xi32, #tpu.memory_space<hbm>> -> memref<128xi32, #tpu.memory_space<hbm>>
          tpu.enqueue_dma source(%arg20 : memref<128xi32, #tpu.memory_space<vmem>>) target(%dma_start3A_384 : memref<128xi32, #tpu.memory_space<hbm>>) target_semaphore(%run_scoped3A_382 : memref<!tpu.dma_semaphore, #tpu.memory_space<semaphore_mem>>)
          %dma_wait3A_385 = tpu.memref_slice %arg6[%add3A_381] : memref<159744xi32, #tpu.memory_space<hbm>> -> memref<128xi32, #tpu.memory_space<hbm>>
          %dma_wait3A_386 = tpu.memref_slice %arg6[%add3A_381] : memref<159744xi32, #tpu.memory_space<hbm>> -> memref<128xi32, #tpu.memory_space<hbm>>
          tpu.wait_dma2 semaphore(%run_scoped3A_382 : memref<!tpu.dma_semaphore, #tpu.memory_space<semaphore_mem>>) src(%arg20 : memref<128xi32, #tpu.memory_space<vmem>>) dst(%dma_wait3A_386 : memref<128xi32, #tpu.memory_space<hbm>>)
          tpu.yield
        }) : () -> ()
        "tpu.region"() ({
          %run_scoped3A_382 = tpu.sem_alloc : memref<!tpu.dma_semaphore, #tpu.memory_space<semaphore_mem>>
          %dma_start3A_383 = tpu.memref_slice %arg7[%add3A_381] : memref<159744xf32, #tpu.memory_space<hbm>> -> memref<128xf32, #tpu.memory_space<hbm>>
          %dma_start3A_384 = tpu.memref_slice %arg7[%add3A_381] : memref<159744xf32, #tpu.memory_space<hbm>> -> memref<128xf32, #tpu.memory_space<hbm>>
          tpu.enqueue_dma source(%arg18 : memref<128xf32, #tpu.memory_space<vmem>>) target(%dma_start3A_384 : memref<128xf32, #tpu.memory_space<hbm>>) target_semaphore(%run_scoped3A_382 : memref<!tpu.dma_semaphore, #tpu.memory_space<semaphore_mem>>)
          %dma_wait3A_385 = tpu.memref_slice %arg7[%add3A_381] : memref<159744xf32, #tpu.memory_space<hbm>> -> memref<128xf32, #tpu.memory_space<hbm>>
          %dma_wait3A_386 = tpu.memref_slice %arg7[%add3A_381] : memref<159744xf32, #tpu.memory_space<hbm>> -> memref<128xf32, #tpu.memory_space<hbm>>
          tpu.wait_dma2 semaphore(%run_scoped3A_382 : memref<!tpu.dma_semaphore, #tpu.memory_space<semaphore_mem>>) src(%arg18 : memref<128xf32, #tpu.memory_space<vmem>>) dst(%dma_wait3A_386 : memref<128xf32, #tpu.memory_space<hbm>>)
          tpu.yield
        }) : () -> ()
        "tpu.region"() ({
          %run_scoped3A_382 = tpu.sem_alloc : memref<!tpu.dma_semaphore, #tpu.memory_space<semaphore_mem>>
          %dma_start3A_383 = tpu.memref_slice %arg8[%add3A_381] : memref<159744xf32, #tpu.memory_space<hbm>> -> memref<128xf32, #tpu.memory_space<hbm>>
          %dma_start3A_384 = tpu.memref_slice %arg8[%add3A_381] : memref<159744xf32, #tpu.memory_space<hbm>> -> memref<128xf32, #tpu.memory_space<hbm>>
          tpu.enqueue_dma source(%arg19 : memref<128xf32, #tpu.memory_space<vmem>>) target(%dma_start3A_384 : memref<128xf32, #tpu.memory_space<hbm>>) target_semaphore(%run_scoped3A_382 : memref<!tpu.dma_semaphore, #tpu.memory_space<semaphore_mem>>)
          %dma_wait3A_385 = tpu.memref_slice %arg8[%add3A_381] : memref<159744xf32, #tpu.memory_space<hbm>> -> memref<128xf32, #tpu.memory_space<hbm>>
          %dma_wait3A_386 = tpu.memref_slice %arg8[%add3A_381] : memref<159744xf32, #tpu.memory_space<hbm>> -> memref<128xf32, #tpu.memory_space<hbm>>
          tpu.wait_dma2 semaphore(%run_scoped3A_382 : memref<!tpu.dma_semaphore, #tpu.memory_space<semaphore_mem>>) src(%arg19 : memref<128xf32, #tpu.memory_space<vmem>>) dst(%dma_wait3A_386 : memref<128xf32, #tpu.memory_space<hbm>>)
          tpu.yield
        }) : () -> ()
      } else {
      }
      %add3A_334 = arith.constant 1 : i32
      %add3A_335 = arith.addi %add3A_323, %add3A_334 : i32
      %lt3A = arith.constant 39 : i32
      %lt3A_336 = arith.cmpi slt, %add3A_335, %lt3A : i32
      %convert_element_type3A_337 = arith.extui %lt3A_336 : i1 to i32
      %cond3A_338 = arith.constant 0 : i32
      %cond3A_339 = arith.cmpi ne, %convert_element_type3A_337, %cond3A_338 : i32
      scf.if %cond3A_339 {
        %add3A_372 = arith.constant 1 : i32
        %add3A_373 = arith.addi %add3A_323, %add3A_372 : i32
        %mul3A_374 = arith.constant 128 : i32
        %mul3A_375 = arith.muli %add3A_373, %mul3A_374 : i32
        %add3A_376 = arith.addi %mul3A_285, %mul3A_375 : i32
        "tpu.region"() ({
          %run_scoped3A_377 = tpu.sem_alloc : memref<!tpu.dma_semaphore, #tpu.memory_space<semaphore_mem>>
          %dma_start3A_378 = tpu.memref_slice %arg2[%add3A_376] : memref<159744xi32, #tpu.memory_space<hbm>> -> memref<128xi32, #tpu.memory_space<hbm>>
          %dma_start3A_379 = tpu.memref_slice %arg2[%add3A_376] : memref<159744xi32, #tpu.memory_space<hbm>> -> memref<128xi32, #tpu.memory_space<hbm>>
          tpu.enqueue_dma source(%dma_start3A_379 : memref<128xi32, #tpu.memory_space<hbm>>) target(%arg11 : memref<128xi32, #tpu.memory_space<vmem>>) target_semaphore(%run_scoped3A_377 : memref<!tpu.dma_semaphore, #tpu.memory_space<semaphore_mem>>)
          %dma_wait3A_380 = tpu.memref_slice %arg2[%add3A_376] : memref<159744xi32, #tpu.memory_space<hbm>> -> memref<128xi32, #tpu.memory_space<hbm>>
          %dma_wait3A_381 = tpu.memref_slice %arg2[%add3A_376] : memref<159744xi32, #tpu.memory_space<hbm>> -> memref<128xi32, #tpu.memory_space<hbm>>
          tpu.wait_dma2 semaphore(%run_scoped3A_377 : memref<!tpu.dma_semaphore, #tpu.memory_space<semaphore_mem>>) src(%dma_wait3A_381 : memref<128xi32, #tpu.memory_space<hbm>>) dst(%arg11 : memref<128xi32, #tpu.memory_space<vmem>>)
          tpu.yield
        }) : () -> ()
      } else {
      }
      %dma_wait3A_340 = arith.constant 0 : i32
      %dma_wait3A_341 = tpu.memref_slice %arg3[%dma_wait3A_340] : memref<320835xi32, #tpu.memory_space<hbm>> -> memref<320835xi32, #tpu.memory_space<hbm>>
      tpu.wait_indirect_dma semaphore(%arg33 : memref<!tpu.dma_semaphore, #tpu.memory_space<semaphore_mem>>) src(%dma_wait3A_341 : memref<320835xi32, #tpu.memory_space<hbm>>) dst(%arg12 : memref<128xi32, #tpu.memory_space<vmem>>)
      %dma_wait3A_342 = arith.constant 0 : i32
      %dma_wait3A_343 = tpu.memref_slice %arg4[%dma_wait3A_342] : memref<320835xi32, #tpu.memory_space<hbm>> -> memref<320835xi32, #tpu.memory_space<hbm>>
      tpu.wait_indirect_dma semaphore(%arg33 : memref<!tpu.dma_semaphore, #tpu.memory_space<semaphore_mem>>) src(%dma_wait3A_343 : memref<320835xi32, #tpu.memory_space<hbm>>) dst(%arg14 : memref<128xi32, #tpu.memory_space<vmem>>)
      %dma_wait3A_344 = arith.constant 0 : i32
      %dma_wait3A_345 = tpu.memref_slice %arg5[%dma_wait3A_344] : memref<320835xf32, #tpu.memory_space<hbm>> -> memref<320835xf32, #tpu.memory_space<hbm>>
      tpu.wait_indirect_dma semaphore(%arg33 : memref<!tpu.dma_semaphore, #tpu.memory_space<semaphore_mem>>) src(%dma_wait3A_345 : memref<320835xf32, #tpu.memory_space<hbm>>) dst(%arg16 : memref<128xf32, #tpu.memory_space<vmem>>)
      %add3A_346 = arith.constant 1 : i32
      %add3A_347 = arith.addi %add3A_321, %add3A_346 : i32
      %dma_start3A_348 = arith.constant 0 : i32
      %dma_start3A_349 = tpu.memref_slice %arg3[%dma_start3A_348] : memref<320835xi32, #tpu.memory_space<hbm>> -> memref<320835xi32, #tpu.memory_space<hbm>>
      tpu.enqueue_indirect_dma source(%dma_start3A_349 : memref<320835xi32, #tpu.memory_space<hbm>>) target(%arg13 : memref<128xi32, #tpu.memory_space<vmem>>) offsets(%arg11 : memref<128xi32, #tpu.memory_space<vmem>>) semaphore(%arg33 : memref<!tpu.dma_semaphore, #tpu.memory_space<semaphore_mem>>)
      %dma_start3A_350 = arith.constant 0 : i32
      %dma_start3A_351 = tpu.memref_slice %arg4[%dma_start3A_350] : memref<320835xi32, #tpu.memory_space<hbm>> -> memref<320835xi32, #tpu.memory_space<hbm>>
      tpu.enqueue_indirect_dma source(%dma_start3A_351 : memref<320835xi32, #tpu.memory_space<hbm>>) target(%arg15 : memref<128xi32, #tpu.memory_space<vmem>>) offsets(%arg11 : memref<128xi32, #tpu.memory_space<vmem>>) semaphore(%arg33 : memref<!tpu.dma_semaphore, #tpu.memory_space<semaphore_mem>>)
      %dma_start3A_352 = arith.constant 0 : i32
      %dma_start3A_353 = tpu.memref_slice %arg5[%dma_start3A_352] : memref<320835xf32, #tpu.memory_space<hbm>> -> memref<320835xf32, #tpu.memory_space<hbm>>
      tpu.enqueue_indirect_dma source(%dma_start3A_353 : memref<320835xf32, #tpu.memory_space<hbm>>) target(%arg17 : memref<128xf32, #tpu.memory_space<vmem>>) offsets(%arg11 : memref<128xi32, #tpu.memory_space<vmem>>) semaphore(%arg33 : memref<!tpu.dma_semaphore, #tpu.memory_space<semaphore_mem>>)
      %gt3A_354 = arith.constant 0 : i32
      %gt3A_355 = arith.cmpi sgt, %add3A_347, %gt3A_354 : i32
      %convert_element_type3A_356 = arith.extui %gt3A_355 : i1 to i32
      %cond3A_357 = arith.constant 0 : i32
      %cond3A_358 = arith.cmpi ne, %convert_element_type3A_356, %cond3A_357 : i32
      scf.if %cond3A_358 {
        %sub3A = arith.constant 1 : i32
        %sub3A_372 = arith.subi %add3A_347, %sub3A : i32
        %scan3A_373 = arith.constant 0 : i32
        %scan3A_374 = arith.constant 0 : i32
        %scan3A_375 = arith.constant 8 : i32
        %scan3A_376 = arith.addi %scan3A_374, %scan3A_375 : i32
        %scan3A_377 = arith.constant 1 : i32
        scf.for %scan3A_382 = %scan3A_374 to %scan3A_376 step %scan3A_377  : i32 {
          %mul3A_383 = arith.constant 16 : i32
          %mul3A_384 = arith.muli %scan3A_382, %mul3A_383 : i32
          %get3A = arith.index_cast %mul3A_384 : i32 to index
          %get3A_385 = tpu.vector_load %arg12[%get3A] {strides = array<i32>} : memref<128xi32, #tpu.memory_space<vmem>>, vector<16xi32>,
          %get3A_386 = arith.index_cast %mul3A_384 : i32 to index
          %get3A_387 = tpu.vector_load %arg16[%get3A_386] {strides = array<i32>} : memref<128xf32, #tpu.memory_space<vmem>>, vector<16xf32>,
          %gather3A = tpu.vector_load_idx %arg21[%get3A_385] : memref<10240xf32, #tpu.memory_space<vmem>>[vector<16xi32>], vector<16xf32>,
          %mul3A_388 = arith.mulf %get3A_387, %gather3A : vector<16xf32>
          %swap3A = arith.index_cast %mul3A_384 : i32 to index
          %swap3A_389 = tpu.vector_load %arg18[%swap3A] {strides = array<i32>} : memref<128xf32, #tpu.memory_space<vmem>>, vector<16xf32>,
          tpu.vector_store %arg18[%swap3A], %mul3A_388 {strides = array<i32>} : memref<128xf32, #tpu.memory_space<vmem>>, vector<16xf32>,
          %gather3A_390 = tpu.vector_load_idx %arg22[%get3A_385] : memref<10240xf32, #tpu.memory_space<vmem>>[vector<16xi32>], vector<16xf32>,
          %mul3A_391 = arith.mulf %get3A_387, %gather3A_390 : vector<16xf32>
          %swap3A_392 = arith.index_cast %mul3A_384 : i32 to index
          %swap3A_393 = tpu.vector_load %arg19[%swap3A_392] {strides = array<i32>} : memref<128xf32, #tpu.memory_space<vmem>>, vector<16xf32>,
          tpu.vector_store %arg19[%swap3A_392], %mul3A_391 {strides = array<i32>} : memref<128xf32, #tpu.memory_space<vmem>>, vector<16xf32>,
          %shift_left3A = arith.constant 16 : i32
          %shift_left3A_394 = vector.broadcast %shift_left3A : i32 to vector<16xi32>
          %shift_left3A_395 = arith.shli %get3A_385, %shift_left3A_394 : vector<16xi32>
          %get3A_396 = arith.index_cast %mul3A_384 : i32 to index
          %get3A_397 = tpu.vector_load %arg14[%get3A_396] {strides = array<i32>} : memref<128xi32, #tpu.memory_space<vmem>>, vector<16xi32>,
          %or3A = arith.ori %shift_left3A_395, %get3A_397 : vector<16xi32>
          %swap3A_398 = arith.index_cast %mul3A_384 : i32 to index
          %swap3A_399 = tpu.vector_load %arg20[%swap3A_398] {strides = array<i32>} : memref<128xi32, #tpu.memory_space<vmem>>, vector<16xi32>,
          tpu.vector_store %arg20[%swap3A_398], %or3A {strides = array<i32>} : memref<128xi32, #tpu.memory_space<vmem>>, vector<16xi32>,
        }
        %scan3A_378 = arith.constant 8 : i32
        %mul3A_379 = arith.constant 128 : i32
        %mul3A_380 = arith.muli %sub3A_372, %mul3A_379 : i32
        %add3A_381 = arith.addi %mul3A_285, %mul3A_380 : i32
        "tpu.region"() ({
          %run_scoped3A_382 = tpu.sem_alloc : memref<!tpu.dma_semaphore, #tpu.memory_space<semaphore_mem>>
          %dma_start3A_383 = tpu.memref_slice %arg6[%add3A_381] : memref<159744xi32, #tpu.memory_space<hbm>> -> memref<128xi32, #tpu.memory_space<hbm>>
          %dma_start3A_384 = tpu.memref_slice %arg6[%add3A_381] : memref<159744xi32, #tpu.memory_space<hbm>> -> memref<128xi32, #tpu.memory_space<hbm>>
          tpu.enqueue_dma source(%arg20 : memref<128xi32, #tpu.memory_space<vmem>>) target(%dma_start3A_384 : memref<128xi32, #tpu.memory_space<hbm>>) target_semaphore(%run_scoped3A_382 : memref<!tpu.dma_semaphore, #tpu.memory_space<semaphore_mem>>)
          %dma_wait3A_385 = tpu.memref_slice %arg6[%add3A_381] : memref<159744xi32, #tpu.memory_space<hbm>> -> memref<128xi32, #tpu.memory_space<hbm>>
          %dma_wait3A_386 = tpu.memref_slice %arg6[%add3A_381] : memref<159744xi32, #tpu.memory_space<hbm>> -> memref<128xi32, #tpu.memory_space<hbm>>
          tpu.wait_dma2 semaphore(%run_scoped3A_382 : memref<!tpu.dma_semaphore, #tpu.memory_space<semaphore_mem>>) src(%arg20 : memref<128xi32, #tpu.memory_space<vmem>>) dst(%dma_wait3A_386 : memref<128xi32, #tpu.memory_space<hbm>>)
          tpu.yield
        }) : () -> ()
        "tpu.region"() ({
          %run_scoped3A_382 = tpu.sem_alloc : memref<!tpu.dma_semaphore, #tpu.memory_space<semaphore_mem>>
          %dma_start3A_383 = tpu.memref_slice %arg7[%add3A_381] : memref<159744xf32, #tpu.memory_space<hbm>> -> memref<128xf32, #tpu.memory_space<hbm>>
          %dma_start3A_384 = tpu.memref_slice %arg7[%add3A_381] : memref<159744xf32, #tpu.memory_space<hbm>> -> memref<128xf32, #tpu.memory_space<hbm>>
          tpu.enqueue_dma source(%arg18 : memref<128xf32, #tpu.memory_space<vmem>>) target(%dma_start3A_384 : memref<128xf32, #tpu.memory_space<hbm>>) target_semaphore(%run_scoped3A_382 : memref<!tpu.dma_semaphore, #tpu.memory_space<semaphore_mem>>)
          %dma_wait3A_385 = tpu.memref_slice %arg7[%add3A_381] : memref<159744xf32, #tpu.memory_space<hbm>> -> memref<128xf32, #tpu.memory_space<hbm>>
          %dma_wait3A_386 = tpu.memref_slice %arg7[%add3A_381] : memref<159744xf32, #tpu.memory_space<hbm>> -> memref<128xf32, #tpu.memory_space<hbm>>
          tpu.wait_dma2 semaphore(%run_scoped3A_382 : memref<!tpu.dma_semaphore, #tpu.memory_space<semaphore_mem>>) src(%arg18 : memref<128xf32, #tpu.memory_space<vmem>>) dst(%dma_wait3A_386 : memref<128xf32, #tpu.memory_space<hbm>>)
          tpu.yield
        }) : () -> ()
        "tpu.region"() ({
          %run_scoped3A_382 = tpu.sem_alloc : memref<!tpu.dma_semaphore, #tpu.memory_space<semaphore_mem>>
          %dma_start3A_383 = tpu.memref_slice %arg8[%add3A_381] : memref<159744xf32, #tpu.memory_space<hbm>> -> memref<128xf32, #tpu.memory_space<hbm>>
          %dma_start3A_384 = tpu.memref_slice %arg8[%add3A_381] : memref<159744xf32, #tpu.memory_space<hbm>> -> memref<128xf32, #tpu.memory_space<hbm>>
          tpu.enqueue_dma source(%arg19 : memref<128xf32, #tpu.memory_space<vmem>>) target(%dma_start3A_384 : memref<128xf32, #tpu.memory_space<hbm>>) target_semaphore(%run_scoped3A_382 : memref<!tpu.dma_semaphore, #tpu.memory_space<semaphore_mem>>)
          %dma_wait3A_385 = tpu.memref_slice %arg8[%add3A_381] : memref<159744xf32, #tpu.memory_space<hbm>> -> memref<128xf32, #tpu.memory_space<hbm>>
          %dma_wait3A_386 = tpu.memref_slice %arg8[%add3A_381] : memref<159744xf32, #tpu.memory_space<hbm>> -> memref<128xf32, #tpu.memory_space<hbm>>
          tpu.wait_dma2 semaphore(%run_scoped3A_382 : memref<!tpu.dma_semaphore, #tpu.memory_space<semaphore_mem>>) src(%arg19 : memref<128xf32, #tpu.memory_space<vmem>>) dst(%dma_wait3A_386 : memref<128xf32, #tpu.memory_space<hbm>>)
          tpu.yield
        }) : () -> ()
      } else {
      }
      %add3A_359 = arith.constant 1 : i32
      %add3A_360 = arith.addi %add3A_347, %add3A_359 : i32
      %lt3A_361 = arith.constant 39 : i32
      %lt3A_362 = arith.cmpi slt, %add3A_360, %lt3A_361 : i32
      %convert_element_type3A_363 = arith.extui %lt3A_362 : i1 to i32
      %cond3A_364 = arith.constant 0 : i32
      %cond3A_365 = arith.cmpi ne, %convert_element_type3A_363, %cond3A_364 : i32
      scf.if %cond3A_365 {
        %add3A_372 = arith.constant 1 : i32
        %add3A_373 = arith.addi %add3A_347, %add3A_372 : i32
        %mul3A_374 = arith.constant 128 : i32
        %mul3A_375 = arith.muli %add3A_373, %mul3A_374 : i32
        %add3A_376 = arith.addi %mul3A_285, %mul3A_375 : i32
        "tpu.region"() ({
          %run_scoped3A_377 = tpu.sem_alloc : memref<!tpu.dma_semaphore, #tpu.memory_space<semaphore_mem>>
          %dma_start3A_378 = tpu.memref_slice %arg2[%add3A_376] : memref<159744xi32, #tpu.memory_space<hbm>> -> memref<128xi32, #tpu.memory_space<hbm>>
          %dma_start3A_379 = tpu.memref_slice %arg2[%add3A_376] : memref<159744xi32, #tpu.memory_space<hbm>> -> memref<128xi32, #tpu.memory_space<hbm>>
          tpu.enqueue_dma source(%dma_start3A_379 : memref<128xi32, #tpu.memory_space<hbm>>) target(%arg10 : memref<128xi32, #tpu.memory_space<vmem>>) target_semaphore(%run_scoped3A_377 : memref<!tpu.dma_semaphore, #tpu.memory_space<semaphore_mem>>)
          %dma_wait3A_380 = tpu.memref_slice %arg2[%add3A_376] : memref<159744xi32, #tpu.memory_space<hbm>> -> memref<128xi32, #tpu.memory_space<hbm>>
          %dma_wait3A_381 = tpu.memref_slice %arg2[%add3A_376] : memref<159744xi32, #tpu.memory_space<hbm>> -> memref<128xi32, #tpu.memory_space<hbm>>
          tpu.wait_dma2 semaphore(%run_scoped3A_377 : memref<!tpu.dma_semaphore, #tpu.memory_space<semaphore_mem>>) src(%dma_wait3A_381 : memref<128xi32, #tpu.memory_space<hbm>>) dst(%arg10 : memref<128xi32, #tpu.memory_space<vmem>>)
          tpu.yield
        }) : () -> ()
      } else {
      }
      %dma_wait3A_366 = arith.constant 0 : i32
      %dma_wait3A_367 = tpu.memref_slice %arg3[%dma_wait3A_366] : memref<320835xi32, #tpu.memory_space<hbm>> -> memref<320835xi32, #tpu.memory_space<hbm>>
      tpu.wait_indirect_dma semaphore(%arg33 : memref<!tpu.dma_semaphore, #tpu.memory_space<semaphore_mem>>) src(%dma_wait3A_367 : memref<320835xi32, #tpu.memory_space<hbm>>) dst(%arg13 : memref<128xi32, #tpu.memory_space<vmem>>)
      %dma_wait3A_368 = arith.constant 0 : i32
      %dma_wait3A_369 = tpu.memref_slice %arg4[%dma_wait3A_368] : memref<320835xi32, #tpu.memory_space<hbm>> -> memref<320835xi32, #tpu.memory_space<hbm>>
      tpu.wait_indirect_dma semaphore(%arg33 : memref<!tpu.dma_semaphore, #tpu.memory_space<semaphore_mem>>) src(%dma_wait3A_369 : memref<320835xi32, #tpu.memory_space<hbm>>) dst(%arg15 : memref<128xi32, #tpu.memory_space<vmem>>)
      %dma_wait3A_370 = arith.constant 0 : i32
      %dma_wait3A_371 = tpu.memref_slice %arg5[%dma_wait3A_370] : memref<320835xf32, #tpu.memory_space<hbm>> -> memref<320835xf32, #tpu.memory_space<hbm>>
      tpu.wait_indirect_dma semaphore(%arg33 : memref<!tpu.dma_semaphore, #tpu.memory_space<semaphore_mem>>) src(%dma_wait3A_371 : memref<320835xf32, #tpu.memory_space<hbm>>) dst(%arg17 : memref<128xf32, #tpu.memory_space<vmem>>)
    }
    %scan3A_290 = arith.constant 19 : i32
    %dma_start3A = arith.constant 0 : i32
    %dma_start3A_291 = tpu.memref_slice %arg3[%dma_start3A] : memref<320835xi32, #tpu.memory_space<hbm>> -> memref<320835xi32, #tpu.memory_space<hbm>>
    tpu.enqueue_indirect_dma source(%dma_start3A_291 : memref<320835xi32, #tpu.memory_space<hbm>>) target(%arg12 : memref<128xi32, #tpu.memory_space<vmem>>) offsets(%arg10 : memref<128xi32, #tpu.memory_space<vmem>>) semaphore(%arg33 : memref<!tpu.dma_semaphore, #tpu.memory_space<semaphore_mem>>)
    %dma_start3A_292 = arith.constant 0 : i32
    %dma_start3A_293 = tpu.memref_slice %arg4[%dma_start3A_292] : memref<320835xi32, #tpu.memory_space<hbm>> -> memref<320835xi32, #tpu.memory_space<hbm>>
    tpu.enqueue_indirect_dma source(%dma_start3A_293 : memref<320835xi32, #tpu.memory_space<hbm>>) target(%arg14 : memref<128xi32, #tpu.memory_space<vmem>>) offsets(%arg10 : memref<128xi32, #tpu.memory_space<vmem>>) semaphore(%arg33 : memref<!tpu.dma_semaphore, #tpu.memory_space<semaphore_mem>>)
    %dma_start3A_294 = arith.constant 0 : i32
    %dma_start3A_295 = tpu.memref_slice %arg5[%dma_start3A_294] : memref<320835xf32, #tpu.memory_space<hbm>> -> memref<320835xf32, #tpu.memory_space<hbm>>
    tpu.enqueue_indirect_dma source(%dma_start3A_295 : memref<320835xf32, #tpu.memory_space<hbm>>) target(%arg16 : memref<128xf32, #tpu.memory_space<vmem>>) offsets(%arg10 : memref<128xi32, #tpu.memory_space<vmem>>) semaphore(%arg33 : memref<!tpu.dma_semaphore, #tpu.memory_space<semaphore_mem>>)
    %scan3A_296 = arith.constant 0 : i32
    %scan3A_297 = arith.constant 0 : i32
    %scan3A_298 = arith.constant 8 : i32
    %scan3A_299 = arith.addi %scan3A_297, %scan3A_298 : i32
    %scan3A_300 = arith.constant 1 : i32
    scf.for %scan3A_317 = %scan3A_297 to %scan3A_299 step %scan3A_300  : i32 {
      %mul3A_318 = arith.constant 16 : i32
      %mul3A_319 = arith.muli %scan3A_317, %mul3A_318 : i32
      %get3A = arith.index_cast %mul3A_319 : i32 to index
      %get3A_320 = tpu.vector_load %arg13[%get3A] {strides = array<i32>} : memref<128xi32, #tpu.memory_space<vmem>>, vector<16xi32>,
      %get3A_321 = arith.index_cast %mul3A_319 : i32 to index
      %get3A_322 = tpu.vector_load %arg17[%get3A_321] {strides = array<i32>} : memref<128xf32, #tpu.memory_space<vmem>>, vector<16xf32>,
      %gather3A = tpu.vector_load_idx %arg21[%get3A_320] : memref<10240xf32, #tpu.memory_space<vmem>>[vector<16xi32>], vector<16xf32>,
      %mul3A_323 = arith.mulf %get3A_322, %gather3A : vector<16xf32>
      %swap3A = arith.index_cast %mul3A_319 : i32 to index
      %swap3A_324 = tpu.vector_load %arg18[%swap3A] {strides = array<i32>} : memref<128xf32, #tpu.memory_space<vmem>>, vector<16xf32>,
      tpu.vector_store %arg18[%swap3A], %mul3A_323 {strides = array<i32>} : memref<128xf32, #tpu.memory_space<vmem>>, vector<16xf32>,
      %gather3A_325 = tpu.vector_load_idx %arg22[%get3A_320] : memref<10240xf32, #tpu.memory_space<vmem>>[vector<16xi32>], vector<16xf32>,
      %mul3A_326 = arith.mulf %get3A_322, %gather3A_325 : vector<16xf32>
      %swap3A_327 = arith.index_cast %mul3A_319 : i32 to index
      %swap3A_328 = tpu.vector_load %arg19[%swap3A_327] {strides = array<i32>} : memref<128xf32, #tpu.memory_space<vmem>>, vector<16xf32>,
      tpu.vector_store %arg19[%swap3A_327], %mul3A_326 {strides = array<i32>} : memref<128xf32, #tpu.memory_space<vmem>>, vector<16xf32>,
      %shift_left3A = arith.constant 16 : i32
      %shift_left3A_329 = vector.broadcast %shift_left3A : i32 to vector<16xi32>
      %shift_left3A_330 = arith.shli %get3A_320, %shift_left3A_329 : vector<16xi32>
      %get3A_331 = arith.index_cast %mul3A_319 : i32 to index
      %get3A_332 = tpu.vector_load %arg15[%get3A_331] {strides = array<i32>} : memref<128xi32, #tpu.memory_space<vmem>>, vector<16xi32>,
      %or3A = arith.ori %shift_left3A_330, %get3A_332 : vector<16xi32>
      %swap3A_333 = arith.index_cast %mul3A_319 : i32 to index
      %swap3A_334 = tpu.vector_load %arg20[%swap3A_333] {strides = array<i32>} : memref<128xi32, #tpu.memory_space<vmem>>, vector<16xi32>,
      tpu.vector_store %arg20[%swap3A_333], %or3A {strides = array<i32>} : memref<128xi32, #tpu.memory_space<vmem>>, vector<16xi32>,
    }
    %scan3A_301 = arith.constant 8 : i32
    %add3A_302 = arith.constant 4736 : i32
    %add3A_303 = arith.addi %mul3A_285, %add3A_302 : i32
    "tpu.region"() ({
      %run_scoped3A_317 = tpu.sem_alloc : memref<!tpu.dma_semaphore, #tpu.memory_space<semaphore_mem>>
      %dma_start3A_318 = tpu.memref_slice %arg6[%add3A_303] : memref<159744xi32, #tpu.memory_space<hbm>> -> memref<128xi32, #tpu.memory_space<hbm>>
      %dma_start3A_319 = tpu.memref_slice %arg6[%add3A_303] : memref<159744xi32, #tpu.memory_space<hbm>> -> memref<128xi32, #tpu.memory_space<hbm>>
      tpu.enqueue_dma source(%arg20 : memref<128xi32, #tpu.memory_space<vmem>>) target(%dma_start3A_319 : memref<128xi32, #tpu.memory_space<hbm>>) target_semaphore(%run_scoped3A_317 : memref<!tpu.dma_semaphore, #tpu.memory_space<semaphore_mem>>)
      %dma_wait3A_320 = tpu.memref_slice %arg6[%add3A_303] : memref<159744xi32, #tpu.memory_space<hbm>> -> memref<128xi32, #tpu.memory_space<hbm>>
      %dma_wait3A_321 = tpu.memref_slice %arg6[%add3A_303] : memref<159744xi32, #tpu.memory_space<hbm>> -> memref<128xi32, #tpu.memory_space<hbm>>
      tpu.wait_dma2 semaphore(%run_scoped3A_317 : memref<!tpu.dma_semaphore, #tpu.memory_space<semaphore_mem>>) src(%arg20 : memref<128xi32, #tpu.memory_space<vmem>>) dst(%dma_wait3A_321 : memref<128xi32, #tpu.memory_space<hbm>>)
      tpu.yield
    }) : () -> ()
    "tpu.region"() ({
      %run_scoped3A_317 = tpu.sem_alloc : memref<!tpu.dma_semaphore, #tpu.memory_space<semaphore_mem>>
      %dma_start3A_318 = tpu.memref_slice %arg7[%add3A_303] : memref<159744xf32, #tpu.memory_space<hbm>> -> memref<128xf32, #tpu.memory_space<hbm>>
      %dma_start3A_319 = tpu.memref_slice %arg7[%add3A_303] : memref<159744xf32, #tpu.memory_space<hbm>> -> memref<128xf32, #tpu.memory_space<hbm>>
      tpu.enqueue_dma source(%arg18 : memref<128xf32, #tpu.memory_space<vmem>>) target(%dma_start3A_319 : memref<128xf32, #tpu.memory_space<hbm>>) target_semaphore(%run_scoped3A_317 : memref<!tpu.dma_semaphore, #tpu.memory_space<semaphore_mem>>)
      %dma_wait3A_320 = tpu.memref_slice %arg7[%add3A_303] : memref<159744xf32, #tpu.memory_space<hbm>> -> memref<128xf32, #tpu.memory_space<hbm>>
      %dma_wait3A_321 = tpu.memref_slice %arg7[%add3A_303] : memref<159744xf32, #tpu.memory_space<hbm>> -> memref<128xf32, #tpu.memory_space<hbm>>
      tpu.wait_dma2 semaphore(%run_scoped3A_317 : memref<!tpu.dma_semaphore, #tpu.memory_space<semaphore_mem>>) src(%arg18 : memref<128xf32, #tpu.memory_space<vmem>>) dst(%dma_wait3A_321 : memref<128xf32, #tpu.memory_space<hbm>>)
      tpu.yield
    }) : () -> ()
    "tpu.region"() ({
      %run_scoped3A_317 = tpu.sem_alloc : memref<!tpu.dma_semaphore, #tpu.memory_space<semaphore_mem>>
      %dma_start3A_318 = tpu.memref_slice %arg8[%add3A_303] : memref<159744xf32, #tpu.memory_space<hbm>> -> memref<128xf32, #tpu.memory_space<hbm>>
      %dma_start3A_319 = tpu.memref_slice %arg8[%add3A_303] : memref<159744xf32, #tpu.memory_space<hbm>> -> memref<128xf32, #tpu.memory_space<hbm>>
      tpu.enqueue_dma source(%arg19 : memref<128xf32, #tpu.memory_space<vmem>>) target(%dma_start3A_319 : memref<128xf32, #tpu.memory_space<hbm>>) target_semaphore(%run_scoped3A_317 : memref<!tpu.dma_semaphore, #tpu.memory_space<semaphore_mem>>)
      %dma_wait3A_320 = tpu.memref_slice %arg8[%add3A_303] : memref<159744xf32, #tpu.memory_space<hbm>> -> memref<128xf32, #tpu.memory_space<hbm>>
      %dma_wait3A_321 = tpu.memref_slice %arg8[%add3A_303] : memref<159744xf32, #tpu.memory_space<hbm>> -> memref<128xf32, #tpu.memory_space<hbm>>
      tpu.wait_dma2 semaphore(%run_scoped3A_317 : memref<!tpu.dma_semaphore, #tpu.memory_space<semaphore_mem>>) src(%arg19 : memref<128xf32, #tpu.memory_space<vmem>>) dst(%dma_wait3A_321 : memref<128xf32, #tpu.memory_space<hbm>>)
      tpu.yield
    }) : () -> ()
    %dma_wait3A = arith.constant 0 : i32
    %dma_wait3A_304 = tpu.memref_slice %arg3[%dma_wait3A] : memref<320835xi32, #tpu.memory_space<hbm>> -> memref<320835xi32, #tpu.memory_space<hbm>>
    tpu.wait_indirect_dma semaphore(%arg33 : memref<!tpu.dma_semaphore, #tpu.memory_space<semaphore_mem>>) src(%dma_wait3A_304 : memref<320835xi32, #tpu.memory_space<hbm>>) dst(%arg12 : memref<128xi32, #tpu.memory_space<vmem>>)
    %dma_wait3A_305 = arith.constant 0 : i32
    %dma_wait3A_306 = tpu.memref_slice %arg4[%dma_wait3A_305] : memref<320835xi32, #tpu.memory_space<hbm>> -> memref<320835xi32, #tpu.memory_space<hbm>>
    tpu.wait_indirect_dma semaphore(%arg33 : memref<!tpu.dma_semaphore, #tpu.memory_space<semaphore_mem>>) src(%dma_wait3A_306 : memref<320835xi32, #tpu.memory_space<hbm>>) dst(%arg14 : memref<128xi32, #tpu.memory_space<vmem>>)
    %dma_wait3A_307 = arith.constant 0 : i32
    %dma_wait3A_308 = tpu.memref_slice %arg5[%dma_wait3A_307] : memref<320835xf32, #tpu.memory_space<hbm>> -> memref<320835xf32, #tpu.memory_space<hbm>>
    tpu.wait_indirect_dma semaphore(%arg33 : memref<!tpu.dma_semaphore, #tpu.memory_space<semaphore_mem>>) src(%dma_wait3A_308 : memref<320835xf32, #tpu.memory_space<hbm>>) dst(%arg16 : memref<128xf32, #tpu.memory_space<vmem>>)
    %scan3A_309 = arith.constant 0 : i32
    %scan3A_310 = arith.constant 0 : i32
    %scan3A_311 = arith.constant 8 : i32
    %scan3A_312 = arith.addi %scan3A_310, %scan3A_311 : i32
    %scan3A_313 = arith.constant 1 : i32
    scf.for %scan3A_317 = %scan3A_310 to %scan3A_312 step %scan3A_313  : i32 {
      %mul3A_318 = arith.constant 16 : i32
      %mul3A_319 = arith.muli %scan3A_317, %mul3A_318 : i32
      %get3A = arith.index_cast %mul3A_319 : i32 to index
      %get3A_320 = tpu.vector_load %arg12[%get3A] {strides = array<i32>} : memref<128xi32, #tpu.memory_space<vmem>>, vector<16xi32>,
      %get3A_321 = arith.index_cast %mul3A_319 : i32 to index
      %get3A_322 = tpu.vector_load %arg16[%get3A_321] {strides = array<i32>} : memref<128xf32, #tpu.memory_space<vmem>>, vector<16xf32>,
      %gather3A = tpu.vector_load_idx %arg21[%get3A_320] : memref<10240xf32, #tpu.memory_space<vmem>>[vector<16xi32>], vector<16xf32>,
      %mul3A_323 = arith.mulf %get3A_322, %gather3A : vector<16xf32>
      %swap3A = arith.index_cast %mul3A_319 : i32 to index
      %swap3A_324 = tpu.vector_load %arg18[%swap3A] {strides = array<i32>} : memref<128xf32, #tpu.memory_space<vmem>>, vector<16xf32>,
      tpu.vector_store %arg18[%swap3A], %mul3A_323 {strides = array<i32>} : memref<128xf32, #tpu.memory_space<vmem>>, vector<16xf32>,
      %gather3A_325 = tpu.vector_load_idx %arg22[%get3A_320] : memref<10240xf32, #tpu.memory_space<vmem>>[vector<16xi32>], vector<16xf32>,
      %mul3A_326 = arith.mulf %get3A_322, %gather3A_325 : vector<16xf32>
      %swap3A_327 = arith.index_cast %mul3A_319 : i32 to index
      %swap3A_328 = tpu.vector_load %arg19[%swap3A_327] {strides = array<i32>} : memref<128xf32, #tpu.memory_space<vmem>>, vector<16xf32>,
      tpu.vector_store %arg19[%swap3A_327], %mul3A_326 {strides = array<i32>} : memref<128xf32, #tpu.memory_space<vmem>>, vector<16xf32>,
      %shift_left3A = arith.constant 16 : i32
      %shift_left3A_329 = vector.broadcast %shift_left3A : i32 to vector<16xi32>
      %shift_left3A_330 = arith.shli %get3A_320, %shift_left3A_329 : vector<16xi32>
      %get3A_331 = arith.index_cast %mul3A_319 : i32 to index
      %get3A_332 = tpu.vector_load %arg14[%get3A_331] {strides = array<i32>} : memref<128xi32, #tpu.memory_space<vmem>>, vector<16xi32>,
      %or3A = arith.ori %shift_left3A_330, %get3A_332 : vector<16xi32>
      %swap3A_333 = arith.index_cast %mul3A_319 : i32 to index
      %swap3A_334 = tpu.vector_load %arg20[%swap3A_333] {strides = array<i32>} : memref<128xi32, #tpu.memory_space<vmem>>, vector<16xi32>,
      tpu.vector_store %arg20[%swap3A_333], %or3A {strides = array<i32>} : memref<128xi32, #tpu.memory_space<vmem>>, vector<16xi32>,
    }
    %scan3A_314 = arith.constant 8 : i32
    %add3A_315 = arith.constant 4864 : i32
    %add3A_316 = arith.addi %mul3A_285, %add3A_315 : i32
    "tpu.region"() ({
      %run_scoped3A_317 = tpu.sem_alloc : memref<!tpu.dma_semaphore, #tpu.memory_space<semaphore_mem>>
      %dma_start3A_318 = tpu.memref_slice %arg6[%add3A_316] : memref<159744xi32, #tpu.memory_space<hbm>> -> memref<128xi32, #tpu.memory_space<hbm>>
      %dma_start3A_319 = tpu.memref_slice %arg6[%add3A_316] : memref<159744xi32, #tpu.memory_space<hbm>> -> memref<128xi32, #tpu.memory_space<hbm>>
      tpu.enqueue_dma source(%arg20 : memref<128xi32, #tpu.memory_space<vmem>>) target(%dma_start3A_319 : memref<128xi32, #tpu.memory_space<hbm>>) target_semaphore(%run_scoped3A_317 : memref<!tpu.dma_semaphore, #tpu.memory_space<semaphore_mem>>)
      %dma_wait3A_320 = tpu.memref_slice %arg6[%add3A_316] : memref<159744xi32, #tpu.memory_space<hbm>> -> memref<128xi32, #tpu.memory_space<hbm>>
      %dma_wait3A_321 = tpu.memref_slice %arg6[%add3A_316] : memref<159744xi32, #tpu.memory_space<hbm>> -> memref<128xi32, #tpu.memory_space<hbm>>
      tpu.wait_dma2 semaphore(%run_scoped3A_317 : memref<!tpu.dma_semaphore, #tpu.memory_space<semaphore_mem>>) src(%arg20 : memref<128xi32, #tpu.memory_space<vmem>>) dst(%dma_wait3A_321 : memref<128xi32, #tpu.memory_space<hbm>>)
      tpu.yield
    }) : () -> ()
    "tpu.region"() ({
      %run_scoped3A_317 = tpu.sem_alloc : memref<!tpu.dma_semaphore, #tpu.memory_space<semaphore_mem>>
      %dma_start3A_318 = tpu.memref_slice %arg7[%add3A_316] : memref<159744xf32, #tpu.memory_space<hbm>> -> memref<128xf32, #tpu.memory_space<hbm>>
      %dma_start3A_319 = tpu.memref_slice %arg7[%add3A_316] : memref<159744xf32, #tpu.memory_space<hbm>> -> memref<128xf32, #tpu.memory_space<hbm>>
      tpu.enqueue_dma source(%arg18 : memref<128xf32, #tpu.memory_space<vmem>>) target(%dma_start3A_319 : memref<128xf32, #tpu.memory_space<hbm>>) target_semaphore(%run_scoped3A_317 : memref<!tpu.dma_semaphore, #tpu.memory_space<semaphore_mem>>)
      %dma_wait3A_320 = tpu.memref_slice %arg7[%add3A_316] : memref<159744xf32, #tpu.memory_space<hbm>> -> memref<128xf32, #tpu.memory_space<hbm>>
      %dma_wait3A_321 = tpu.memref_slice %arg7[%add3A_316] : memref<159744xf32, #tpu.memory_space<hbm>> -> memref<128xf32, #tpu.memory_space<hbm>>
      tpu.wait_dma2 semaphore(%run_scoped3A_317 : memref<!tpu.dma_semaphore, #tpu.memory_space<semaphore_mem>>) src(%arg18 : memref<128xf32, #tpu.memory_space<vmem>>) dst(%dma_wait3A_321 : memref<128xf32, #tpu.memory_space<hbm>>)
      tpu.yield
    }) : () -> ()
    "tpu.region"() ({
      %run_scoped3A_317 = tpu.sem_alloc : memref<!tpu.dma_semaphore, #tpu.memory_space<semaphore_mem>>
      %dma_start3A_318 = tpu.memref_slice %arg8[%add3A_316] : memref<159744xf32, #tpu.memory_space<hbm>> -> memref<128xf32, #tpu.memory_space<hbm>>
      %dma_start3A_319 = tpu.memref_slice %arg8[%add3A_316] : memref<159744xf32, #tpu.memory_space<hbm>> -> memref<128xf32, #tpu.memory_space<hbm>>
      tpu.enqueue_dma source(%arg19 : memref<128xf32, #tpu.memory_space<vmem>>) target(%dma_start3A_319 : memref<128xf32, #tpu.memory_space<hbm>>) target_semaphore(%run_scoped3A_317 : memref<!tpu.dma_semaphore, #tpu.memory_space<semaphore_mem>>)
      %dma_wait3A_320 = tpu.memref_slice %arg8[%add3A_316] : memref<159744xf32, #tpu.memory_space<hbm>> -> memref<128xf32, #tpu.memory_space<hbm>>
      %dma_wait3A_321 = tpu.memref_slice %arg8[%add3A_316] : memref<159744xf32, #tpu.memory_space<hbm>> -> memref<128xf32, #tpu.memory_space<hbm>>
      tpu.wait_dma2 semaphore(%run_scoped3A_317 : memref<!tpu.dma_semaphore, #tpu.memory_space<semaphore_mem>>) src(%arg19 : memref<128xf32, #tpu.memory_space<vmem>>) dst(%dma_wait3A_321 : memref<128xf32, #tpu.memory_space<hbm>>)
      tpu.yield
    }) : () -> ()
    return
  }
}

</mosaic_0001>

<sc_bundles>
// kernel: _edge_filter.3.cloned.1.call-start
scs
__scs_entry_jumppad:
0x0: {  	(pc) =	sbr.rel $0x88, $3  }
0x1: {  	(tag) =	ssettag $0x0;
	lr =	simm.s32 $0x1  }
0x2: {  	[smem:$0x3F9D] =	sst lr;
	_ =	strace $0xD0000000  }
0x3: {  	_ = 	snop  }
0x4: {  	_ = 	snop  }
0x5: {  	_ = 	snop  }
0x6: {  	_ = 	snop  }
0x7: {  	_ = 	snop  }
__scs_overlays_trampoline_lowered:
0x8: {  	[smem:$0x3FAC] =	sst s0  }
0x9: {  	[smem:$0x3FAD] =	sst s1  }
0xa: {  	[smem:$0x3FAE] =	sst s2  }
0xb: {  	[smem:$0x3FAF] =	sst s3  }
0xc: {  	[smem:$0x3FB0] =	sst s4  }
0xd: {  	[smem:$0x3FB1] =	sst s5  }
0xe: {  	[smem:$0x3FB2] =	sst s6  }
0xf: {  	[smem:$0x3FB3] =	sst s7  }
0x10: {  	[smem:$0x3FB4] =	sst s8  }
0x11: {  	[smem:$0x3FB5] =	sst s9;
	s0 =	simm.s32 @!p0 $0x0  }
0x12: {  	s1 =	sld [smem:$0x3F9B];
	s0 =	simm.s32 @p0 $0x1  }
0x13: {  	[smem:$0x3FB6] =	sst s0;
	s0 =	simm.s32 @!p1 $0x0  }
0x14: {  	s2 =	sld [smem:$0x3F9A];
	s0 =	simm.s32 @p1 $0x1  }
0x15: {  	[smem:$0x3FB7] =	sst s0;
	s0 =	simm.s32 @!p2 $0x0  }
0x16: {  	s3 =	sld [smem:$0x3FDB];
	s0 =	simm.s32 @p2 $0x1  }
0x17: {  	s4 =	simm.s32 $0x1BF5;
	[smem:$0x3FB9] =	sst s0  }
0x18: {  	s0 =	sld [smem:$0x3F9C];
	_ =	swait.ge [sflag:s4], $0x0  }
0x19: {  	s7 =	sld [smem:$0x3F9D]  }
0x1a: {  	s8 =	sadd.s32 $0xFFFFE003, lr  }
0x1b: {  	s9 =	sadd.s32 $0xFFFFFEF7, lr;
	s5 =	simm.s32 $0xFFFFFFFF;
	p2 =	slt.u32 s8, $0xFFFFF086  }
0x1c: {  	p1 =	slt.u32 s9, $0xF7A;
	s5 =	simm.s32 @!p2 $0x0  }
0x1d: {  	s5 =	simm.s32 @p1 $0x1;
	p0 =	seq.s32 s7, s2  }
0x1e: {  	s7 =	smul.u32 @!p0 $0xF7A, s2;
	p2 =	seq.s32 @!p0 s5, $0x0  }
0x1f: {  	s9 =	smul.u32 $0xF7A, s1;
	s8 =	simm.s32 @!p0 $0x1BF5;
	p2 =	por !p2, p0  }
0x20: {  	[sflag:s8] =	ssyncset.s32 @!p0 $0xFFFFF086;
	s6 =	sadd.s32 @!p0 s3, s7;
	s7 =	simm.s32 @!p0 $0x108  }
0x21: {  	s3 =	sadd.s32 s3, s9;
	s6 =	sadd.s32 @!p0 $0x88, s6;
	s7 =	simm.s32 @p2 $0x1082  }
0x22: {  	[simem:s7], [sflag:s8] =	dma.local @!p0 [hbm:s6], $0xF7A  }
0x23: {  	s9 =	sor.u32 $0xD0000000, s2;
	s6 =	simm.s32 $0x108;
	_ =	swait.ge @!p0 [sflag:s8], $0x0  }
0x24: {  	s3 =	sadd.s32 $0x88, s3;
	s6 =	simm.s32 @!p1 $0x1082;
	[sflag:s4] =	ssyncset.s32 $0xFFFFF086  }
0x25: {  	[simem:s6], [sflag:s4] =	dma.local [hbm:s3], $0xF7A  }
0x26: {  	[smem:$0x3F9D] =	sst s1;
	(tag) =	ssettag s2;
	_ =	strace s9  }
0x27: {  	s1 =	sld [smem:$0x3FAD]  }
0x28: {  	s2 =	sld [smem:$0x3FAE]  }
0x29: {  	s4 =	sld [smem:$0x3FB0]  }
0x2a: {  	p0 =	seq.s32 s5, $0x0;
	s5 =	sld [smem:$0x3FB1]  }
0x2b: {  	s6 =	sld [smem:$0x3FB2]  }
0x2c: {  	s7 =	sld [smem:$0x3FB3]  }
0x2d: {  	s3 =	simm.s32 $0x108;
	s8 =	sld [smem:$0x3FB4]  }
0x2e: {  	s3 =	simm.s32 @!p0 $0x1082;
	s9 =	sld [smem:$0x3FB5]  }
0x2f: {  	lr =	sadd.s32 s0, s3;
	s0 =	sld [smem:$0x3FAC]  }
0x30: {  	s3 =	sld [smem:$0x3FAF]  }
0x31: {  	[smem:$0x3FB8] =	sst s10  }
0x32: {  	s10 =	sld [smem:$0x3FB6];
	_ =	sdelay $0x3  }
0x33: {  	p0 =	seq.s32 s10, $0x1;
	s10 =	sld [smem:$0x3FB8];
	_ =	sdelay $0x3  }
0x34: {  	[smem:$0x3FB8] =	sst s10  }
0x35: {  	s10 =	sld [smem:$0x3FB7];
	_ =	sdelay $0x3  }
0x36: {  	p1 =	seq.s32 s10, $0x1;
	s10 =	sld [smem:$0x3FB8];
	_ =	sdelay $0x3  }
0x37: {  	[smem:$0x3FB8] =	sst s10  }
0x38: {  	s10 =	sld [smem:$0x3FB9]  }
0x39: {  	_ = 	snop;
	(pc) =	sbr.ind lr, $3  }
0x3a: {  	_ = 	snop  }
0x3b: {  	_ = 	snop  }
0x3c: {  	p2 =	seq.s32 s10, $0x1;
	s10 =	sld [smem:$0x3FB8]  }
0x3d: {  	_ =	shalt  }
0x3e: {  	_ =	shalt  }
0x3f: {  	_ =	shalt  }
0x40: {  	_ =	shalt  }
0x41: {  	_ =	shalt  }
0x42: {  	_ =	shalt  }
0x43: {  	_ =	shalt  }
0x44: {  	_ =	shalt  }
0x45: {  	_ =	shalt  }
0x46: {  	_ =	shalt  }
0x47: {  	_ =	shalt  }
0x48: {  	_ =	shalt  }
0x49: {  	_ =	shalt  }
0x4a: {  	_ =	shalt  }
0x4b: {  	_ =	shalt  }
0x4c: {  	_ =	shalt  }
0x4d: {  	_ =	shalt  }
0x4e: {  	_ =	shalt  }
0x4f: {  	_ =	shalt  }
0x50: {  	_ =	shalt  }
0x51: {  	_ =	shalt  }
0x52: {  	_ =	shalt  }
0x53: {  	_ =	shalt  }
0x54: {  	_ =	shalt  }
0x55: {  	_ =	shalt  }
0x56: {  	_ =	shalt  }
0x57: {  	_ =	shalt  }
0x58: {  	_ =	shalt  }
0x59: {  	_ =	shalt  }
0x5a: {  	_ =	shalt  }
0x5b: {  	_ =	shalt  }
0x5c: {  	_ =	shalt  }
0x5d: {  	_ =	shalt  }
0x5e: {  	_ =	shalt  }
0x5f: {  	_ =	shalt  }
0x60: {  	_ =	shalt  }
0x61: {  	_ =	shalt  }
0x62: {  	_ =	shalt  }
0x63: {  	_ =	shalt  }
0x64: {  	_ =	shalt  }
0x65: {  	_ =	shalt  }
0x66: {  	_ =	shalt  }
0x67: {  	_ =	shalt  }
0x68: {  	_ =	shalt  }
0x69: {  	_ =	shalt  }
0x6a: {  	_ =	shalt  }
0x6b: {  	_ =	shalt  }
0x6c: {  	_ =	shalt  }
0x6d: {  	_ =	shalt  }
0x6e: {  	_ =	shalt  }
0x6f: {  	_ =	shalt  }
0x70: {  	_ =	shalt  }
0x71: {  	_ =	shalt  }
0x72: {  	_ =	shalt  }
0x73: {  	_ =	shalt  }
0x74: {  	_ =	shalt  }
0x75: {  	_ =	shalt  }
0x76: {  	_ =	shalt  }
0x77: {  	_ =	shalt  }
0x78: {  	_ =	shalt  }
0x79: {  	_ =	shalt  }
0x7a: {  	_ =	shalt  }
0x7b: {  	_ =	shalt  }
0x7c: {  	_ =	shalt  }
0x7d: {  	_ =	shalt  }
0x7e: {  	_ =	shalt  }
0x7f: {  	_ =	shalt  }
0x80: {  	_ =	shalt  }
0x81: {  	_ =	shalt  }
0x82: {  	_ =	shalt  }
0x83: {  	_ =	shalt  }
0x84: {  	_ =	shalt  }
0x85: {  	_ =	shalt  }
0x86: {  	_ =	shalt  }
0x87: {  	_ =	shalt  }
.Lfunc_end0:
.L_simem_size_0:
called_computation_lowered:
.L_overlay_start_0:
0x88: {  	s2 =	sld [smem:$0x3FD9]  }
0x89: {  	s3 =	sld [smem:$0x3FFE];
	_ =	sdelay $0x1  }
0x8a: {  	s1 =	srdreg.scid  }
0x8b: {  	s0 =	sand.u32 $0x1, s1  }
0x8c: {  	s15 =	sshll.u32 s0, $0xA;
	s2 =	sadd.s32 s3, s2  }
0x8d: {  	s2 =	sadd.s32 s2, s15  }
0x8e: {  	[smem:$0x3FC4] =	sst s2  }
0x8f: {  	_ = 	snop  }
0x90: {  	s2 =	sld [smem:$0x3FC9]  }
0x91: {  	s16 =	sld [smem:$0x3FD0]  }
0x92: {  	s4 =	sld [smem:$0x3FC8]  }
0x93: {  	s5 =	sld [smem:$0x3FC7]  }
0x94: {  	s7 =	simm.s32 $0xA;
	s8 =	simm.s32 $0x10;
	s6 =	sld [smem:$0x3FC6]  }
0x95: {  	[smem:s8], [sflag:s7] =	dma.local [hbm:s16], $0x1  }
0x96: {  	_ =	swait.eq [sflag:s7], $0x1  }
0x97: {  	s17 =	sld [smem:$0x10]  }
0x98: {  	s18 =	sld [smem:$0x11];
	[sflag:s7] =	ssyncset.done $0x0  }
0x99: {  	s9 =	sld [smem:$0x12];
	[sflag:s7] =	ssyncadd.s32 $0xFFFFFFFF  }
0x9a: {  	s19 =	sld [smem:$0x13];
	(tm) =	ssettm $0x1  }
0x9b: {  	s10 =	sld [smem:$0x3FFB];
	_ =	sdelay $0x3  }
0x9c: {  	_ =	strace s10  }
0x9d: {  	s10 =	sld [smem:$0x3FFC];
	_ =	sdelay $0x3  }
0x9e: {  	_ =	strace s10  }
0x9f: {  	s10 =	sld [smem:$0x3FFD];
	_ =	sdelay $0x3  }
0xa0: {  	_ =	strace s10  }
0xa1: {  	_ =	strace $0x8FFFFFFF  }
0xa2: {  	s20 =	sld [smem:$0x3FDB];
	_ =	sdelay $0x1  }
0xa3: {  	s11 =	simm.s32 $_scs_section_size  }
0xa4: {  	s12 =	simm.s32 $_size__tile_overlayer_lowered;
	s13 =	simm.s32 $_tile_overlayer_lowered  }
0xa5: {  	s23 =	simm.s32 $0x1BFF;
	s22 =	sshll.u32 s13, $0x1;
	s10 =	sadd.s32 s11, s20  }
0xa6: {  	s14 =	simm.s32 $0x0;
	s21 =	sshll.u32 s12, $0x1;
	s12 =	sadd.s32 s22, s10  }
0xa7: {  	[timem:s14], [sflag:s23] =	dma.local [hbm:s12], s21  }
0xa8: {  	_ =	swait.ge [sflag:s23], s21  }
0xa9: {  	s11 =	ssub.s32 $0x0, s21;
	[sflag:s23] =	ssyncset.done $0x0  }
0xaa: {  	[sflag:s23] =	ssyncadd.s32 s11;
	_ =	sdelay $0x1  }
0xab: {  	s24 =	simm.s32 $0x1B8B  }
0xac: {  	_ =	swait.ge [sflag:s24], $0x1  }
0xad: {  	[sflag:s24] =	ssyncset.done $0x0  }
0xae: {  	s25 =	simm.s32 $0x1B8E;
	[sflag:s24] =	ssyncadd.s32 $0xFFFFFFFF  }
0xaf: {  	s26 =	simm.s32 $execute0_lowered;
	[smem:$0x3FD2] =	sst s25  }
0xb0: {  	s11 =	sshll.u32 s26, $0x1;
	_ =	strace $0x80000046;
	[dreg:$0x1] =	wrdreg $0xFFFFFFFF  }
0xb1: {  	s28 =	simm.s32 $_size_execute0_lowered;
	s10 =	sadd.s32 s10, s11;
	[dreg:$0x0] =	wrdreg $0x0  }
0xb2: {  	s11 =	sshll.u32 s28, $0x1;
	[dreg:$0x2] =	wrdreg s10  }
0xb3: {  	[dreg:$0x3] =	wrdreg s11  }
0xb4: {  	[dreg:$0x4] =	wrdreg $0xC0  }
0xb5: {  	_ =	task [dreg:s14], $0x5FFFF  }
0xb6: {  	[dreg:$0x1] =	wrdreg $0xFFFFFFFF  }
0xb7: {  	[dreg:$0x0] =	wrdreg $0x60  }
0xb8: {  	[dreg:$0x2] =	wrdreg s2  }
0xb9: {  	[dreg:$0x3] =	wrdreg s4  }
0xba: {  	[dreg:$0x4] =	wrdreg s5  }
0xbb: {  	[dreg:$0x5] =	wrdreg s6  }
0xbc: {  	[dreg:$0x6] =	wrdreg s17  }
0xbd: {  	[dreg:$0x7] =	wrdreg s18  }
0xbe: {  	[dreg:$0x8] =	wrdreg s9  }
0xbf: {  	[dreg:$0x9] =	wrdreg s19  }
0xc0: {  	[dreg:$0xa] =	wrdreg $0xBD000  }
0xc1: {  	[dreg:$0xb] =	wrdreg $0x10D000  }
0xc2: {  	[dreg:$0xc] =	wrdreg $0x10F800  }
0xc3: {  	[dreg:$0xd] =	wrdreg $0x9  }
0xc4: {  	_ =	task.clear_ibuf [dreg:s14], $0xEFFFF;
	_ =	strace $0x90000046  }
0xc5: {  	s29 =	simm.s32 $0x9;
	_ =	strace $0x80000048  }
0xc6: {  	_ =	swait.ge [sflag:s29], $0x1  }
0xc7: {  	[sflag:s29] =	ssyncadd.s32 $0xFFFFFFFF  }
0xc8: {  	_ =	strace $0x90000048  }
0xc9: {  	_ =	sfence  }
0xca: {  	s30 =	sld [smem:$0x0];
	_ =	sdelay $0x2  }
0xcb: {  	s31 =	sshll.u32 s1, $0xD;
	s1 =	sshrl.u32 s1, $0x2  }
0xcc: {  	s3 =	sand.u32 $0x4000, s31;
	s1 =	sadd.s32 s1, s30  }
0xcd: {  	s0 =	sor.u32 s3, s0;
	s1 =	sshll.u32 s1, $0x11  }
0xce: {  	s0 =	sor.u32 s1, s0  }
0xcf: {  	s0 =	sadd.s32 $0x8F2B, s0  }
0xd0: {  	[sflag:s0] =	ssyncadd.remote.s32 $0x1  }
0xd1: {  	_ =	sfence.sel $0xFFFF  }
0xd2: {  	[dreg:$0x0] =	wrdreg $0xFFFFFFFF;
	(pc) =	sbr.abs _section_cstart, $3  }
0xd3: {  	[dreg:$0x1] =	wrdreg $0xFFFFFFFF  }
0xd4: {  	_ =	task.clear_ibuf [dreg:s14], $0x2FFFF;
	_ =	strace $0x9FFFFFFF  }
0xd5: {  	(tm) =	ssettm $0x7FFFFFFF  }
tec
execute0_lowered:
.L_overlay_start_1:
0x0: {  	(tag) =	ssettag $0x1  }
0x1: {  	s0 =	rddreg [dreg:$0x0]  }
0x2: {  	s1 =	rddreg [dreg:$0x1]  }
0x3: {  	s2 =	rddreg [dreg:$0x2]  }
0x4: {  	s3 =	rddreg [dreg:$0x3]  }
0x5: {  	s13 =	rddreg [dreg:$0x4]  }
0x6: {  	s14 =	rddreg [dreg:$0x5]  }
0x7: {  	s16 =	rddreg [dreg:$0x6]  }
0x8: {  	s4 =	rddreg [dreg:$0x7]  }
0x9: {  	s5 =	rddreg [dreg:$0x8]  }
0xa: {  	s17 =	rddreg [dreg:$0x9]  }
0xb: {  	s18 =	rddreg [dreg:$0xa];
	s19 =	stileid.u32  }
0xc: {  	s6 =	srdreg.scid;
	s10 =	smul.u32 $0x4E20, s19  }
0xd: {  	s11 =	simm.s32 $0x0;
	s6 =	sand.u32 $0x1, s6;
	s9 =	smul.u32 $0x14000, s19  }
0xe: {  	[smem:$0x7FF] =	sst s11;
	s26 =	sshll.u32 s19, $0x1;
	s12 =	smul.u32 $0x1400, s19  }
0xf: {  	s7 =	ssub.s32 $0x2, s6;
	_ =	strace $0x80000047;
	p0 =	sne.s32 s6, $0x0  }
0x10: {  	s8 =	sshrl.u32 s7, $0x1;
	[dreg:$0xc] =	wrdreg s10;
	s10 =	sshrl.u32 s10, $0x3  }
0x11: {  	s9 =	sshrl.u32 s9, $0x2;
	s12 =	sshrl.u32 s12, $0x2;
	s10 =	sadd.s32 s1, s10  }
0x12: {  	s7 =	ssub.s32 s7, s8;
	s20 =	sadd.s32 s9, s5;
	[dreg:$0xd] =	wrdreg s10  }
0x13: {  	s8 =	sor.u32 s6, s26;
	s22 =	sadd.s32 s12, s5;
	[dreg:$0xe] =	wrdreg s20  }
0x14: {  	s26 =	smul.u32 $0x1380, s6;
	s6 =	smax.u32 s7, $0x1;
	[dreg:$0xf] =	wrdreg s22  }
0x15: {  	s15 =	smul.u32 $0x1380, s8;
	s8 =	sadd.s32 $0x80, s20;
	[dreg:$0x1a] =	wrdreg s6  }
0x16: {  	s9 =	sadd.s32 $0x5000, s22;
	[dreg:$0x1b] =	wrdreg s8  }
0x17: {  	s12 =	sadd.s32 $0xF000, s22;
	[dreg:$0x1c] =	wrdreg s9  }
0x18: {  	s20 =	sadd.s32 $0x32000, s22;
	[dreg:$0x1e] =	wrdreg s12  }
0x19: {  	[smem:$0x7E8] =	sst s20;
	s8 =	sadd.s32 $0x5080, s22  }
0x1a: {  	s9 =	sadd.s32 $0xA080, s22;
	[smem:$0x7EF] =	sst s8  }
0x1b: {  	s10 =	smul.u32 $0x280, s19;
	s12 =	sadd.s32 $0x14080, s22;
	[smem:$0x7F0] =	sst s9  }
0x1c: {  	s20 =	sadd.s32 $0x37080, s22;
	[smem:$0x7F2] =	sst s12  }
0x1d: {  	s21 =	sadd.s32 s10, s17;
	[smem:$0x7F9] =	sst s20  }
0x1e: {  	s24 =	sshrl.u32 s10, $0x3;
	s10 =	sadd.s32 s10, s18;
	[dreg:$0x10] =	wrdreg s21  }
0x1f: {  	s25 =	sshrl.u32 s15, $0x3;
	[dreg:$0x11] =	wrdreg s10;
	s4 =	sadd.s32 s4, s24  }
0x20: {  	s23 =	smul.u32 $0x2700, s19;
	s17 =	sadd.s32 s0, s25;
	[dreg:$0x12] =	wrdreg s4  }
0x21: {  	s18 =	sadd.s32 $0x250, s25;
	s10 =	sadd.s32 $0xA000, s22;
	[dreg:$0x13] =	wrdreg s17  }
0x22: {  	s19 =	sadd.s32 s13, s18;
	[dreg:$0x1d] =	wrdreg s10  }
0x23: {  	s21 =	sadd.s32 s26, s23;
	s24 =	sadd.s32 s14, s18;
	[dreg:$0x14] =	wrdreg s19  }
0x24: {  	s23 =	sadd.s32 $0x260, s25;
	s4 =	sadd.s32 s16, s18;
	[dreg:$0x15] =	wrdreg s24  }
0x25: {  	s25 =	sadd.s32 s13, s23;
	[dreg:$0x16] =	wrdreg s4  }
0x26: {  	s26 =	sadd.s32 s14, s23;
	[dreg:$0x17] =	wrdreg s25  }
0x27: {  	s5 =	sadd.s32 s16, s23;
	[dreg:$0x18] =	wrdreg s26  }
0x28: {  	s17 =	sadd.s32 $0x23000, s22;
	[dreg:$0x19] =	wrdreg s5  }
0x29: {  	s18 =	sadd.s32 $0x28000, s22;
	[smem:$0x7E5] =	sst s17  }
0x2a: {  	s23 =	sadd.s32 $0x37000, s22;
	[smem:$0x7E6] =	sst s18  }
0x2b: {  	s7 =	sshrl.u32 s21, $0x3;
	s10 =	sadd.s32 $0xF080, s22;
	[smem:$0x7E9] =	sst s23  }
0x2c: {  	s6 =	sadd.s32 s7, s13;
	s13 =	sadd.s32 $0x14000, s22;
	[smem:$0x7F1] =	sst s10  }
0x2d: {  	s31 =	sadd.s32 s7, s14;
	s14 =	sadd.s32 $0x19000, s22;
	[dreg:$0x1f] =	wrdreg s13  }
0x2e: {  	s30 =	sadd.s32 s7, s16;
	s16 =	sadd.s32 $0x1E000, s22;
	[smem:$0x7E3] =	sst s14  }
0x2f: {  	s19 =	sadd.s32 $0x2D000, s22;
	[smem:$0x7E4] =	sst s16  }
0x30: {  	s24 =	sadd.s32 $0x3C000, s22;
	[smem:$0x7E7] =	sst s19  }
0x31: {  	s25 =	sadd.s32 $0x41000, s22;
	[smem:$0x7EA] =	sst s24  }
0x32: {  	s26 =	sadd.s32 $0x46000, s22;
	[smem:$0x7EB] =	sst s25  }
0x33: {  	s5 =	sadd.s32 $0x4B000, s22;
	[smem:$0x7EC] =	sst s26  }
0x34: {  	s28 =	simm.s32 $0x300;
	s7 =	sadd.s32 $0x80, s22;
	[smem:$0x7ED] =	sst s5  }
0x35: {  	s29 =	simm.s32 $0x180;
	s17 =	sadd.s32 $0x28080, s22;
	[smem:$0x7EE] =	sst s7  }
0x36: {  	s20 =	simm.s32 $0x7D80;
	s18 =	sadd.s32 $0x2D080, s22;
	[smem:$0x7F6] =	sst s17  }
0x37: {  	s8 =	simm.s32 $0x380;
	s23 =	sadd.s32 $0x3C080, s22;
	[smem:$0x7F7] =	sst s18  }
0x38: {  	s9 =	simm.s32 $0x480;
	s13 =	sadd.s32 $0x19080, s22;
	[smem:$0x7FA] =	sst s23  }
0x39: {  	s10 =	simm.s32 $0x280;
	s14 =	sadd.s32 $0x1E080, s22;
	[smem:$0x7F3] =	sst s13  }
0x3a: {  	s16 =	sadd.s32 $0x23080, s22;
	s19 =	sadd.s32 $0x32080, s22;
	[smem:$0x7F4] =	sst s14  }
0x3b: {  	s24 =	sadd.s32 $0x41080, s22;
	s25 =	sadd.s32 $0x46080, s22;
	[smem:$0x7F5] =	sst s16  }
0x3c: {  	s26 =	sadd.s32 $0x4B080, s22;
	s18 =	simm.s32 $0x5580;
	[smem:$0x7F8] =	sst s19  }
.Ltmp0:
0x3d: {  	s22 =	simm.s32 $0x80;
	[smem:$0x7FB] =	sst s24;
	(pc) =	sbr.rel .LBB2_1-.Ltmp0, $4  }
0x3e: {  	s23 =	simm.s32 $0x100;
	s17 =	simm.s32 $0x400;
	[smem:$0x7FC] =	sst s25  }
0x3f: {  	s5 =	simm.s32 $0x0;
	[smem:$0x7FD] =	sst s26;
	s13 =	simm.s32 $0x2  }
0x40: {  	s19 =	simm.s32 $0x1;
	s24 =	simm.s32 $0xBA80;
	s25 =	simm.s32 $0x580  }
0x41: {  	v0 =	vimm.f32 $0.0e+00;
	v1 =	vimm.f32 $1.000000000e+00;
	s14 =	simm.s32 $0x2D80;
	s26 =	simm.s32 $0x200;
	s16 =	simm.s32 $0x500  }
.LBB2_83:
0x42: {  	[tilespmem:s23], [sflag:$0x1] =	stream.indirect.gather [hbm4b:s1+s22], $0x1, s11, s22, $0xb8;
	[tilespmem:$0x11200] =	vst v63  }
0x43: {  	_ = 	snop  }
0x44: {  	[tilespmem:s26], [sflag:$0x1] =	stream.indirect.gather [hbm4b:s2+s22], $0x1, s11, s22, $0xb8;
	[tilespmem:$0x11200] =	vst v63  }
0x45: {  	_ = 	snop  }
0x46: {  	[tilespmem:s28], [sflag:$0x1] =	stream.indirect.gather [hbm4b:s3+s22], $0x1, s11, s22, $0xb8;
	[tilespmem:$0x11200] =	vst v63  }
0x47: {  	v2 =	vld [tilespmem:$0x180];
	_ =	sdelay $0x6  }
0x48: {  	v3 =	vld [tilespmem:$0x380]  }
0x49: {  	v4 =	vld.idx.msk [tilespmem:v2+s25+$0x0], $0xffff;
	_ =	sdelay $0x4  }
0x4a: {  	v4 =	vmul.f32 v4, v3  }
0x4b: {  	v5 =	vld [tilespmem:$0x190]  }
0x4c: {  	v6 =	vld [tilespmem:$0x280];
	[tilespmem:$0x400] =	vst v4  }
0x4d: {  	v4 =	vld.idx.msk [tilespmem:v2+s14+$0x0], $0xffff;
	_ =	sdelay $0x3  }
0x4e: {  	v2 =	vshll.u32 v2, $0x10  }
0x4f: {  	v2 =	vor.u32 v2, v6;
	v3 =	vmul.f32 v4, v3  }
0x50: {  	[tilespmem:$0x500] =	vst v2  }
0x51: {  	v2 =	vld [tilespmem:$0x390];
	[tilespmem:$0x480] =	vst v3  }
0x52: {  	v3 =	vld.idx.msk [tilespmem:v5+s25+$0x0], $0xffff;
	_ =	sdelay $0x4  }
0x53: {  	v3 =	vmul.f32 v3, v2;
	_ =	sdelay $0x1  }
0x54: {  	[tilespmem:$0x410] =	vst v3  }
0x55: {  	v3 =	vld.idx.msk [tilespmem:v5+s14+$0x0], $0xffff  }
0x56: {  	v35 =	vld [tilespmem:$0x1A0]  }
0x57: {  	v36 =	vld [tilespmem:$0x290];
	_ =	sdelay $0x2  }
0x58: {  	v2 =	vmul.f32 v3, v2  }
0x59: {  	v3 =	vshll.u32 v5, $0x10  }
0x5a: {  	[tilespmem:$0x490] =	vst v2;
	v2 =	vor.u32 v3, v36  }
0x5b: {  	[tilespmem:$0x510] =	vst v2;
	v2 =	vld [tilespmem:$0x3A0]  }
0x5c: {  	v3 =	vld.idx.msk [tilespmem:v35+s25+$0x0], $0xffff;
	_ =	sdelay $0x4  }
0x5d: {  	v3 =	vmul.f32 v3, v2;
	_ =	sdelay $0x1  }
0x5e: {  	[tilespmem:$0x420] =	vst v3  }
0x5f: {  	v3 =	vld.idx.msk [tilespmem:v35+s14+$0x0], $0xffff  }
0x60: {  	v37 =	vld [tilespmem:$0x1B0]  }
0x61: {  	v38 =	vld [tilespmem:$0x2A0];
	_ =	sdelay $0x2  }
0x62: {  	v2 =	vmul.f32 v3, v2  }
0x63: {  	v3 =	vshll.u32 v35, $0x10  }
0x64: {  	[tilespmem:$0x4A0] =	vst v2;
	v2 =	vor.u32 v3, v38  }
0x65: {  	[tilespmem:$0x520] =	vst v2;
	v2 =	vld [tilespmem:$0x3B0]  }
0x66: {  	v3 =	vld.idx.msk [tilespmem:v37+s25+$0x0], $0xffff;
	_ =	sdelay $0x4  }
0x67: {  	v3 =	vmul.f32 v3, v2;
	_ =	sdelay $0x1  }
0x68: {  	[tilespmem:$0x430] =	vst v3  }
0x69: {  	v3 =	vld.idx.msk [tilespmem:v37+s14+$0x0], $0xffff  }
0x6a: {  	v39 =	vld [tilespmem:$0x1C0]  }
0x6b: {  	v40 =	vld [tilespmem:$0x2B0];
	_ =	sdelay $0x2  }
0x6c: {  	v2 =	vmul.f32 v3, v2  }
0x6d: {  	v3 =	vshll.u32 v37, $0x10  }
0x6e: {  	[tilespmem:$0x4B0] =	vst v2;
	v2 =	vor.u32 v3, v40  }
0x6f: {  	[tilespmem:$0x530] =	vst v2;
	v2 =	vld [tilespmem:$0x3C0]  }
0x70: {  	v3 =	vld.idx.msk [tilespmem:v39+s25+$0x0], $0xffff;
	_ =	sdelay $0x4  }
0x71: {  	v3 =	vmul.f32 v3, v2;
	_ =	sdelay $0x1  }
0x72: {  	[tilespmem:$0x440] =	vst v3  }
0x73: {  	v3 =	vld.idx.msk [tilespmem:v39+s14+$0x0], $0xffff  }
0x74: {  	v41 =	vld [tilespmem:$0x1D0]  }
0x75: {  	v42 =	vld [tilespmem:$0x2C0];
	_ =	sdelay $0x2  }
0x76: {  	v2 =	vmul.f32 v3, v2  }
0x77: {  	v3 =	vshll.u32 v39, $0x10  }
0x78: {  	[tilespmem:$0x4C0] =	vst v2;
	v2 =	vor.u32 v3, v42  }
0x79: {  	[tilespmem:$0x540] =	vst v2;
	v2 =	vld [tilespmem:$0x3D0]  }
0x7a: {  	v3 =	vld.idx.msk [tilespmem:v41+s25+$0x0], $0xffff;
	_ =	sdelay $0x4  }
0x7b: {  	v3 =	vmul.f32 v3, v2;
	_ =	sdelay $0x1  }
0x7c: {  	[tilespmem:$0x450] =	vst v3  }
0x7d: {  	v3 =	vld.idx.msk [tilespmem:v41+s14+$0x0], $0xffff  }
0x7e: {  	v43 =	vld [tilespmem:$0x1E0]  }
0x7f: {  	v44 =	vld [tilespmem:$0x2D0];
	_ =	sdelay $0x2  }
0x80: {  	v2 =	vmul.f32 v3, v2  }
0x81: {  	v3 =	vshll.u32 v41, $0x10  }
0x82: {  	[tilespmem:$0x4D0] =	vst v2;
	v2 =	vor.u32 v3, v44  }
0x83: {  	[tilespmem:$0x550] =	vst v2;
	v2 =	vld [tilespmem:$0x3E0]  }
0x84: {  	v3 =	vld.idx.msk [tilespmem:v43+s25+$0x0], $0xffff;
	_ =	sdelay $0x4  }
0x85: {  	v3 =	vmul.f32 v3, v2;
	_ =	sdelay $0x1  }
0x86: {  	[tilespmem:$0x460] =	vst v3  }
0x87: {  	v3 =	vld.idx.msk [tilespmem:v43+s14+$0x0], $0xffff  }
0x88: {  	v45 =	vld [tilespmem:$0x1F0]  }
0x89: {  	v46 =	vld [tilespmem:$0x2E0];
	_ =	sdelay $0x2  }
0x8a: {  	v2 =	vmul.f32 v3, v2  }
0x8b: {  	v3 =	vshll.u32 v43, $0x10  }
0x8c: {  	[tilespmem:$0x4E0] =	vst v2;
	v2 =	vor.u32 v3, v46  }
0x8d: {  	[tilespmem:$0x560] =	vst v2;
	v2 =	vld [tilespmem:$0x3F0]  }
0x8e: {  	v3 =	vld.idx.msk [tilespmem:v45+s25+$0x0], $0xffff;
	_ =	sdelay $0x4  }
0x8f: {  	v3 =	vmul.f32 v3, v2;
	_ =	sdelay $0x1  }
0x90: {  	[tilespmem:$0x470] =	vst v3  }
0x91: {  	v3 =	vld.idx.msk [tilespmem:v45+s14+$0x0], $0xffff;
	_ =	sdelay $0x1  }
0x92: {  	v47 =	vld [tilespmem:$0x2F0];
	_ =	sdelay $0x2  }
0x93: {  	v2 =	vmul.f32 v3, v2  }
0x94: {  	v3 =	vshll.u32 v45, $0x10  }
0x95: {  	[tilespmem:$0x4F0] =	vst v2;
	v2 =	vor.u32 v3, v47  }
0x96: {  	s4 =	rddreg [dreg:$0x14];
	[tilespmem:$0x570] =	vst v2  }
0x97: {  	[hbm4b:s4+s11] =	stream.linear.scatter [tilespmem:s16], [sflag:$0x2], $0x80, $0x38;
	[tilespmem:$0x11200] =	vst v63  }
0x98: {  	_ =	swait.ge [sflag:s13], $0x80  }
0x99: {  	[sflag:s13] =	ssyncset.done $0x0  }
0x9a: {  	s5 =	rddreg [dreg:$0x15];
	[sflag:s13] =	ssyncadd.s32 $0xFFFFFF80  }
0x9b: {  	[hbm4b:s5+s11] =	stream.linear.scatter [tilespmem:s17], [sflag:$0x2], $0x80, $0x38;
	[tilespmem:$0x11200] =	vst v63  }
0x9c: {  	_ =	swait.ge [sflag:s13], $0x80  }
0x9d: {  	[sflag:s13] =	ssyncset.done $0x0  }
0x9e: {  	s7 =	rddreg [dreg:$0x16];
	[sflag:s13] =	ssyncadd.s32 $0xFFFFFF80  }
0x9f: {  	[hbm4b:s7+s11] =	stream.linear.scatter [tilespmem:s9], [sflag:$0x2], $0x80, $0x38;
	[tilespmem:$0x11200] =	vst v63  }
0xa0: {  	_ =	swait.ge [sflag:s13], $0x80  }
0xa1: {  	[sflag:s13] =	ssyncset.done $0x0  }
0xa2: {  	[sflag:s13] =	ssyncadd.s32 $0xFFFFFF80  }
0xa3: {  	_ =	swait.ge [sflag:s19], $0x80  }
0xa4: {  	[sflag:s19] =	ssyncset.done $0x0  }
0xa5: {  	[sflag:s19] =	ssyncadd.s32 $0xFFFFFF80  }
0xa6: {  	_ =	swait.ge [sflag:s19], $0x80  }
0xa7: {  	[sflag:s19] =	ssyncset.done $0x0  }
0xa8: {  	[sflag:s19] =	ssyncadd.s32 $0xFFFFFF80  }
0xa9: {  	_ =	swait.ge [sflag:s19], $0x80  }
0xaa: {  	[sflag:s19] =	ssyncset.done $0x0  }
0xab: {  	[sflag:s19] =	ssyncadd.s32 $0xFFFFFF80  }
0xac: {  	v2 =	vld [tilespmem:$0x100];
	_ =	sdelay $0x6  }
0xad: {  	v3 =	vld [tilespmem:$0x300]  }
0xae: {  	v48 =	vld.idx.msk [tilespmem:v2+s25+$0x0], $0xffff;
	_ =	sdelay $0x4  }
0xaf: {  	v4 =	vmul.f32 v48, v3  }
0xb0: {  	v49 =	vld [tilespmem:$0x110]  }
0xb1: {  	v50 =	vld [tilespmem:$0x200];
	[tilespmem:$0x400] =	vst v4  }
0xb2: {  	v4 =	vld.idx.msk [tilespmem:v2+s14+$0x0], $0xffff;
	_ =	sdelay $0x3  }
0xb3: {  	v2 =	vshll.u32 v2, $0x10  }
0xb4: {  	v2 =	vor.u32 v2, v50;
	v3 =	vmul.f32 v4, v3  }
0xb5: {  	[tilespmem:$0x500] =	vst v2  }
0xb6: {  	v2 =	vld [tilespmem:$0x310];
	[tilespmem:$0x480] =	vst v3  }
0xb7: {  	v3 =	vld.idx.msk [tilespmem:v49+s25+$0x0], $0xffff;
	_ =	sdelay $0x4  }
0xb8: {  	v3 =	vmul.f32 v3, v2;
	_ =	sdelay $0x1  }
0xb9: {  	[tilespmem:$0x410] =	vst v3  }
0xba: {  	v3 =	vld.idx.msk [tilespmem:v49+s14+$0x0], $0xffff  }
0xbb: {  	v51 =	vld [tilespmem:$0x120]  }
0xbc: {  	v52 =	vld [tilespmem:$0x210];
	_ =	sdelay $0x2  }
0xbd: {  	v2 =	vmul.f32 v3, v2  }
0xbe: {  	v3 =	vshll.u32 v49, $0x10  }
0xbf: {  	[tilespmem:$0x490] =	vst v2;
	v2 =	vor.u32 v3, v52  }
0xc0: {  	[tilespmem:$0x510] =	vst v2;
	v2 =	vld [tilespmem:$0x320]  }
0xc1: {  	v3 =	vld.idx.msk [tilespmem:v51+s25+$0x0], $0xffff;
	_ =	sdelay $0x4  }
0xc2: {  	v3 =	vmul.f32 v3, v2;
	_ =	sdelay $0x1  }
0xc3: {  	[tilespmem:$0x420] =	vst v3  }
0xc4: {  	v3 =	vld.idx.msk [tilespmem:v51+s14+$0x0], $0xffff  }
0xc5: {  	v53 =	vld [tilespmem:$0x130]  }
0xc6: {  	v54 =	vld [tilespmem:$0x220];
	_ =	sdelay $0x2  }
0xc7: {  	v2 =	vmul.f32 v3, v2  }
0xc8: {  	v3 =	vshll.u32 v51, $0x10  }
0xc9: {  	[tilespmem:$0x4A0] =	vst v2;
	v2 =	vor.u32 v3, v54  }
0xca: {  	[tilespmem:$0x520] =	vst v2;
	v2 =	vld [tilespmem:$0x330]  }
0xcb: {  	v3 =	vld.idx.msk [tilespmem:v53+s25+$0x0], $0xffff;
	_ =	sdelay $0x4  }
0xcc: {  	v3 =	vmul.f32 v3, v2;
	_ =	sdelay $0x1  }
0xcd: {  	[tilespmem:$0x430] =	vst v3  }
0xce: {  	v3 =	vld.idx.msk [tilespmem:v53+s14+$0x0], $0xffff  }
0xcf: {  	v55 =	vld [tilespmem:$0x140]  }
0xd0: {  	v56 =	vld [tilespmem:$0x230];
	_ =	sdelay $0x2  }
0xd1: {  	v2 =	vmul.f32 v3, v2  }
0xd2: {  	v3 =	vshll.u32 v53, $0x10  }
0xd3: {  	[tilespmem:$0x4B0] =	vst v2;
	v2 =	vor.u32 v3, v56  }
0xd4: {  	[tilespmem:$0x530] =	vst v2;
	v2 =	vld [tilespmem:$0x340]  }
0xd5: {  	v3 =	vld.idx.msk [tilespmem:v55+s25+$0x0], $0xffff;
	_ =	sdelay $0x4  }
0xd6: {  	v3 =	vmul.f32 v3, v2;
	_ =	sdelay $0x1  }
0xd7: {  	[tilespmem:$0x440] =	vst v3  }
0xd8: {  	v3 =	vld.idx.msk [tilespmem:v55+s14+$0x0], $0xffff  }
0xd9: {  	v57 =	vld [tilespmem:$0x150]  }
0xda: {  	v58 =	vld [tilespmem:$0x240];
	_ =	sdelay $0x2  }
0xdb: {  	v2 =	vmul.f32 v3, v2  }
0xdc: {  	v3 =	vshll.u32 v55, $0x10  }
0xdd: {  	[tilespmem:$0x4C0] =	vst v2;
	v2 =	vor.u32 v3, v58  }
0xde: {  	[tilespmem:$0x540] =	vst v2;
	v2 =	vld [tilespmem:$0x350]  }
0xdf: {  	v3 =	vld.idx.msk [tilespmem:v57+s25+$0x0], $0xffff;
	_ =	sdelay $0x4  }
0xe0: {  	v3 =	vmul.f32 v3, v2;
	_ =	sdelay $0x1  }
0xe1: {  	[tilespmem:$0x450] =	vst v3  }
0xe2: {  	v3 =	vld.idx.msk [tilespmem:v57+s14+$0x0], $0xffff  }
0xe3: {  	v59 =	vld [tilespmem:$0x160]  }
0xe4: {  	v60 =	vld [tilespmem:$0x250];
	_ =	sdelay $0x2  }
0xe5: {  	v2 =	vmul.f32 v3, v2  }
0xe6: {  	v3 =	vshll.u32 v57, $0x10  }
0xe7: {  	[tilespmem:$0x4D0] =	vst v2;
	v2 =	vor.u32 v3, v60  }
0xe8: {  	[tilespmem:$0x550] =	vst v2;
	v2 =	vld [tilespmem:$0x360]  }
0xe9: {  	v3 =	vld.idx.msk [tilespmem:v59+s25+$0x0], $0xffff;
	_ =	sdelay $0x4  }
0xea: {  	v3 =	vmul.f32 v3, v2;
	_ =	sdelay $0x1  }
0xeb: {  	[tilespmem:$0x460] =	vst v3  }
0xec: {  	v3 =	vld.idx.msk [tilespmem:v59+s14+$0x0], $0xffff  }
0xed: {  	v61 =	vld [tilespmem:$0x170]  }
0xee: {  	v62 =	vld [tilespmem:$0x260];
	_ =	sdelay $0x2  }
0xef: {  	v2 =	vmul.f32 v3, v2  }
0xf0: {  	v3 =	vshll.u32 v59, $0x10  }
0xf1: {  	[tilespmem:$0x4E0] =	vst v2;
	v2 =	vor.u32 v3, v62  }
0xf2: {  	[tilespmem:$0x560] =	vst v2;
	v2 =	vld [tilespmem:$0x370]  }
0xf3: {  	v3 =	vld.idx.msk [tilespmem:v61+s25+$0x0], $0xffff;
	_ =	sdelay $0x4  }
0xf4: {  	v3 =	vmul.f32 v3, v2;
	_ =	sdelay $0x1  }
0xf5: {  	[tilespmem:$0x470] =	vst v3  }
0xf6: {  	v3 =	vld.idx.msk [tilespmem:v61+s14+$0x0], $0xffff;
	_ =	sdelay $0x1  }
0xf7: {  	v63 =	vld [tilespmem:$0x270];
	_ =	sdelay $0x2  }
0xf8: {  	v2 =	vmul.f32 v3, v2  }
0xf9: {  	v3 =	vshll.u32 v61, $0x10  }
0xfa: {  	[tilespmem:$0x4F0] =	vst v2;
	v2 =	vor.u32 v3, v63  }
0xfb: {  	s12 =	rddreg [dreg:$0x17];
	[tilespmem:$0x570] =	vst v2  }
0xfc: {  	[hbm4b:s12+s11] =	stream.linear.scatter [tilespmem:s16], [sflag:$0x2], $0x80, $0x38;
	[tilespmem:$0x11200] =	vst v63  }
0xfd: {  	_ =	swait.ge [sflag:s13], $0x80  }
0xfe: {  	[sflag:s13] =	ssyncset.done $0x0  }
0xff: {  	s5 =	rddreg [dreg:$0x18];
	[sflag:s13] =	ssyncadd.s32 $0xFFFFFF80  }
0x100: {  	[hbm4b:s5+s11] =	stream.linear.scatter [tilespmem:s17], [sflag:$0x2], $0x80, $0x38;
	[tilespmem:$0x11200] =	vst v63  }
0x101: {  	_ =	swait.ge [sflag:s13], $0x80  }
0x102: {  	[sflag:s13] =	ssyncset.done $0x0  }
0x103: {  	s7 =	rddreg [dreg:$0x19];
	[sflag:s13] =	ssyncadd.s32 $0xFFFFFF80  }
0x104: {  	[hbm4b:s7+s11] =	stream.linear.scatter [tilespmem:s9], [sflag:$0x2], $0x80, $0x38;
	[tilespmem:$0x11200] =	vst v63  }
0x105: {  	_ =	swait.ge [sflag:s13], $0x80  }
0x106: {  	s5 =	sld [smem:$0x7E2];
	_ =	sdelay $0x2  }
0x107: {  	s12 =	rddreg [dreg:$0x1a];
	s5 =	sadd.s32 $0x1, s5  }
0x108: {  	p1 =	sne.s32 s5, s12  }
.Ltmp1:
0x109: {  	_ = 	snop;
	(pc) =	sbr.rel @!p1 .LBB2_84-.Ltmp1, $3  }
0x10a: {  	_ =	sdelay $0x1  }
0x10b: {  	[sflag:s13] =	ssyncset.done $0x0  }
0x10c: {  	[sflag:s13] =	ssyncadd.s32 $0xFFFFFF80  }
.LBB2_1:
0x10d: {  	[smem:$0x7E2] =	sst s5;
	s4 =	simm.s32 $0x40;
	s5 =	simm.s32 $0x0  }
.LBB2_2:
0x10e: {  	p1 =	sne.s32 s4, $0x9FC0;
	[tilespmem:s5+$0x5580] =	vst v0;
	s7 =	smov.u32 s4;
	s4 =	sadd.s32 $0x40, s4  }
.Ltmp2:
0x10f: {  	[tilespmem:s5+$0x7D80] =	vst v0;
	(pc) =	sbr.rel @p1 .LBB2_2-.Ltmp2, $2  }
0x110: {  	_ =	sdelay $0x2  }
0x111: {  	s5 =	sshra.s32 s7, $0x2  }
0x112: {  	[tilespmem:s5+$0x5580] =	vst v0  }
0x113: {  	[tilespmem:s5+$0x7D80] =	vst v0;
	s4 =	simm.s32 $0x0;
	s12 =	rddreg [dreg:$0xd];
	s7 =	simm.s32 $0xA580  }
0x114: {  	[tilespmem:s7], [sflag:$0x2] =	stream.linear.gather [hbm4b:s12+s4], $0x7D0, $0x38;
	[tilespmem:$0x11200] =	vst v63  }
0x115: {  	_ =	swait.ge [sflag:s13], $0x7D0  }
0x116: {  	[sflag:s13] =	ssyncset.done $0x0  }
0x117: {  	[sflag:s13] =	ssyncadd.s32 $0xFFFFF830  }
.LBB2_4:
0x118: {  	s5 =	smul.u32 $0x7D0, s4  }
0x119: {  	s7 =	rddreg [dreg:$0xc]  }
0x11a: {  	s5 =	sadd.s32 s7, s5  }
0x11b: {  	s5 =	sshrl.u32 s5, $0x3  }
0x11c: {  	s12 =	simm.s32 $0xAD80;
	s7 =	sadd.s32 s2, s5  }
0x11d: {  	[tilespmem:s12], [sflag:$0x1] =	stream.linear.gather [hbm4b:s7+s11], $0x7D0, $0x38;
	[tilespmem:$0x11200] =	vst v63  }
0x11e: {  	s7 =	simm.s32 $0xFFFFFFFC;
	s12 =	simm.s32 $0xA5A0  }
.LBB2_5:
0x11f: {  	v2 =	vld [tilespmem:s12+$0xFFFFFFE0];
	_ =	sdelay $0x7  }
0x120: {  	[tilespmem:v2+s18+$0x0] =	vst.idx.add.f32.msk $0xffff, v1  }
0x121: {  	v2 =	vld [tilespmem:s12+$0xFFFFFFF0];
	_ =	sdelay $0x7  }
0x122: {  	[tilespmem:v2+s18+$0x0] =	vst.idx.add.f32.msk $0xffff, v1  }
0x123: {  	v2 =	vld [tilespmem:s12+$0x0];
	_ =	sdelay $0x7  }
0x124: {  	[tilespmem:v2+s18+$0x0] =	vst.idx.add.f32.msk $0xffff, v1  }
0x125: {  	v2 =	vld [tilespmem:s12+$0x10];
	_ =	sdelay $0x1  }
0x126: {  	s7 =	sadd.s32 $0x4, s7  }
0x127: {  	p1 =	slt.u32 s7, $0x78  }
.Ltmp3:
0x128: {  	_ = 	snop;
	(pc) =	sbr.rel @p1 .LBB2_5-.Ltmp3, $2  }
0x129: {  	_ =	sdelay $0x2  }
0x12a: {  	s12 =	sadd.s32 $0x40, s12;
	[tilespmem:v2+s18+$0x0] =	vst.idx.add.f32.msk $0xffff, v1  }
0x12b: {  	v2 =	vld [tilespmem:$0xAD40];
	_ =	sdelay $0x5  }
0x12c: {  	p1 =	seq.s32 s4, $0x9  }
.Ltmp4:
0x12d: {  	_ = 	snop;
	(pc) =	sbr.rel @p1 .LBB2_7-.Ltmp4, $4  }
0x12e: {  	[tilespmem:v2+s18+$0x0] =	vst.idx.add.f32.msk $0xffff, v1  }
0x12f: {  	_ =	swait.ge [sflag:s19], $0x7D0  }
0x130: {  	[sflag:s19] =	ssyncset.done $0x0  }
0x131: {  	[sflag:s19] =	ssyncadd.s32 $0xFFFFF830  }
0x132: {  	s5 =	sadd.s32 s1, s5  }
0x133: {  	s7 =	simm.s32 $0xA580;
	s5 =	sadd.s32 $0xFA, s5  }
0x134: {  	[tilespmem:s7], [sflag:$0x1] =	stream.linear.gather [hbm4b:s5+s11], $0x7D0, $0x38;
	[tilespmem:$0x11200] =	vst v63  }
0x135: {  	s4 =	sadd.s32 $0x1, s4;
	s5 =	simm.s32 $0xFFFFFFFC;
	s7 =	simm.s32 $0xADA0  }
.LBB2_11:
0x136: {  	v2 =	vld [tilespmem:s7+$0xFFFFFFE0];
	_ =	sdelay $0x7  }
0x137: {  	[tilespmem:v2+s20+$0x0] =	vst.idx.add.f32.msk $0xffff, v1  }
0x138: {  	v2 =	vld [tilespmem:s7+$0xFFFFFFF0];
	_ =	sdelay $0x7  }
0x139: {  	[tilespmem:v2+s20+$0x0] =	vst.idx.add.f32.msk $0xffff, v1  }
0x13a: {  	v2 =	vld [tilespmem:s7+$0x0];
	_ =	sdelay $0x7  }
0x13b: {  	[tilespmem:v2+s20+$0x0] =	vst.idx.add.f32.msk $0xffff, v1  }
0x13c: {  	v2 =	vld [tilespmem:s7+$0x10];
	_ =	sdelay $0x1  }
0x13d: {  	s5 =	sadd.s32 $0x4, s5  }
0x13e: {  	p1 =	slt.u32 s5, $0x78  }
.Ltmp5:
0x13f: {  	_ = 	snop;
	(pc) =	sbr.rel @p1 .LBB2_11-.Ltmp5, $2  }
0x140: {  	_ =	sdelay $0x2  }
0x141: {  	s7 =	sadd.s32 $0x40, s7;
	[tilespmem:v2+s20+$0x0] =	vst.idx.add.f32.msk $0xffff, v1  }
0x142: {  	v2 =	vld [tilespmem:$0xB540];
	_ =	sdelay $0x5  }
0x143: {  	p1 =	sne.s32 s4, $0xA  }
.Ltmp6:
0x144: {  	_ = 	snop;
	(pc) =	sbr.rel @p1 .LBB2_4-.Ltmp6, $4  }
.Ltmp7:
0x145: {  	[tilespmem:v2+s20+$0x0] =	vst.idx.add.f32.msk $0xffff, v1;
	(pc) =	sbr.rel @!p1 .LBB2_13-.Ltmp7, $4  }
0x146: {  	_ =	swait.ge [sflag:s19], $0x7D0  }
0x147: {  	[sflag:s19] =	ssyncset.done $0x0  }
0x148: {  	[sflag:s19] =	ssyncadd.s32 $0xFFFFF830  }
0x149: {  	_ = 	snop  }
.LBB2_7:
0x14a: {  	s4 =	simm.s32 $0xFFFFFFFC;
	s5 =	simm.s32 $0xADA0  }
.LBB2_8:
0x14b: {  	v2 =	vld [tilespmem:s5+$0xFFFFFFE0];
	_ =	sdelay $0x7  }
0x14c: {  	[tilespmem:v2+s20+$0x0] =	vst.idx.add.f32.msk $0xffff, v1  }
0x14d: {  	v2 =	vld [tilespmem:s5+$0xFFFFFFF0];
	_ =	sdelay $0x7  }
0x14e: {  	[tilespmem:v2+s20+$0x0] =	vst.idx.add.f32.msk $0xffff, v1  }
0x14f: {  	v2 =	vld [tilespmem:s5+$0x0];
	_ =	sdelay $0x7  }
0x150: {  	[tilespmem:v2+s20+$0x0] =	vst.idx.add.f32.msk $0xffff, v1  }
0x151: {  	v2 =	vld [tilespmem:s5+$0x10];
	_ =	sdelay $0x1  }
0x152: {  	s4 =	sadd.s32 $0x4, s4  }
0x153: {  	p1 =	slt.u32 s4, $0x78  }
.Ltmp8:
0x154: {  	_ = 	snop;
	(pc) =	sbr.rel @p1 .LBB2_8-.Ltmp8, $2  }
0x155: {  	_ =	sdelay $0x2  }
0x156: {  	s5 =	sadd.s32 $0x40, s5;
	[tilespmem:v2+s20+$0x0] =	vst.idx.add.f32.msk $0xffff, v1  }
0x157: {  	v2 =	vld [tilespmem:$0xB540];
	_ =	sdelay $0x7  }
0x158: {  	[tilespmem:v2+s20+$0x0] =	vst.idx.add.f32.msk $0xffff, v1  }
.LBB2_13:
0x159: {  	s4 =	rddreg [dreg:$0xe]  }
0x15a: {  	[spmem:s4] =	stream.strided.scatter [tilespmem:s18], [sflag:$0x2], $0x2800, s23, s22, $0x38;
	[tilespmem:$0x11200] =	vst v63  }
0x15b: {  	_ =	swait.ge [sflag:s13], $0x2800  }
0x15c: {  	[sflag:s13] =	ssyncset.done $0x0  }
0x15d: {  	s7 =	rddreg [dreg:$0x1b];
	[sflag:s13] =	ssyncadd.s32 $0xFFFFD800  }
0x15e: {  	[spmem:s7] =	stream.strided.scatter [tilespmem:s20], [sflag:$0x2], $0x2800, s23, s22, $0x38;
	[tilespmem:$0x11200] =	vst v63  }
0x15f: {  	_ =	swait.ge [sflag:s13], $0x2800  }
0x160: {  	[sflag:s13] =	ssyncset.done $0x0  }
0x161: {  	[sflag:s13] =	ssyncadd.s32 $0xFFFFD800  }
0x162: {  	[bflag:$0x0] =	sbarrier.arrive $0xFFFF  }
0x163: {  	s12 =	rddreg [dreg:$0xf]  }
0x164: {  	[tilespmem:s24], [sflag:$0x2] =	stream.strided.gather [spmem:s12], $0x280, s23, s22, $0x38;
	[tilespmem:$0x11200] =	vst v63  }
0x165: {  	_ =	swait.ge [sflag:s13], $0x280  }
0x166: {  	[sflag:s13] =	ssyncset.done $0x0  }
0x167: {  	s4 =	simm.s32 $0x0;
	[sflag:s13] =	ssyncadd.s32 $0xFFFFFD80  }
0x168: {  	s5 =	simm.s32 $0x40;
	v2 =	vld [tilespmem:s4+$0xBA80]  }
.LBB2_14:
0x169: {  	p1 =	sne.s32 s5, $0x9C0  }
.Ltmp9:
0x16a: {  	_ = 	snop;
	(pc) =	sbr.rel @p1 .LBB2_14-.Ltmp9, $3  }
0x16b: {  	_ =	sdelay $0x1  }
0x16c: {  	[tilespmem:s4+$0xB580] =	vst v2;
	s4 =	sshra.s32 s5, $0x2;
	s5 =	sadd.s32 $0x40, s5  }
0x16d: {  	v2 =	vld [tilespmem:s4+$0xBA80]  }
0x16e: {  	_ =	sdelay $0x3  }
0x16f: {  	s12 =	rddreg [dreg:$0x1c];
	[tilespmem:s4+$0xB580] =	vst v2  }
0x170: {  	[tilespmem:s24], [sflag:$0x2] =	stream.strided.gather [spmem:s12], $0x280, s23, s22, $0x38;
	[tilespmem:$0x11200] =	vst v63  }
0x171: {  	_ =	swait.ge [sflag:s13], $0x280  }
0x172: {  	[sflag:s13] =	ssyncset.done $0x0  }
0x173: {  	s4 =	simm.s32 $0x0;
	[sflag:s13] =	ssyncadd.s32 $0xFFFFFD80  }
0x174: {  	s5 =	simm.s32 $0x40;
	v2 =	vld [tilespmem:s4+$0xBA80]  }
.LBB2_16:
0x175: {  	p1 =	sne.s32 s5, $0x9C0;
	v3 =	vld [tilespmem:s4+$0xB580];
	_ =	sdelay $0x2  }
.Ltmp10:
0x176: {  	(pc) =	sbr.rel @p1 .LBB2_16-.Ltmp10, $4  }
0x177: {  	_ = 	snop  }
0x178: {  	v3 =	vadd.f32 v2, v3  }
0x179: {  	s7 =	sshra.s32 s5, $0x2  }
0x17a: {  	s5 =	sadd.s32 $0x40, s5;
	v2 =	vld [tilespmem:s7+$0xBA80];
	[tilespmem:s4+$0xB580] =	vst v3;
	s4 =	smov.u32 s7  }
0x17b: {  	v3 =	vld [tilespmem:s4+$0xB580];
	_ =	sdelay $0x4  }
0x17c: {  	v2 =	vadd.f32 v2, v3;
	_ =	sdelay $0x1  }
0x17d: {  	s12 =	rddreg [dreg:$0x1d];
	[tilespmem:s4+$0xB580] =	vst v2  }
0x17e: {  	[tilespmem:s24], [sflag:$0x2] =	stream.strided.gather [spmem:s12], $0x280, s23, s22, $0x38;
	[tilespmem:$0x11200] =	vst v63  }
0x17f: {  	_ =	swait.ge [sflag:s13], $0x280  }
0x180: {  	[sflag:s13] =	ssyncset.done $0x0  }
0x181: {  	s4 =	simm.s32 $0x0;
	[sflag:s13] =	ssyncadd.s32 $0xFFFFFD80  }
0x182: {  	s5 =	simm.s32 $0x40;
	v2 =	vld [tilespmem:s4+$0xBA80]  }
.LBB2_18:
0x183: {  	p1 =	sne.s32 s5, $0x9C0;
	v3 =	vld [tilespmem:s4+$0xB580];
	_ =	sdelay $0x2  }
.Ltmp11:
0x184: {  	(pc) =	sbr.rel @p1 .LBB2_18-.Ltmp11, $4  }
0x185: {  	_ = 	snop  }
0x186: {  	v3 =	vadd.f32 v2, v3  }
0x187: {  	s7 =	sshra.s32 s5, $0x2  }
0x188: {  	s5 =	sadd.s32 $0x40, s5;
	v2 =	vld [tilespmem:s7+$0xBA80];
	[tilespmem:s4+$0xB580] =	vst v3;
	s4 =	smov.u32 s7  }
0x189: {  	v3 =	vld [tilespmem:s4+$0xB580];
	_ =	sdelay $0x4  }
0x18a: {  	v2 =	vadd.f32 v2, v3;
	_ =	sdelay $0x1  }
0x18b: {  	s12 =	rddreg [dreg:$0x1e];
	[tilespmem:s4+$0xB580] =	vst v2  }
0x18c: {  	[tilespmem:s24], [sflag:$0x2] =	stream.strided.gather [spmem:s12], $0x280, s23, s22, $0x38;
	[tilespmem:$0x11200] =	vst v63  }
0x18d: {  	_ =	swait.ge [sflag:s13], $0x280  }
0x18e: {  	[sflag:s13] =	ssyncset.done $0x0  }
0x18f: {  	s4 =	simm.s32 $0x0;
	[sflag:s13] =	ssyncadd.s32 $0xFFFFFD80  }
0x190: {  	s5 =	simm.s32 $0x40;
	v2 =	vld [tilespmem:s4+$0xBA80]  }
.LBB2_20:
0x191: {  	p1 =	sne.s32 s5, $0x9C0;
	v3 =	vld [tilespmem:s4+$0xB580];
	_ =	sdelay $0x2  }
.Ltmp12:
0x192: {  	(pc) =	sbr.rel @p1 .LBB2_20-.Ltmp12, $4  }
0x193: {  	_ = 	snop  }
0x194: {  	v3 =	vadd.f32 v2, v3  }
0x195: {  	s7 =	sshra.s32 s5, $0x2  }
0x196: {  	s5 =	sadd.s32 $0x40, s5;
	v2 =	vld [tilespmem:s7+$0xBA80];
	[tilespmem:s4+$0xB580] =	vst v3;
	s4 =	smov.u32 s7  }
0x197: {  	v3 =	vld [tilespmem:s4+$0xB580];
	_ =	sdelay $0x4  }
0x198: {  	v2 =	vadd.f32 v2, v3;
	_ =	sdelay $0x1  }
0x199: {  	s12 =	rddreg [dreg:$0x1f];
	[tilespmem:s4+$0xB580] =	vst v2  }
0x19a: {  	[tilespmem:s24], [sflag:$0x2] =	stream.strided.gather [spmem:s12], $0x280, s23, s22, $0x38;
	[tilespmem:$0x11200] =	vst v63  }
0x19b: {  	_ =	swait.ge [sflag:s13], $0x280  }
0x19c: {  	[sflag:s13] =	ssyncset.done $0x0  }
0x19d: {  	s4 =	simm.s32 $0x0;
	[sflag:s13] =	ssyncadd.s32 $0xFFFFFD80  }
0x19e: {  	s5 =	simm.s32 $0x40;
	v2 =	vld [tilespmem:s4+$0xBA80]  }
.LBB2_22:
0x19f: {  	p1 =	sne.s32 s5, $0x9C0;
	v3 =	vld [tilespmem:s4+$0xB580];
	_ =	sdelay $0x2  }
.Ltmp13:
0x1a0: {  	(pc) =	sbr.rel @p1 .LBB2_22-.Ltmp13, $4  }
0x1a1: {  	_ = 	snop  }
0x1a2: {  	v3 =	vadd.f32 v2, v3  }
0x1a3: {  	s7 =	sshra.s32 s5, $0x2  }
0x1a4: {  	s5 =	sadd.s32 $0x40, s5;
	v2 =	vld [tilespmem:s7+$0xBA80];
	[tilespmem:s4+$0xB580] =	vst v3;
	s4 =	smov.u32 s7  }
0x1a5: {  	v3 =	vld [tilespmem:s4+$0xB580];
	_ =	sdelay $0x4  }
0x1a6: {  	s12 =	sld [smem:$0x7E3];
	v2 =	vadd.f32 v2, v3;
	_ =	sdelay $0x1  }
0x1a7: {  	[tilespmem:s4+$0xB580] =	vst v2  }
0x1a8: {  	[tilespmem:s24], [sflag:$0x2] =	stream.strided.gather [spmem:s12], $0x280, s23, s22, $0x38;
	[tilespmem:$0x11200] =	vst v63  }
0x1a9: {  	_ =	swait.ge [sflag:s13], $0x280  }
0x1aa: {  	[sflag:s13] =	ssyncset.done $0x0  }
0x1ab: {  	s4 =	simm.s32 $0x0;
	[sflag:s13] =	ssyncadd.s32 $0xFFFFFD80  }
0x1ac: {  	s5 =	simm.s32 $0x40;
	v2 =	vld [tilespmem:s4+$0xBA80]  }
.LBB2_24:
0x1ad: {  	p1 =	sne.s32 s5, $0x9C0;
	v3 =	vld [tilespmem:s4+$0xB580];
	_ =	sdelay $0x2  }
.Ltmp14:
0x1ae: {  	(pc) =	sbr.rel @p1 .LBB2_24-.Ltmp14, $4  }
0x1af: {  	_ = 	snop  }
0x1b0: {  	v3 =	vadd.f32 v2, v3  }
0x1b1: {  	s7 =	sshra.s32 s5, $0x2  }
0x1b2: {  	s5 =	sadd.s32 $0x40, s5;
	v2 =	vld [tilespmem:s7+$0xBA80];
	[tilespmem:s4+$0xB580] =	vst v3;
	s4 =	smov.u32 s7  }
0x1b3: {  	v3 =	vld [tilespmem:s4+$0xB580];
	_ =	sdelay $0x4  }
0x1b4: {  	s12 =	sld [smem:$0x7E4];
	v2 =	vadd.f32 v2, v3;
	_ =	sdelay $0x1  }
0x1b5: {  	[tilespmem:s4+$0xB580] =	vst v2  }
0x1b6: {  	[tilespmem:s24], [sflag:$0x2] =	stream.strided.gather [spmem:s12], $0x280, s23, s22, $0x38;
	[tilespmem:$0x11200] =	vst v63  }
0x1b7: {  	_ =	swait.ge [sflag:s13], $0x280  }
0x1b8: {  	[sflag:s13] =	ssyncset.done $0x0  }
0x1b9: {  	s4 =	simm.s32 $0x0;
	[sflag:s13] =	ssyncadd.s32 $0xFFFFFD80  }
0x1ba: {  	s5 =	simm.s32 $0x40;
	v2 =	vld [tilespmem:s4+$0xBA80]  }
.LBB2_26:
0x1bb: {  	p1 =	sne.s32 s5, $0x9C0;
	v3 =	vld [tilespmem:s4+$0xB580];
	_ =	sdelay $0x2  }
.Ltmp15:
0x1bc: {  	(pc) =	sbr.rel @p1 .LBB2_26-.Ltmp15, $4  }
0x1bd: {  	_ = 	snop  }
0x1be: {  	v3 =	vadd.f32 v2, v3  }
0x1bf: {  	s7 =	sshra.s32 s5, $0x2  }
0x1c0: {  	s5 =	sadd.s32 $0x40, s5;
	v2 =	vld [tilespmem:s7+$0xBA80];
	[tilespmem:s4+$0xB580] =	vst v3;
	s4 =	smov.u32 s7  }
0x1c1: {  	v3 =	vld [tilespmem:s4+$0xB580];
	_ =	sdelay $0x4  }
0x1c2: {  	s12 =	sld [smem:$0x7E5];
	v2 =	vadd.f32 v2, v3;
	_ =	sdelay $0x1  }
0x1c3: {  	[tilespmem:s4+$0xB580] =	vst v2  }
0x1c4: {  	[tilespmem:s24], [sflag:$0x2] =	stream.strided.gather [spmem:s12], $0x280, s23, s22, $0x38;
	[tilespmem:$0x11200] =	vst v63  }
0x1c5: {  	_ =	swait.ge [sflag:s13], $0x280  }
0x1c6: {  	[sflag:s13] =	ssyncset.done $0x0  }
0x1c7: {  	s4 =	simm.s32 $0x0;
	[sflag:s13] =	ssyncadd.s32 $0xFFFFFD80  }
0x1c8: {  	s5 =	simm.s32 $0x40;
	v2 =	vld [tilespmem:s4+$0xBA80]  }
.LBB2_28:
0x1c9: {  	p1 =	sne.s32 s5, $0x9C0;
	v3 =	vld [tilespmem:s4+$0xB580];
	_ =	sdelay $0x2  }
.Ltmp16:
0x1ca: {  	(pc) =	sbr.rel @p1 .LBB2_28-.Ltmp16, $4  }
0x1cb: {  	_ = 	snop  }
0x1cc: {  	v3 =	vadd.f32 v2, v3  }
0x1cd: {  	s7 =	sshra.s32 s5, $0x2  }
0x1ce: {  	s5 =	sadd.s32 $0x40, s5;
	v2 =	vld [tilespmem:s7+$0xBA80];
	[tilespmem:s4+$0xB580] =	vst v3;
	s4 =	smov.u32 s7  }
0x1cf: {  	v3 =	vld [tilespmem:s4+$0xB580];
	_ =	sdelay $0x4  }
0x1d0: {  	s12 =	sld [smem:$0x7E6];
	v2 =	vadd.f32 v2, v3;
	_ =	sdelay $0x1  }
0x1d1: {  	[tilespmem:s4+$0xB580] =	vst v2  }
0x1d2: {  	[tilespmem:s24], [sflag:$0x2] =	stream.strided.gather [spmem:s12], $0x280, s23, s22, $0x38;
	[tilespmem:$0x11200] =	vst v63  }
0x1d3: {  	_ =	swait.ge [sflag:s13], $0x280  }
0x1d4: {  	[sflag:s13] =	ssyncset.done $0x0  }
0x1d5: {  	s4 =	simm.s32 $0x0;
	[sflag:s13] =	ssyncadd.s32 $0xFFFFFD80  }
0x1d6: {  	s5 =	simm.s32 $0x40;
	v2 =	vld [tilespmem:s4+$0xBA80]  }
.LBB2_30:
0x1d7: {  	p1 =	sne.s32 s5, $0x9C0;
	v3 =	vld [tilespmem:s4+$0xB580];
	_ =	sdelay $0x2  }
.Ltmp17:
0x1d8: {  	(pc) =	sbr.rel @p1 .LBB2_30-.Ltmp17, $4  }
0x1d9: {  	_ = 	snop  }
0x1da: {  	v3 =	vadd.f32 v2, v3  }
0x1db: {  	s7 =	sshra.s32 s5, $0x2  }
0x1dc: {  	s5 =	sadd.s32 $0x40, s5;
	v2 =	vld [tilespmem:s7+$0xBA80];
	[tilespmem:s4+$0xB580] =	vst v3;
	s4 =	smov.u32 s7  }
0x1dd: {  	v3 =	vld [tilespmem:s4+$0xB580];
	_ =	sdelay $0x4  }
0x1de: {  	s12 =	sld [smem:$0x7E7];
	v2 =	vadd.f32 v2, v3;
	_ =	sdelay $0x1  }
0x1df: {  	[tilespmem:s4+$0xB580] =	vst v2  }
0x1e0: {  	[tilespmem:s24], [sflag:$0x2] =	stream.strided.gather [spmem:s12], $0x280, s23, s22, $0x38;
	[tilespmem:$0x11200] =	vst v63  }
0x1e1: {  	_ =	swait.ge [sflag:s13], $0x280  }
0x1e2: {  	[sflag:s13] =	ssyncset.done $0x0  }
0x1e3: {  	s4 =	simm.s32 $0x0;
	[sflag:s13] =	ssyncadd.s32 $0xFFFFFD80  }
0x1e4: {  	s5 =	simm.s32 $0x40;
	v2 =	vld [tilespmem:s4+$0xBA80]  }
.LBB2_32:
0x1e5: {  	p1 =	sne.s32 s5, $0x9C0;
	v3 =	vld [tilespmem:s4+$0xB580];
	_ =	sdelay $0x2  }
.Ltmp18:
0x1e6: {  	(pc) =	sbr.rel @p1 .LBB2_32-.Ltmp18, $4  }
0x1e7: {  	_ = 	snop  }
0x1e8: {  	v3 =	vadd.f32 v2, v3  }
0x1e9: {  	s7 =	sshra.s32 s5, $0x2  }
0x1ea: {  	s5 =	sadd.s32 $0x40, s5;
	v2 =	vld [tilespmem:s7+$0xBA80];
	[tilespmem:s4+$0xB580] =	vst v3;
	s4 =	smov.u32 s7  }
0x1eb: {  	v3 =	vld [tilespmem:s4+$0xB580];
	_ =	sdelay $0x4  }
0x1ec: {  	s12 =	sld [smem:$0x7E8];
	v2 =	vadd.f32 v2, v3;
	_ =	sdelay $0x1  }
0x1ed: {  	[tilespmem:s4+$0xB580] =	vst v2  }
0x1ee: {  	[tilespmem:s24], [sflag:$0x2] =	stream.strided.gather [spmem:s12], $0x280, s23, s22, $0x38;
	[tilespmem:$0x11200] =	vst v63  }
0x1ef: {  	_ =	swait.ge [sflag:s13], $0x280  }
0x1f0: {  	[sflag:s13] =	ssyncset.done $0x0  }
0x1f1: {  	s4 =	simm.s32 $0x0;
	[sflag:s13] =	ssyncadd.s32 $0xFFFFFD80  }
0x1f2: {  	s5 =	simm.s32 $0x40;
	v2 =	vld [tilespmem:s4+$0xBA80]  }
.LBB2_34:
0x1f3: {  	p1 =	sne.s32 s5, $0x9C0;
	v3 =	vld [tilespmem:s4+$0xB580];
	_ =	sdelay $0x2  }
.Ltmp19:
0x1f4: {  	(pc) =	sbr.rel @p1 .LBB2_34-.Ltmp19, $4  }
0x1f5: {  	_ = 	snop  }
0x1f6: {  	v3 =	vadd.f32 v2, v3  }
0x1f7: {  	s7 =	sshra.s32 s5, $0x2  }
0x1f8: {  	s5 =	sadd.s32 $0x40, s5;
	v2 =	vld [tilespmem:s7+$0xBA80];
	[tilespmem:s4+$0xB580] =	vst v3;
	s4 =	smov.u32 s7  }
0x1f9: {  	v3 =	vld [tilespmem:s4+$0xB580];
	_ =	sdelay $0x4  }
0x1fa: {  	s12 =	sld [smem:$0x7E9];
	v2 =	vadd.f32 v2, v3;
	_ =	sdelay $0x1  }
0x1fb: {  	[tilespmem:s4+$0xB580] =	vst v2  }
0x1fc: {  	[tilespmem:s24], [sflag:$0x2] =	stream.strided.gather [spmem:s12], $0x280, s23, s22, $0x38;
	[tilespmem:$0x11200] =	vst v63  }
0x1fd: {  	_ =	swait.ge [sflag:s13], $0x280  }
0x1fe: {  	[sflag:s13] =	ssyncset.done $0x0  }
0x1ff: {  	s4 =	simm.s32 $0x0;
	[sflag:s13] =	ssyncadd.s32 $0xFFFFFD80  }
0x200: {  	s5 =	simm.s32 $0x40;
	v2 =	vld [tilespmem:s4+$0xBA80]  }
.LBB2_36:
0x201: {  	p1 =	sne.s32 s5, $0x9C0;
	v3 =	vld [tilespmem:s4+$0xB580];
	_ =	sdelay $0x2  }
.Ltmp20:
0x202: {  	(pc) =	sbr.rel @p1 .LBB2_36-.Ltmp20, $4  }
0x203: {  	_ = 	snop  }
0x204: {  	v3 =	vadd.f32 v2, v3  }
0x205: {  	s7 =	sshra.s32 s5, $0x2  }
0x206: {  	s5 =	sadd.s32 $0x40, s5;
	v2 =	vld [tilespmem:s7+$0xBA80];
	[tilespmem:s4+$0xB580] =	vst v3;
	s4 =	smov.u32 s7  }
0x207: {  	v3 =	vld [tilespmem:s4+$0xB580];
	_ =	sdelay $0x4  }
0x208: {  	s12 =	sld [smem:$0x7EA];
	v2 =	vadd.f32 v2, v3;
	_ =	sdelay $0x1  }
0x209: {  	[tilespmem:s4+$0xB580] =	vst v2  }
0x20a: {  	[tilespmem:s24], [sflag:$0x2] =	stream.strided.gather [spmem:s12], $0x280, s23, s22, $0x38;
	[tilespmem:$0x11200] =	vst v63  }
0x20b: {  	_ =	swait.ge [sflag:s13], $0x280  }
0x20c: {  	[sflag:s13] =	ssyncset.done $0x0  }
0x20d: {  	s4 =	simm.s32 $0x0;
	[sflag:s13] =	ssyncadd.s32 $0xFFFFFD80  }
0x20e: {  	s5 =	simm.s32 $0x40;
	v2 =	vld [tilespmem:s4+$0xBA80]  }
.LBB2_38:
0x20f: {  	p1 =	sne.s32 s5, $0x9C0;
	v3 =	vld [tilespmem:s4+$0xB580];
	_ =	sdelay $0x2  }
.Ltmp21:
0x210: {  	(pc) =	sbr.rel @p1 .LBB2_38-.Ltmp21, $4  }
0x211: {  	_ = 	snop  }
0x212: {  	v3 =	vadd.f32 v2, v3  }
0x213: {  	s7 =	sshra.s32 s5, $0x2  }
0x214: {  	s5 =	sadd.s32 $0x40, s5;
	v2 =	vld [tilespmem:s7+$0xBA80];
	[tilespmem:s4+$0xB580] =	vst v3;
	s4 =	smov.u32 s7  }
0x215: {  	v3 =	vld [tilespmem:s4+$0xB580];
	_ =	sdelay $0x4  }
0x216: {  	s12 =	sld [smem:$0x7EB];
	v2 =	vadd.f32 v2, v3;
	_ =	sdelay $0x1  }
0x217: {  	[tilespmem:s4+$0xB580] =	vst v2  }
0x218: {  	[tilespmem:s24], [sflag:$0x2] =	stream.strided.gather [spmem:s12], $0x280, s23, s22, $0x38;
	[tilespmem:$0x11200] =	vst v63  }
0x219: {  	_ =	swait.ge [sflag:s13], $0x280  }
0x21a: {  	[sflag:s13] =	ssyncset.done $0x0  }
0x21b: {  	s4 =	simm.s32 $0x0;
	[sflag:s13] =	ssyncadd.s32 $0xFFFFFD80  }
0x21c: {  	s5 =	simm.s32 $0x40;
	v2 =	vld [tilespmem:s4+$0xBA80]  }
.LBB2_40:
0x21d: {  	p1 =	sne.s32 s5, $0x9C0;
	v3 =	vld [tilespmem:s4+$0xB580];
	_ =	sdelay $0x2  }
.Ltmp22:
0x21e: {  	(pc) =	sbr.rel @p1 .LBB2_40-.Ltmp22, $4  }
0x21f: {  	_ = 	snop  }
0x220: {  	v3 =	vadd.f32 v2, v3  }
0x221: {  	s7 =	sshra.s32 s5, $0x2  }
0x222: {  	s5 =	sadd.s32 $0x40, s5;
	v2 =	vld [tilespmem:s7+$0xBA80];
	[tilespmem:s4+$0xB580] =	vst v3;
	s4 =	smov.u32 s7  }
0x223: {  	v3 =	vld [tilespmem:s4+$0xB580];
	_ =	sdelay $0x4  }
0x224: {  	s12 =	sld [smem:$0x7EC];
	v2 =	vadd.f32 v2, v3;
	_ =	sdelay $0x1  }
0x225: {  	[tilespmem:s4+$0xB580] =	vst v2  }
0x226: {  	[tilespmem:s24], [sflag:$0x2] =	stream.strided.gather [spmem:s12], $0x280, s23, s22, $0x38;
	[tilespmem:$0x11200] =	vst v63  }
0x227: {  	_ =	swait.ge [sflag:s13], $0x280  }
0x228: {  	[sflag:s13] =	ssyncset.done $0x0  }
0x229: {  	s4 =	simm.s32 $0x0;
	[sflag:s13] =	ssyncadd.s32 $0xFFFFFD80  }
0x22a: {  	s5 =	simm.s32 $0x40;
	v2 =	vld [tilespmem:s4+$0xBA80]  }
.LBB2_42:
0x22b: {  	p1 =	sne.s32 s5, $0x9C0;
	v3 =	vld [tilespmem:s4+$0xB580];
	_ =	sdelay $0x2  }
.Ltmp23:
0x22c: {  	(pc) =	sbr.rel @p1 .LBB2_42-.Ltmp23, $4  }
0x22d: {  	_ = 	snop  }
0x22e: {  	v3 =	vadd.f32 v2, v3  }
0x22f: {  	s7 =	sshra.s32 s5, $0x2  }
0x230: {  	s5 =	sadd.s32 $0x40, s5;
	v2 =	vld [tilespmem:s7+$0xBA80];
	[tilespmem:s4+$0xB580] =	vst v3;
	s4 =	smov.u32 s7  }
0x231: {  	v3 =	vld [tilespmem:s4+$0xB580];
	_ =	sdelay $0x4  }
0x232: {  	s12 =	sld [smem:$0x7ED];
	v2 =	vadd.f32 v2, v3;
	_ =	sdelay $0x1  }
0x233: {  	[tilespmem:s4+$0xB580] =	vst v2  }
0x234: {  	[tilespmem:s24], [sflag:$0x2] =	stream.strided.gather [spmem:s12], $0x280, s23, s22, $0x38;
	[tilespmem:$0x11200] =	vst v63  }
0x235: {  	_ =	swait.ge [sflag:s13], $0x280  }
0x236: {  	[sflag:s13] =	ssyncset.done $0x0  }
0x237: {  	s4 =	simm.s32 $0x0;
	[sflag:s13] =	ssyncadd.s32 $0xFFFFFD80  }
0x238: {  	s5 =	simm.s32 $0x40;
	v2 =	vld [tilespmem:s4+$0xBA80]  }
.LBB2_44:
0x239: {  	p1 =	sne.s32 s5, $0x9C0;
	v3 =	vld [tilespmem:s4+$0xB580];
	_ =	sdelay $0x2  }
.Ltmp24:
0x23a: {  	(pc) =	sbr.rel @p1 .LBB2_44-.Ltmp24, $4  }
0x23b: {  	_ = 	snop  }
0x23c: {  	v3 =	vadd.f32 v2, v3  }
0x23d: {  	s7 =	sshra.s32 s5, $0x2  }
0x23e: {  	s5 =	sadd.s32 $0x40, s5;
	v2 =	vld [tilespmem:s7+$0xBA80];
	[tilespmem:s4+$0xB580] =	vst v3;
	s4 =	smov.u32 s7  }
0x23f: {  	v3 =	vld [tilespmem:s4+$0xB580];
	_ =	sdelay $0x4  }
0x240: {  	s12 =	sld [smem:$0x7EE];
	v2 =	vadd.f32 v2, v3;
	_ =	sdelay $0x1  }
0x241: {  	[tilespmem:s4+$0xB580] =	vst v2  }
0x242: {  	[tilespmem:s24], [sflag:$0x2] =	stream.strided.gather [spmem:s12], $0x280, s23, s22, $0x38;
	[tilespmem:$0x11200] =	vst v63  }
0x243: {  	_ =	swait.ge [sflag:s13], $0x280  }
0x244: {  	[sflag:s13] =	ssyncset.done $0x0  }
0x245: {  	s4 =	simm.s32 $0x0;
	[sflag:s13] =	ssyncadd.s32 $0xFFFFFD80  }
0x246: {  	s5 =	simm.s32 $0x40;
	v2 =	vld [tilespmem:s4+$0xBA80]  }
.LBB2_46:
0x247: {  	p1 =	sne.s32 s5, $0x9C0  }
.Ltmp25:
0x248: {  	_ = 	snop;
	(pc) =	sbr.rel @p1 .LBB2_46-.Ltmp25, $3  }
0x249: {  	_ =	sdelay $0x1  }
0x24a: {  	[tilespmem:s4+$0xB800] =	vst v2;
	s4 =	sshra.s32 s5, $0x2;
	s5 =	sadd.s32 $0x40, s5  }
0x24b: {  	v2 =	vld [tilespmem:s4+$0xBA80]  }
0x24c: {  	_ =	sdelay $0x1  }
0x24d: {  	s12 =	sld [smem:$0x7EF];
	_ =	sdelay $0x1  }
0x24e: {  	[tilespmem:s4+$0xB800] =	vst v2  }
0x24f: {  	[tilespmem:s24], [sflag:$0x2] =	stream.strided.gather [spmem:s12], $0x280, s23, s22, $0x38;
	[tilespmem:$0x11200] =	vst v63  }
0x250: {  	_ =	swait.ge [sflag:s13], $0x280  }
0x251: {  	[sflag:s13] =	ssyncset.done $0x0  }
0x252: {  	s4 =	simm.s32 $0x0;
	[sflag:s13] =	ssyncadd.s32 $0xFFFFFD80  }
0x253: {  	s5 =	simm.s32 $0x40;
	v2 =	vld [tilespmem:s4+$0xBA80]  }
.LBB2_48:
0x254: {  	p1 =	sne.s32 s5, $0x9C0;
	v3 =	vld [tilespmem:s4+$0xB800];
	_ =	sdelay $0x2  }
.Ltmp26:
0x255: {  	(pc) =	sbr.rel @p1 .LBB2_48-.Ltmp26, $4  }
0x256: {  	_ = 	snop  }
0x257: {  	v3 =	vadd.f32 v2, v3  }
0x258: {  	s7 =	sshra.s32 s5, $0x2  }
0x259: {  	s5 =	sadd.s32 $0x40, s5;
	v2 =	vld [tilespmem:s7+$0xBA80];
	[tilespmem:s4+$0xB800] =	vst v3;
	s4 =	smov.u32 s7  }
0x25a: {  	v3 =	vld [tilespmem:s4+$0xB800];
	_ =	sdelay $0x4  }
0x25b: {  	s12 =	sld [smem:$0x7F0];
	v2 =	vadd.f32 v2, v3;
	_ =	sdelay $0x1  }
0x25c: {  	[tilespmem:s4+$0xB800] =	vst v2  }
0x25d: {  	[tilespmem:s24], [sflag:$0x2] =	stream.strided.gather [spmem:s12], $0x280, s23, s22, $0x38;
	[tilespmem:$0x11200] =	vst v63  }
0x25e: {  	_ =	swait.ge [sflag:s13], $0x280  }
0x25f: {  	[sflag:s13] =	ssyncset.done $0x0  }
0x260: {  	s4 =	simm.s32 $0x0;
	[sflag:s13] =	ssyncadd.s32 $0xFFFFFD80  }
0x261: {  	s5 =	simm.s32 $0x40;
	v2 =	vld [tilespmem:s4+$0xBA80]  }
.LBB2_50:
0x262: {  	p1 =	sne.s32 s5, $0x9C0;
	v3 =	vld [tilespmem:s4+$0xB800];
	_ =	sdelay $0x2  }
.Ltmp27:
0x263: {  	(pc) =	sbr.rel @p1 .LBB2_50-.Ltmp27, $4  }
0x264: {  	_ = 	snop  }
0x265: {  	v3 =	vadd.f32 v2, v3  }
0x266: {  	s7 =	sshra.s32 s5, $0x2  }
0x267: {  	s5 =	sadd.s32 $0x40, s5;
	v2 =	vld [tilespmem:s7+$0xBA80];
	[tilespmem:s4+$0xB800] =	vst v3;
	s4 =	smov.u32 s7  }
0x268: {  	v3 =	vld [tilespmem:s4+$0xB800];
	_ =	sdelay $0x4  }
0x269: {  	s12 =	sld [smem:$0x7F1];
	v2 =	vadd.f32 v2, v3;
	_ =	sdelay $0x1  }
0x26a: {  	[tilespmem:s4+$0xB800] =	vst v2  }
0x26b: {  	[tilespmem:s24], [sflag:$0x2] =	stream.strided.gather [spmem:s12], $0x280, s23, s22, $0x38;
	[tilespmem:$0x11200] =	vst v63  }
0x26c: {  	_ =	swait.ge [sflag:s13], $0x280  }
0x26d: {  	[sflag:s13] =	ssyncset.done $0x0  }
0x26e: {  	s4 =	simm.s32 $0x0;
	[sflag:s13] =	ssyncadd.s32 $0xFFFFFD80  }
0x26f: {  	s5 =	simm.s32 $0x40;
	v2 =	vld [tilespmem:s4+$0xBA80]  }
.LBB2_52:
0x270: {  	p1 =	sne.s32 s5, $0x9C0;
	v3 =	vld [tilespmem:s4+$0xB800];
	_ =	sdelay $0x2  }
.Ltmp28:
0x271: {  	(pc) =	sbr.rel @p1 .LBB2_52-.Ltmp28, $4  }
0x272: {  	_ = 	snop  }
0x273: {  	v3 =	vadd.f32 v2, v3  }
0x274: {  	s7 =	sshra.s32 s5, $0x2  }
0x275: {  	s5 =	sadd.s32 $0x40, s5;
	v2 =	vld [tilespmem:s7+$0xBA80];
	[tilespmem:s4+$0xB800] =	vst v3;
	s4 =	smov.u32 s7  }
0x276: {  	v3 =	vld [tilespmem:s4+$0xB800];
	_ =	sdelay $0x4  }
0x277: {  	s12 =	sld [smem:$0x7F2];
	v2 =	vadd.f32 v2, v3;
	_ =	sdelay $0x1  }
0x278: {  	[tilespmem:s4+$0xB800] =	vst v2  }
0x279: {  	[tilespmem:s24], [sflag:$0x2] =	stream.strided.gather [spmem:s12], $0x280, s23, s22, $0x38;
	[tilespmem:$0x11200] =	vst v63  }
0x27a: {  	_ =	swait.ge [sflag:s13], $0x280  }
0x27b: {  	[sflag:s13] =	ssyncset.done $0x0  }
0x27c: {  	s4 =	simm.s32 $0x0;
	[sflag:s13] =	ssyncadd.s32 $0xFFFFFD80  }
0x27d: {  	s5 =	simm.s32 $0x40;
	v2 =	vld [tilespmem:s4+$0xBA80]  }
.LBB2_54:
0x27e: {  	p1 =	sne.s32 s5, $0x9C0;
	v3 =	vld [tilespmem:s4+$0xB800];
	_ =	sdelay $0x2  }
.Ltmp29:
0x27f: {  	(pc) =	sbr.rel @p1 .LBB2_54-.Ltmp29, $4  }
0x280: {  	_ = 	snop  }
0x281: {  	v3 =	vadd.f32 v2, v3  }
0x282: {  	s7 =	sshra.s32 s5, $0x2  }
0x283: {  	s5 =	sadd.s32 $0x40, s5;
	v2 =	vld [tilespmem:s7+$0xBA80];
	[tilespmem:s4+$0xB800] =	vst v3;
	s4 =	smov.u32 s7  }
0x284: {  	v3 =	vld [tilespmem:s4+$0xB800];
	_ =	sdelay $0x4  }
0x285: {  	s12 =	sld [smem:$0x7F3];
	v2 =	vadd.f32 v2, v3;
	_ =	sdelay $0x1  }
0x286: {  	[tilespmem:s4+$0xB800] =	vst v2  }
0x287: {  	[tilespmem:s24], [sflag:$0x2] =	stream.strided.gather [spmem:s12], $0x280, s23, s22, $0x38;
	[tilespmem:$0x11200] =	vst v63  }
0x288: {  	_ =	swait.ge [sflag:s13], $0x280  }
0x289: {  	[sflag:s13] =	ssyncset.done $0x0  }
0x28a: {  	s4 =	simm.s32 $0x0;
	[sflag:s13] =	ssyncadd.s32 $0xFFFFFD80  }
0x28b: {  	s5 =	simm.s32 $0x40;
	v2 =	vld [tilespmem:s4+$0xBA80]  }
.LBB2_56:
0x28c: {  	p1 =	sne.s32 s5, $0x9C0;
	v3 =	vld [tilespmem:s4+$0xB800];
	_ =	sdelay $0x2  }
.Ltmp30:
0x28d: {  	(pc) =	sbr.rel @p1 .LBB2_56-.Ltmp30, $4  }
0x28e: {  	_ = 	snop  }
0x28f: {  	v3 =	vadd.f32 v2, v3  }
0x290: {  	s7 =	sshra.s32 s5, $0x2  }
0x291: {  	s5 =	sadd.s32 $0x40, s5;
	v2 =	vld [tilespmem:s7+$0xBA80];
	[tilespmem:s4+$0xB800] =	vst v3;
	s4 =	smov.u32 s7  }
0x292: {  	v3 =	vld [tilespmem:s4+$0xB800];
	_ =	sdelay $0x4  }
0x293: {  	s12 =	sld [smem:$0x7F4];
	v2 =	vadd.f32 v2, v3;
	_ =	sdelay $0x1  }
0x294: {  	[tilespmem:s4+$0xB800] =	vst v2  }
0x295: {  	[tilespmem:s24], [sflag:$0x2] =	stream.strided.gather [spmem:s12], $0x280, s23, s22, $0x38;
	[tilespmem:$0x11200] =	vst v63  }
0x296: {  	_ =	swait.ge [sflag:s13], $0x280  }
0x297: {  	[sflag:s13] =	ssyncset.done $0x0  }
0x298: {  	s4 =	simm.s32 $0x0;
	[sflag:s13] =	ssyncadd.s32 $0xFFFFFD80  }
0x299: {  	s5 =	simm.s32 $0x40;
	v2 =	vld [tilespmem:s4+$0xBA80]  }
.LBB2_58:
0x29a: {  	p1 =	sne.s32 s5, $0x9C0;
	v3 =	vld [tilespmem:s4+$0xB800];
	_ =	sdelay $0x2  }
.Ltmp31:
0x29b: {  	(pc) =	sbr.rel @p1 .LBB2_58-.Ltmp31, $4  }
0x29c: {  	_ = 	snop  }
0x29d: {  	v3 =	vadd.f32 v2, v3  }
0x29e: {  	s7 =	sshra.s32 s5, $0x2  }
0x29f: {  	s5 =	sadd.s32 $0x40, s5;
	v2 =	vld [tilespmem:s7+$0xBA80];
	[tilespmem:s4+$0xB800] =	vst v3;
	s4 =	smov.u32 s7  }
0x2a0: {  	v3 =	vld [tilespmem:s4+$0xB800];
	_ =	sdelay $0x4  }
0x2a1: {  	s12 =	sld [smem:$0x7F5];
	v2 =	vadd.f32 v2, v3;
	_ =	sdelay $0x1  }
0x2a2: {  	[tilespmem:s4+$0xB800] =	vst v2  }
0x2a3: {  	[tilespmem:s24], [sflag:$0x2] =	stream.strided.gather [spmem:s12], $0x280, s23, s22, $0x38;
	[tilespmem:$0x11200] =	vst v63  }
0x2a4: {  	_ =	swait.ge [sflag:s13], $0x280  }
0x2a5: {  	[sflag:s13] =	ssyncset.done $0x0  }
0x2a6: {  	s4 =	simm.s32 $0x0;
	[sflag:s13] =	ssyncadd.s32 $0xFFFFFD80  }
0x2a7: {  	s5 =	simm.s32 $0x40;
	v2 =	vld [tilespmem:s4+$0xBA80]  }
.LBB2_60:
0x2a8: {  	p1 =	sne.s32 s5, $0x9C0;
	v3 =	vld [tilespmem:s4+$0xB800];
	_ =	sdelay $0x2  }
.Ltmp32:
0x2a9: {  	(pc) =	sbr.rel @p1 .LBB2_60-.Ltmp32, $4  }
0x2aa: {  	_ = 	snop  }
0x2ab: {  	v3 =	vadd.f32 v2, v3  }
0x2ac: {  	s7 =	sshra.s32 s5, $0x2  }
0x2ad: {  	s5 =	sadd.s32 $0x40, s5;
	v2 =	vld [tilespmem:s7+$0xBA80];
	[tilespmem:s4+$0xB800] =	vst v3;
	s4 =	smov.u32 s7  }
0x2ae: {  	v3 =	vld [tilespmem:s4+$0xB800];
	_ =	sdelay $0x4  }
0x2af: {  	s12 =	sld [smem:$0x7F6];
	v2 =	vadd.f32 v2, v3;
	_ =	sdelay $0x1  }
0x2b0: {  	[tilespmem:s4+$0xB800] =	vst v2  }
0x2b1: {  	[tilespmem:s24], [sflag:$0x2] =	stream.strided.gather [spmem:s12], $0x280, s23, s22, $0x38;
	[tilespmem:$0x11200] =	vst v63  }
0x2b2: {  	_ =	swait.ge [sflag:s13], $0x280  }
0x2b3: {  	[sflag:s13] =	ssyncset.done $0x0  }
0x2b4: {  	s4 =	simm.s32 $0x0;
	[sflag:s13] =	ssyncadd.s32 $0xFFFFFD80  }
0x2b5: {  	s5 =	simm.s32 $0x40;
	v2 =	vld [tilespmem:s4+$0xBA80]  }
.LBB2_62:
0x2b6: {  	p1 =	sne.s32 s5, $0x9C0;
	v3 =	vld [tilespmem:s4+$0xB800];
	_ =	sdelay $0x2  }
.Ltmp33:
0x2b7: {  	(pc) =	sbr.rel @p1 .LBB2_62-.Ltmp33, $4  }
0x2b8: {  	_ = 	snop  }
0x2b9: {  	v3 =	vadd.f32 v2, v3  }
0x2ba: {  	s7 =	sshra.s32 s5, $0x2  }
0x2bb: {  	s5 =	sadd.s32 $0x40, s5;
	v2 =	vld [tilespmem:s7+$0xBA80];
	[tilespmem:s4+$0xB800] =	vst v3;
	s4 =	smov.u32 s7  }
0x2bc: {  	v3 =	vld [tilespmem:s4+$0xB800];
	_ =	sdelay $0x4  }
0x2bd: {  	s12 =	sld [smem:$0x7F7];
	v2 =	vadd.f32 v2, v3;
	_ =	sdelay $0x1  }
0x2be: {  	[tilespmem:s4+$0xB800] =	vst v2  }
0x2bf: {  	[tilespmem:s24], [sflag:$0x2] =	stream.strided.gather [spmem:s12], $0x280, s23, s22, $0x38;
	[tilespmem:$0x11200] =	vst v63  }
0x2c0: {  	_ =	swait.ge [sflag:s13], $0x280  }
0x2c1: {  	[sflag:s13] =	ssyncset.done $0x0  }
0x2c2: {  	s4 =	simm.s32 $0x0;
	[sflag:s13] =	ssyncadd.s32 $0xFFFFFD80  }
0x2c3: {  	s5 =	simm.s32 $0x40;
	v2 =	vld [tilespmem:s4+$0xBA80]  }
.LBB2_64:
0x2c4: {  	p1 =	sne.s32 s5, $0x9C0;
	v3 =	vld [tilespmem:s4+$0xB800];
	_ =	sdelay $0x2  }
.Ltmp34:
0x2c5: {  	(pc) =	sbr.rel @p1 .LBB2_64-.Ltmp34, $4  }
0x2c6: {  	_ = 	snop  }
0x2c7: {  	v3 =	vadd.f32 v2, v3  }
0x2c8: {  	s7 =	sshra.s32 s5, $0x2  }
0x2c9: {  	s5 =	sadd.s32 $0x40, s5;
	v2 =	vld [tilespmem:s7+$0xBA80];
	[tilespmem:s4+$0xB800] =	vst v3;
	s4 =	smov.u32 s7  }
0x2ca: {  	v3 =	vld [tilespmem:s4+$0xB800];
	_ =	sdelay $0x4  }
0x2cb: {  	s12 =	sld [smem:$0x7F8];
	v2 =	vadd.f32 v2, v3;
	_ =	sdelay $0x1  }
0x2cc: {  	[tilespmem:s4+$0xB800] =	vst v2  }
0x2cd: {  	[tilespmem:s24], [sflag:$0x2] =	stream.strided.gather [spmem:s12], $0x280, s23, s22, $0x38;
	[tilespmem:$0x11200] =	vst v63  }
0x2ce: {  	_ =	swait.ge [sflag:s13], $0x280  }
0x2cf: {  	[sflag:s13] =	ssyncset.done $0x0  }
0x2d0: {  	s4 =	simm.s32 $0x0;
	[sflag:s13] =	ssyncadd.s32 $0xFFFFFD80  }
0x2d1: {  	s5 =	simm.s32 $0x40;
	v2 =	vld [tilespmem:s4+$0xBA80]  }
.LBB2_66:
0x2d2: {  	p1 =	sne.s32 s5, $0x9C0;
	v3 =	vld [tilespmem:s4+$0xB800];
	_ =	sdelay $0x2  }
.Ltmp35:
0x2d3: {  	(pc) =	sbr.rel @p1 .LBB2_66-.Ltmp35, $4  }
0x2d4: {  	_ = 	snop  }
0x2d5: {  	v3 =	vadd.f32 v2, v3  }
0x2d6: {  	s7 =	sshra.s32 s5, $0x2  }
0x2d7: {  	s5 =	sadd.s32 $0x40, s5;
	v2 =	vld [tilespmem:s7+$0xBA80];
	[tilespmem:s4+$0xB800] =	vst v3;
	s4 =	smov.u32 s7  }
0x2d8: {  	v3 =	vld [tilespmem:s4+$0xB800];
	_ =	sdelay $0x4  }
0x2d9: {  	s12 =	sld [smem:$0x7F9];
	v2 =	vadd.f32 v2, v3;
	_ =	sdelay $0x1  }
0x2da: {  	[tilespmem:s4+$0xB800] =	vst v2  }
0x2db: {  	[tilespmem:s24], [sflag:$0x2] =	stream.strided.gather [spmem:s12], $0x280, s23, s22, $0x38;
	[tilespmem:$0x11200] =	vst v63  }
0x2dc: {  	_ =	swait.ge [sflag:s13], $0x280  }
0x2dd: {  	[sflag:s13] =	ssyncset.done $0x0  }
0x2de: {  	s4 =	simm.s32 $0x0;
	[sflag:s13] =	ssyncadd.s32 $0xFFFFFD80  }
0x2df: {  	s5 =	simm.s32 $0x40;
	v2 =	vld [tilespmem:s4+$0xBA80]  }
.LBB2_68:
0x2e0: {  	p1 =	sne.s32 s5, $0x9C0;
	v3 =	vld [tilespmem:s4+$0xB800];
	_ =	sdelay $0x2  }
.Ltmp36:
0x2e1: {  	(pc) =	sbr.rel @p1 .LBB2_68-.Ltmp36, $4  }
0x2e2: {  	_ = 	snop  }
0x2e3: {  	v3 =	vadd.f32 v2, v3  }
0x2e4: {  	s7 =	sshra.s32 s5, $0x2  }
0x2e5: {  	s5 =	sadd.s32 $0x40, s5;
	v2 =	vld [tilespmem:s7+$0xBA80];
	[tilespmem:s4+$0xB800] =	vst v3;
	s4 =	smov.u32 s7  }
0x2e6: {  	v3 =	vld [tilespmem:s4+$0xB800];
	_ =	sdelay $0x4  }
0x2e7: {  	s12 =	sld [smem:$0x7FA];
	v2 =	vadd.f32 v2, v3;
	_ =	sdelay $0x1  }
0x2e8: {  	[tilespmem:s4+$0xB800] =	vst v2  }
0x2e9: {  	[tilespmem:s24], [sflag:$0x2] =	stream.strided.gather [spmem:s12], $0x280, s23, s22, $0x38;
	[tilespmem:$0x11200] =	vst v63  }
0x2ea: {  	_ =	swait.ge [sflag:s13], $0x280  }
0x2eb: {  	[sflag:s13] =	ssyncset.done $0x0  }
0x2ec: {  	s4 =	simm.s32 $0x0;
	[sflag:s13] =	ssyncadd.s32 $0xFFFFFD80  }
0x2ed: {  	s5 =	simm.s32 $0x40;
	v2 =	vld [tilespmem:s4+$0xBA80]  }
.LBB2_70:
0x2ee: {  	p1 =	sne.s32 s5, $0x9C0;
	v3 =	vld [tilespmem:s4+$0xB800];
	_ =	sdelay $0x2  }
.Ltmp37:
0x2ef: {  	(pc) =	sbr.rel @p1 .LBB2_70-.Ltmp37, $4  }
0x2f0: {  	_ = 	snop  }
0x2f1: {  	v3 =	vadd.f32 v2, v3  }
0x2f2: {  	s7 =	sshra.s32 s5, $0x2  }
0x2f3: {  	s5 =	sadd.s32 $0x40, s5;
	v2 =	vld [tilespmem:s7+$0xBA80];
	[tilespmem:s4+$0xB800] =	vst v3;
	s4 =	smov.u32 s7  }
0x2f4: {  	v3 =	vld [tilespmem:s4+$0xB800];
	_ =	sdelay $0x4  }
0x2f5: {  	s12 =	sld [smem:$0x7FB];
	v2 =	vadd.f32 v2, v3;
	_ =	sdelay $0x1  }
0x2f6: {  	[tilespmem:s4+$0xB800] =	vst v2  }
0x2f7: {  	[tilespmem:s24], [sflag:$0x2] =	stream.strided.gather [spmem:s12], $0x280, s23, s22, $0x38;
	[tilespmem:$0x11200] =	vst v63  }
0x2f8: {  	_ =	swait.ge [sflag:s13], $0x280  }
0x2f9: {  	[sflag:s13] =	ssyncset.done $0x0  }
0x2fa: {  	s4 =	simm.s32 $0x0;
	[sflag:s13] =	ssyncadd.s32 $0xFFFFFD80  }
0x2fb: {  	s5 =	simm.s32 $0x40;
	v2 =	vld [tilespmem:s4+$0xBA80]  }
.LBB2_72:
0x2fc: {  	p1 =	sne.s32 s5, $0x9C0;
	v3 =	vld [tilespmem:s4+$0xB800];
	_ =	sdelay $0x2  }
.Ltmp38:
0x2fd: {  	(pc) =	sbr.rel @p1 .LBB2_72-.Ltmp38, $4  }
0x2fe: {  	_ = 	snop  }
0x2ff: {  	v3 =	vadd.f32 v2, v3  }
0x300: {  	s7 =	sshra.s32 s5, $0x2  }
0x301: {  	s5 =	sadd.s32 $0x40, s5;
	v2 =	vld [tilespmem:s7+$0xBA80];
	[tilespmem:s4+$0xB800] =	vst v3;
	s4 =	smov.u32 s7  }
0x302: {  	v3 =	vld [tilespmem:s4+$0xB800];
	_ =	sdelay $0x4  }
0x303: {  	s12 =	sld [smem:$0x7FC];
	v2 =	vadd.f32 v2, v3;
	_ =	sdelay $0x1  }
0x304: {  	[tilespmem:s4+$0xB800] =	vst v2  }
0x305: {  	[tilespmem:s24], [sflag:$0x2] =	stream.strided.gather [spmem:s12], $0x280, s23, s22, $0x38;
	[tilespmem:$0x11200] =	vst v63  }
0x306: {  	_ =	swait.ge [sflag:s13], $0x280  }
0x307: {  	[sflag:s13] =	ssyncset.done $0x0  }
0x308: {  	s4 =	simm.s32 $0x0;
	[sflag:s13] =	ssyncadd.s32 $0xFFFFFD80  }
0x309: {  	s5 =	simm.s32 $0x40;
	v2 =	vld [tilespmem:s4+$0xBA80]  }
.LBB2_74:
0x30a: {  	p1 =	sne.s32 s5, $0x9C0;
	v3 =	vld [tilespmem:s4+$0xB800];
	_ =	sdelay $0x2  }
.Ltmp39:
0x30b: {  	(pc) =	sbr.rel @p1 .LBB2_74-.Ltmp39, $4  }
0x30c: {  	_ = 	snop  }
0x30d: {  	v3 =	vadd.f32 v2, v3  }
0x30e: {  	s7 =	sshra.s32 s5, $0x2  }
0x30f: {  	s5 =	sadd.s32 $0x40, s5;
	v2 =	vld [tilespmem:s7+$0xBA80];
	[tilespmem:s4+$0xB800] =	vst v3;
	s4 =	smov.u32 s7  }
0x310: {  	v3 =	vld [tilespmem:s4+$0xB800];
	_ =	sdelay $0x4  }
0x311: {  	s12 =	sld [smem:$0x7FD];
	v2 =	vadd.f32 v2, v3;
	_ =	sdelay $0x1  }
0x312: {  	[tilespmem:s4+$0xB800] =	vst v2  }
0x313: {  	[tilespmem:s24], [sflag:$0x2] =	stream.strided.gather [spmem:s12], $0x280, s23, s22, $0x38;
	[tilespmem:$0x11200] =	vst v63  }
0x314: {  	_ =	swait.ge [sflag:s13], $0x280  }
0x315: {  	[sflag:s13] =	ssyncset.done $0x0  }
0x316: {  	s4 =	simm.s32 $0x0;
	[sflag:s13] =	ssyncadd.s32 $0xFFFFFD80  }
0x317: {  	s7 =	simm.s32 $0x40;
	s5 =	simm.s32 $0x0;
	v2 =	vld [tilespmem:s4+$0xBA80]  }
.LBB2_76:
0x318: {  	p1 =	sne.s32 s7, $0x9C0;
	v3 =	vld [tilespmem:s5+$0xB800];
	_ =	sdelay $0x2  }
.Ltmp40:
0x319: {  	(pc) =	sbr.rel @p1 .LBB2_76-.Ltmp40, $4  }
0x31a: {  	_ = 	snop  }
0x31b: {  	v3 =	vadd.f32 v2, v3  }
0x31c: {  	s12 =	sshra.s32 s7, $0x2  }
0x31d: {  	s7 =	sadd.s32 $0x40, s7;
	v2 =	vld [tilespmem:s12+$0xBA80];
	[tilespmem:s5+$0xB800] =	vst v3;
	s5 =	smov.u32 s12  }
0x31e: {  	v3 =	vld [tilespmem:s5+$0xB800];
	_ =	sdelay $0x4  }
0x31f: {  	v2 =	vadd.f32 v2, v3;
	_ =	sdelay $0x1  }
0x320: {  	[tilespmem:s5+$0xB800] =	vst v2  }
0x321: {  	s5 =	simm.s32 $0x40;
	v2 =	vld [tilespmem:s4+$0xB580]  }
.LBB2_78:
0x322: {  	p1 =	sne.s32 s5, $0x9C0;
	v3 =	vld [tilespmem:s4+$0xB800];
	_ =	sdelay $0x3  }
0x323: {  	v2 =	vmax.f32 v2, $1.000000000e+00  }
0x324: {  	v4 =	vshra.s32 v2, $0x1;
	v3 =	vmax.f32 v3, $1.000000000e+00  }
0x325: {  	v2 =	vmul.f32 $5.000000000e-01, v2;
	v5 =	vshra.s32 v3, $0x1;
	v3 =	vmul.f32 $5.000000000e-01, v3  }
0x326: {  	v4 =	vsub.s32 $0x5F3759DF, v4;
	v5 =	vsub.s32 $0x5F3759DF, v5  }
0x327: {  	v6 =	vmul.f32 v4, v2;
	v7 =	vmul.f32 v5, v3;
	_ =	sdelay $0x1  }
0x328: {  	v6 =	vmul.f32 v4, v6;
	v7 =	vmul.f32 v5, v7;
	_ =	sdelay $0x1  }
0x329: {  	v6 =	vsub.f32 $1.500000000e+00, v6;
	v7 =	vsub.f32 $1.500000000e+00, v7;
	_ =	sdelay $0x1  }
0x32a: {  	v4 =	vmul.f32 v4, v6;
	v5 =	vmul.f32 v5, v7;
	_ =	sdelay $0x1  }
0x32b: {  	v6 =	vmul.f32 v4, v2;
	v7 =	vmul.f32 v5, v3;
	_ =	sdelay $0x1  }
0x32c: {  	v6 =	vmul.f32 v6, v4;
	v7 =	vmul.f32 v7, v5;
	_ =	sdelay $0x1  }
0x32d: {  	v6 =	vsub.f32 $1.500000000e+00, v6;
	v7 =	vsub.f32 $1.500000000e+00, v7;
	_ =	sdelay $0x1  }
0x32e: {  	v4 =	vmul.f32 v6, v4;
	v5 =	vmul.f32 v7, v5;
	_ =	sdelay $0x1  }
0x32f: {  	v2 =	vmul.f32 v4, v2;
	v3 =	vmul.f32 v5, v3;
	_ =	sdelay $0x1  }
0x330: {  	v2 =	vmul.f32 v2, v4;
	v3 =	vmul.f32 v3, v5;
	_ =	sdelay $0x1  }
0x331: {  	v2 =	vsub.f32 $1.500000000e+00, v2;
	v3 =	vsub.f32 $1.500000000e+00, v3;
	_ =	sdelay $0x1  }
.Ltmp41:
0x332: {  	v2 =	vmul.f32 v2, v4;
	v3 =	vmul.f32 v3, v5;
	(pc) =	sbr.rel @p1 .LBB2_78-.Ltmp41, $4  }
0x333: {  	_ = 	snop  }
0x334: {  	[tilespmem:s4+$0xB580] =	vst v2;
	v4 =	vmul.f32 v3, v2  }
0x335: {  	s7 =	sshra.s32 s5, $0x2;
	[tilespmem:s4+$0xBA80] =	vst v3  }
0x336: {  	s5 =	sadd.s32 $0x40, s5;
	v2 =	vld [tilespmem:s7+$0xB580];
	[tilespmem:s4+$0xB800] =	vst v4;
	s4 =	smov.u32 s7  }
0x337: {  	v3 =	vld [tilespmem:s4+$0xB800];
	_ =	sdelay $0x3  }
0x338: {  	v2 =	vmax.f32 v2, $1.000000000e+00  }
0x339: {  	v4 =	vshra.s32 v2, $0x1;
	v3 =	vmax.f32 v3, $1.000000000e+00  }
0x33a: {  	v2 =	vmul.f32 $5.000000000e-01, v2;
	v5 =	vshra.s32 v3, $0x1;
	v3 =	vmul.f32 $5.000000000e-01, v3  }
0x33b: {  	v4 =	vsub.s32 $0x5F3759DF, v4;
	v5 =	vsub.s32 $0x5F3759DF, v5  }
0x33c: {  	v6 =	vmul.f32 v4, v2;
	v7 =	vmul.f32 v5, v3;
	_ =	sdelay $0x1  }
0x33d: {  	v6 =	vmul.f32 v4, v6;
	v7 =	vmul.f32 v5, v7;
	_ =	sdelay $0x1  }
0x33e: {  	v6 =	vsub.f32 $1.500000000e+00, v6;
	v7 =	vsub.f32 $1.500000000e+00, v7;
	_ =	sdelay $0x1  }
0x33f: {  	v4 =	vmul.f32 v4, v6;
	v5 =	vmul.f32 v5, v7;
	_ =	sdelay $0x1  }
0x340: {  	v6 =	vmul.f32 v4, v2;
	v7 =	vmul.f32 v5, v3;
	_ =	sdelay $0x1  }
0x341: {  	v6 =	vmul.f32 v6, v4;
	v7 =	vmul.f32 v7, v5;
	_ =	sdelay $0x1  }
0x342: {  	v6 =	vsub.f32 $1.500000000e+00, v6;
	v7 =	vsub.f32 $1.500000000e+00, v7;
	_ =	sdelay $0x1  }
0x343: {  	v4 =	vmul.f32 v6, v4;
	v5 =	vmul.f32 v7, v5;
	_ =	sdelay $0x1  }
0x344: {  	v2 =	vmul.f32 v4, v2;
	v3 =	vmul.f32 v5, v3;
	_ =	sdelay $0x1  }
0x345: {  	v2 =	vmul.f32 v2, v4;
	v3 =	vmul.f32 v3, v5;
	_ =	sdelay $0x1  }
0x346: {  	v2 =	vsub.f32 $1.500000000e+00, v2;
	v3 =	vsub.f32 $1.500000000e+00, v3;
	_ =	sdelay $0x1  }
0x347: {  	v2 =	vmul.f32 v2, v4;
	v3 =	vmul.f32 v3, v5;
	_ =	sdelay $0x1  }
0x348: {  	[tilespmem:s4+$0xB580] =	vst v2;
	v2 =	vmul.f32 v3, v2  }
0x349: {  	[tilespmem:s4+$0xBA80] =	vst v3  }
0x34a: {  	s12 =	rddreg [dreg:$0x10];
	s5 =	simm.s32 $0xB580;
	[tilespmem:s4+$0xB800] =	vst v2  }
0x34b: {  	[spmem:s12] =	stream.linear.scatter [tilespmem:s5], [sflag:$0x2], $0x280, $0x38;
	[tilespmem:$0x11200] =	vst v63  }
0x34c: {  	_ =	swait.ge [sflag:s13], $0x280  }
0x34d: {  	[sflag:s13] =	ssyncset.done $0x0  }
0x34e: {  	s12 =	simm.s32 $0xB800;
	s7 =	rddreg [dreg:$0x11];
	[sflag:s13] =	ssyncadd.s32 $0xFFFFFD80  }
0x34f: {  	[spmem:s7] =	stream.linear.scatter [tilespmem:s12], [sflag:$0x2], $0x280, $0x38;
	[tilespmem:$0x11200] =	vst v63  }
0x350: {  	_ =	swait.ge [sflag:s13], $0x280  }
0x351: {  	s4 =	simm.s32 @!p0 $0x0;
	[sflag:s13] =	ssyncset.done $0x0  }
0x352: {  	s5 =	simm.s32 @!p0 $0xBA80;
	s7 =	rddreg [dreg:$0x12];
	[sflag:s13] =	ssyncadd.s32 $0xFFFFFD80  }
0x353: {  	[hbm4b:s7+s4] =	stream.linear.scatter @!p0 [tilespmem:s5], [sflag:$0x2], $0x280, $0x38;
	[tilespmem:$0x11200] =	vst v63  }
0x354: {  	s4 =	simm.s32 @!p0 $0x2  }
0x355: {  	_ =	swait.ge @!p0 [sflag:s4], $0x280  }
0x356: {  	[sflag:s4] =	ssyncset.done @!p0 $0x0  }
0x357: {  	[sflag:s4] =	ssyncadd.s32 @!p0 $0xFFFFFD80  }
0x358: {  	[bflag:$0x0] =	sbarrier.arrive $0xFFFF  }
0x359: {  	s5 =	rddreg [dreg:$0x9]  }
0x35a: {  	[tilespmem:s25], [sflag:$0x2] =	stream.linear.gather [spmem:s5], $0x2800, $0x38;
	[tilespmem:$0x11200] =	vst v63  }
0x35b: {  	_ =	swait.ge [sflag:s13], $0x2800  }
0x35c: {  	[sflag:s13] =	ssyncset.done $0x0  }
0x35d: {  	[sflag:s13] =	ssyncadd.s32 $0xFFFFD800  }
0x35e: {  	s7 =	rddreg [dreg:$0xa]  }
0x35f: {  	[tilespmem:s14], [sflag:$0x2] =	stream.linear.gather [spmem:s7], $0x2800, $0x38;
	[tilespmem:$0x11200] =	vst v63  }
0x360: {  	_ =	swait.ge [sflag:s13], $0x2800  }
0x361: {  	s4 =	simm.s32 $0x0;
	[sflag:s13] =	ssyncset.done $0x0  }
.Ltmp42:
0x362: {  	s12 =	rddreg [dreg:$0x13];
	[sflag:s13] =	ssyncadd.s32 $0xFFFFD800;
	(pc) =	sbr.rel .LBB2_80-.Ltmp42, $4  }
0x363: {  	[tilespmem:s4], [sflag:$0x2] =	stream.linear.gather [hbm4b:s12+s4], $0x80, $0x38;
	[tilespmem:$0x11200] =	vst v63  }
0x364: {  	_ =	swait.ge [sflag:s13], $0x80  }
0x365: {  	[sflag:s13] =	ssyncset.done $0x0  }
0x366: {  	s5 =	simm.s32 $0x0;
	[sflag:s13] =	ssyncadd.s32 $0xFFFFFF80  }
.LBB2_82:
0x367: {  	s7 =	sadd.s32 s15, s7  }
0x368: {  	s7 =	sshrl.u32 s7, $0x3  }
0x369: {  	s7 =	sadd.s32 s0, s7  }
0x36a: {  	[tilespmem:s22], [sflag:$0x2] =	stream.linear.gather [hbm4b:s7+s11], $0x80, $0x38;
	[tilespmem:$0x11200] =	vst v63  }
0x36b: {  	_ =	swait.ge [sflag:s13], $0x80  }
0x36c: {  	[sflag:s13] =	ssyncset.done $0x0  }
0x36d: {  	[sflag:s13] =	ssyncadd.s32 $0xFFFFFF80  }
0x36e: {  	_ =	swait.ge [sflag:s19], $0x80  }
0x36f: {  	[sflag:s19] =	ssyncset.done $0x0  }
0x370: {  	[sflag:s19] =	ssyncadd.s32 $0xFFFFFF80  }
0x371: {  	_ =	swait.ge [sflag:s19], $0x80  }
0x372: {  	[sflag:s19] =	ssyncset.done $0x0  }
0x373: {  	[sflag:s19] =	ssyncadd.s32 $0xFFFFFF80  }
0x374: {  	_ =	swait.ge [sflag:s19], $0x80  }
0x375: {  	[sflag:s19] =	ssyncset.done $0x0  }
0x376: {  	[sflag:s19] =	ssyncadd.s32 $0xFFFFFF80  }
0x377: {  	[tilespmem:s29], [sflag:$0x1] =	stream.indirect.gather [hbm4b:s1+s22], $0x1, s22, s22, $0xb8;
	[tilespmem:$0x11200] =	vst v63  }
0x378: {  	_ = 	snop  }
0x379: {  	[tilespmem:s10], [sflag:$0x1] =	stream.indirect.gather [hbm4b:s2+s22], $0x1, s22, s22, $0xb8;
	[tilespmem:$0x11200] =	vst v63  }
0x37a: {  	_ = 	snop  }
0x37b: {  	[tilespmem:s8], [sflag:$0x1] =	stream.indirect.gather [hbm4b:s3+s22], $0x1, s22, s22, $0xb8;
	[tilespmem:$0x11200] =	vst v63  }
0x37c: {  	v2 =	vld [tilespmem:$0x100];
	_ =	sdelay $0x6  }
0x37d: {  	v3 =	vld [tilespmem:$0x300]  }
0x37e: {  	v4 =	vld.idx.msk [tilespmem:v2+s25+$0x0], $0xffff;
	_ =	sdelay $0x4  }
0x37f: {  	v4 =	vmul.f32 v4, v3  }
0x380: {  	v5 =	vld [tilespmem:$0x110]  }
0x381: {  	v6 =	vld [tilespmem:$0x200];
	[tilespmem:$0x400] =	vst v4  }
0x382: {  	v4 =	vld.idx.msk [tilespmem:v2+s14+$0x0], $0xffff;
	_ =	sdelay $0x3  }
0x383: {  	v2 =	vshll.u32 v2, $0x10  }
0x384: {  	v2 =	vor.u32 v2, v6;
	v3 =	vmul.f32 v4, v3  }
0x385: {  	[tilespmem:$0x500] =	vst v2  }
0x386: {  	v2 =	vld [tilespmem:$0x310];
	[tilespmem:$0x480] =	vst v3  }
0x387: {  	v3 =	vld.idx.msk [tilespmem:v5+s25+$0x0], $0xffff;
	_ =	sdelay $0x4  }
0x388: {  	v3 =	vmul.f32 v3, v2;
	_ =	sdelay $0x1  }
0x389: {  	[tilespmem:$0x410] =	vst v3  }
0x38a: {  	v3 =	vld.idx.msk [tilespmem:v5+s14+$0x0], $0xffff  }
0x38b: {  	v51 =	vld [tilespmem:$0x120]  }
0x38c: {  	v52 =	vld [tilespmem:$0x210];
	_ =	sdelay $0x2  }
0x38d: {  	v2 =	vmul.f32 v3, v2  }
0x38e: {  	v3 =	vshll.u32 v5, $0x10  }
0x38f: {  	[tilespmem:$0x490] =	vst v2;
	v2 =	vor.u32 v3, v52  }
0x390: {  	[tilespmem:$0x510] =	vst v2;
	v2 =	vld [tilespmem:$0x320]  }
0x391: {  	v3 =	vld.idx.msk [tilespmem:v51+s25+$0x0], $0xffff;
	_ =	sdelay $0x4  }
0x392: {  	v3 =	vmul.f32 v3, v2;
	_ =	sdelay $0x1  }
0x393: {  	[tilespmem:$0x420] =	vst v3  }
0x394: {  	v3 =	vld.idx.msk [tilespmem:v51+s14+$0x0], $0xffff  }
0x395: {  	v53 =	vld [tilespmem:$0x130]  }
0x396: {  	v54 =	vld [tilespmem:$0x220];
	_ =	sdelay $0x2  }
0x397: {  	v2 =	vmul.f32 v3, v2  }
0x398: {  	v3 =	vshll.u32 v51, $0x10  }
0x399: {  	[tilespmem:$0x4A0] =	vst v2;
	v2 =	vor.u32 v3, v54  }
0x39a: {  	[tilespmem:$0x520] =	vst v2;
	v2 =	vld [tilespmem:$0x330]  }
0x39b: {  	v3 =	vld.idx.msk [tilespmem:v53+s25+$0x0], $0xffff;
	_ =	sdelay $0x4  }
0x39c: {  	v3 =	vmul.f32 v3, v2;
	_ =	sdelay $0x1  }
0x39d: {  	[tilespmem:$0x430] =	vst v3  }
0x39e: {  	v3 =	vld.idx.msk [tilespmem:v53+s14+$0x0], $0xffff  }
0x39f: {  	v55 =	vld [tilespmem:$0x140]  }
0x3a0: {  	v56 =	vld [tilespmem:$0x230];
	_ =	sdelay $0x2  }
0x3a1: {  	v2 =	vmul.f32 v3, v2  }
0x3a2: {  	v3 =	vshll.u32 v53, $0x10  }
0x3a3: {  	[tilespmem:$0x4B0] =	vst v2;
	v2 =	vor.u32 v3, v56  }
0x3a4: {  	[tilespmem:$0x530] =	vst v2;
	v2 =	vld [tilespmem:$0x340]  }
0x3a5: {  	v3 =	vld.idx.msk [tilespmem:v55+s25+$0x0], $0xffff;
	_ =	sdelay $0x4  }
0x3a6: {  	v3 =	vmul.f32 v3, v2;
	_ =	sdelay $0x1  }
0x3a7: {  	[tilespmem:$0x440] =	vst v3  }
0x3a8: {  	v3 =	vld.idx.msk [tilespmem:v55+s14+$0x0], $0xffff  }
0x3a9: {  	v57 =	vld [tilespmem:$0x150]  }
0x3aa: {  	v58 =	vld [tilespmem:$0x240];
	_ =	sdelay $0x2  }
0x3ab: {  	v2 =	vmul.f32 v3, v2  }
0x3ac: {  	v3 =	vshll.u32 v55, $0x10  }
0x3ad: {  	[tilespmem:$0x4C0] =	vst v2;
	v2 =	vor.u32 v3, v58  }
0x3ae: {  	[tilespmem:$0x540] =	vst v2;
	v2 =	vld [tilespmem:$0x350]  }
0x3af: {  	v3 =	vld.idx.msk [tilespmem:v57+s25+$0x0], $0xffff;
	_ =	sdelay $0x4  }
0x3b0: {  	v3 =	vmul.f32 v3, v2;
	_ =	sdelay $0x1  }
0x3b1: {  	[tilespmem:$0x450] =	vst v3  }
0x3b2: {  	v3 =	vld.idx.msk [tilespmem:v57+s14+$0x0], $0xffff  }
0x3b3: {  	v59 =	vld [tilespmem:$0x160]  }
0x3b4: {  	v60 =	vld [tilespmem:$0x250];
	_ =	sdelay $0x2  }
0x3b5: {  	v2 =	vmul.f32 v3, v2  }
0x3b6: {  	v3 =	vshll.u32 v57, $0x10  }
0x3b7: {  	[tilespmem:$0x4D0] =	vst v2;
	v2 =	vor.u32 v3, v60  }
0x3b8: {  	[tilespmem:$0x550] =	vst v2;
	v2 =	vld [tilespmem:$0x360]  }
0x3b9: {  	v3 =	vld.idx.msk [tilespmem:v59+s25+$0x0], $0xffff;
	_ =	sdelay $0x4  }
0x3ba: {  	v3 =	vmul.f32 v3, v2;
	_ =	sdelay $0x1  }
0x3bb: {  	[tilespmem:$0x460] =	vst v3  }
0x3bc: {  	v3 =	vld.idx.msk [tilespmem:v59+s14+$0x0], $0xffff  }
0x3bd: {  	v61 =	vld [tilespmem:$0x170]  }
0x3be: {  	v62 =	vld [tilespmem:$0x260];
	_ =	sdelay $0x2  }
0x3bf: {  	v2 =	vmul.f32 v3, v2  }
0x3c0: {  	v3 =	vshll.u32 v59, $0x10  }
0x3c1: {  	[tilespmem:$0x4E0] =	vst v2;
	v2 =	vor.u32 v3, v62  }
0x3c2: {  	[tilespmem:$0x560] =	vst v2;
	v2 =	vld [tilespmem:$0x370]  }
0x3c3: {  	v3 =	vld.idx.msk [tilespmem:v61+s25+$0x0], $0xffff;
	_ =	sdelay $0x4  }
0x3c4: {  	v3 =	vmul.f32 v3, v2;
	_ =	sdelay $0x1  }
0x3c5: {  	[tilespmem:$0x470] =	vst v3  }
0x3c6: {  	v3 =	vld.idx.msk [tilespmem:v61+s14+$0x0], $0xffff;
	_ =	sdelay $0x1  }
0x3c7: {  	v63 =	vld [tilespmem:$0x270];
	_ =	sdelay $0x2  }
0x3c8: {  	v2 =	vmul.f32 v3, v2  }
0x3c9: {  	v3 =	vshll.u32 v61, $0x10  }
0x3ca: {  	[tilespmem:$0x4F0] =	vst v2;
	v2 =	vor.u32 v3, v63  }
0x3cb: {  	s12 =	sadd.s32 s5, s6;
	[tilespmem:$0x570] =	vst v2  }
0x3cc: {  	[hbm4b:s12+s11] =	stream.linear.scatter [tilespmem:s16], [sflag:$0x2], $0x80, $0x38;
	[tilespmem:$0x11200] =	vst v63  }
0x3cd: {  	_ =	swait.ge [sflag:s13], $0x80  }
0x3ce: {  	[sflag:s13] =	ssyncset.done $0x0  }
0x3cf: {  	s12 =	sadd.s32 s5, s31;
	[sflag:s13] =	ssyncadd.s32 $0xFFFFFF80  }
0x3d0: {  	[hbm4b:s12+s11] =	stream.linear.scatter [tilespmem:s17], [sflag:$0x2], $0x80, $0x38;
	[tilespmem:$0x11200] =	vst v63  }
0x3d1: {  	_ =	swait.ge [sflag:s13], $0x80  }
0x3d2: {  	[sflag:s13] =	ssyncset.done $0x0  }
0x3d3: {  	s4 =	sadd.s32 $0x100, s4;
	s12 =	sadd.s32 s5, s30;
	[sflag:s13] =	ssyncadd.s32 $0xFFFFFF80  }
0x3d4: {  	[hbm4b:s12+s11] =	stream.linear.scatter [tilespmem:s9], [sflag:$0x2], $0x80, $0x38;
	[tilespmem:$0x11200] =	vst v63  }
0x3d5: {  	s12 =	sadd.s32 s21, s4;
	_ =	swait.ge [sflag:s13], $0x80  }
0x3d6: {  	s7 =	sshrl.u32 s12, $0x3;
	[sflag:s13] =	ssyncset.done $0x0  }
0x3d7: {  	s7 =	sadd.s32 s0, s7;
	[sflag:s13] =	ssyncadd.s32 $0xFFFFFF80  }
0x3d8: {  	[tilespmem:s11], [sflag:$0x2] =	stream.linear.gather [hbm4b:s7+s11], $0x80, $0x38;
	[tilespmem:$0x11200] =	vst v63  }
0x3d9: {  	_ =	swait.ge [sflag:s13], $0x80  }
0x3da: {  	[sflag:s13] =	ssyncset.done $0x0  }
0x3db: {  	[sflag:s13] =	ssyncadd.s32 $0xFFFFFF80  }
0x3dc: {  	_ =	swait.ge [sflag:s19], $0x80  }
0x3dd: {  	[sflag:s19] =	ssyncset.done $0x0  }
0x3de: {  	s5 =	sadd.s32 $0x20, s5;
	[sflag:s19] =	ssyncadd.s32 $0xFFFFFF80  }
0x3df: {  	p1 =	sne.s32 s5, $0x260;
	_ =	swait.ge [sflag:s19], $0x80  }
.Ltmp43:
0x3e0: {  	[sflag:s19] =	ssyncset.done $0x0;
	(pc) =	sbr.rel @!p1 .LBB2_83-.Ltmp43, $4  }
0x3e1: {  	[sflag:s19] =	ssyncadd.s32 $0xFFFFFF80  }
0x3e2: {  	_ =	swait.ge [sflag:s19], $0x80  }
0x3e3: {  	[sflag:s19] =	ssyncset.done $0x0  }
0x3e4: {  	[sflag:s19] =	ssyncadd.s32 $0xFFFFFF80  }
.LBB2_80:
0x3e5: {  	s7 =	simm.s32 $0x80;
	p1 =	seq.s32 s5, $0x0  }
0x3e6: {  	[tilespmem:s23], [sflag:$0x1] =	stream.indirect.gather [hbm4b:s1+s7], $0x1, s11, s7, $0xb8;
	[tilespmem:$0x11200] =	vst v63  }
.Ltmp44:
0x3e7: {  	_ = 	snop;
	(pc) =	sbr.rel @p1 .LBB2_82-.Ltmp44, $4  }
0x3e8: {  	_ = 	snop  }
0x3e9: {  	[tilespmem:s26], [sflag:$0x1] =	stream.indirect.gather [hbm4b:s2+s7], $0x1, s11, s7, $0xb8;
	[tilespmem:$0x11200] =	vst v63  }
0x3ea: {  	_ = 	snop  }
0x3eb: {  	[tilespmem:s28], [sflag:$0x1] =	stream.indirect.gather [hbm4b:s3+s7], $0x1, s11, s7, $0xb8;
	[tilespmem:$0x11200] =	vst v63  }
0x3ec: {  	v2 =	vld [tilespmem:$0x180];
	_ =	sdelay $0x6  }
0x3ed: {  	v3 =	vld [tilespmem:$0x380]  }
0x3ee: {  	v4 =	vld.idx.msk [tilespmem:v2+s25+$0x0], $0xffff;
	_ =	sdelay $0x4  }
0x3ef: {  	v4 =	vmul.f32 v4, v3  }
0x3f0: {  	v5 =	vld [tilespmem:$0x190]  }
0x3f1: {  	v6 =	vld [tilespmem:$0x280];
	[tilespmem:$0x400] =	vst v4  }
0x3f2: {  	v4 =	vld.idx.msk [tilespmem:v2+s14+$0x0], $0xffff;
	_ =	sdelay $0x3  }
0x3f3: {  	v2 =	vshll.u32 v2, $0x10  }
0x3f4: {  	v2 =	vor.u32 v2, v6;
	v3 =	vmul.f32 v4, v3  }
0x3f5: {  	[tilespmem:$0x500] =	vst v2  }
0x3f6: {  	v2 =	vld [tilespmem:$0x390];
	[tilespmem:$0x480] =	vst v3  }
0x3f7: {  	v3 =	vld.idx.msk [tilespmem:v5+s25+$0x0], $0xffff;
	_ =	sdelay $0x4  }
0x3f8: {  	v3 =	vmul.f32 v3, v2;
	_ =	sdelay $0x1  }
0x3f9: {  	[tilespmem:$0x410] =	vst v3  }
0x3fa: {  	v3 =	vld.idx.msk [tilespmem:v5+s14+$0x0], $0xffff  }
0x3fb: {  	v51 =	vld [tilespmem:$0x1A0]  }
0x3fc: {  	v52 =	vld [tilespmem:$0x290];
	_ =	sdelay $0x2  }
0x3fd: {  	v2 =	vmul.f32 v3, v2  }
0x3fe: {  	v3 =	vshll.u32 v5, $0x10  }
0x3ff: {  	[tilespmem:$0x490] =	vst v2;
	v2 =	vor.u32 v3, v52  }
0x400: {  	[tilespmem:$0x510] =	vst v2;
	v2 =	vld [tilespmem:$0x3A0]  }
0x401: {  	v3 =	vld.idx.msk [tilespmem:v51+s25+$0x0], $0xffff;
	_ =	sdelay $0x4  }
0x402: {  	v3 =	vmul.f32 v3, v2;
	_ =	sdelay $0x1  }
0x403: {  	[tilespmem:$0x420] =	vst v3  }
0x404: {  	v3 =	vld.idx.msk [tilespmem:v51+s14+$0x0], $0xffff  }
0x405: {  	v53 =	vld [tilespmem:$0x1B0]  }
0x406: {  	v54 =	vld [tilespmem:$0x2A0];
	_ =	sdelay $0x2  }
0x407: {  	v2 =	vmul.f32 v3, v2  }
0x408: {  	v3 =	vshll.u32 v51, $0x10  }
0x409: {  	[tilespmem:$0x4A0] =	vst v2;
	v2 =	vor.u32 v3, v54  }
0x40a: {  	[tilespmem:$0x520] =	vst v2;
	v2 =	vld [tilespmem:$0x3B0]  }
0x40b: {  	v3 =	vld.idx.msk [tilespmem:v53+s25+$0x0], $0xffff;
	_ =	sdelay $0x4  }
0x40c: {  	v3 =	vmul.f32 v3, v2;
	_ =	sdelay $0x1  }
0x40d: {  	[tilespmem:$0x430] =	vst v3  }
0x40e: {  	v3 =	vld.idx.msk [tilespmem:v53+s14+$0x0], $0xffff  }
0x40f: {  	v55 =	vld [tilespmem:$0x1C0]  }
0x410: {  	v56 =	vld [tilespmem:$0x2B0];
	_ =	sdelay $0x2  }
0x411: {  	v2 =	vmul.f32 v3, v2  }
0x412: {  	v3 =	vshll.u32 v53, $0x10  }
0x413: {  	[tilespmem:$0x4B0] =	vst v2;
	v2 =	vor.u32 v3, v56  }
0x414: {  	[tilespmem:$0x530] =	vst v2;
	v2 =	vld [tilespmem:$0x3C0]  }
0x415: {  	v3 =	vld.idx.msk [tilespmem:v55+s25+$0x0], $0xffff;
	_ =	sdelay $0x4  }
0x416: {  	v3 =	vmul.f32 v3, v2;
	_ =	sdelay $0x1  }
0x417: {  	[tilespmem:$0x440] =	vst v3  }
0x418: {  	v3 =	vld.idx.msk [tilespmem:v55+s14+$0x0], $0xffff  }
0x419: {  	v57 =	vld [tilespmem:$0x1D0]  }
0x41a: {  	v58 =	vld [tilespmem:$0x2C0];
	_ =	sdelay $0x2  }
0x41b: {  	v2 =	vmul.f32 v3, v2  }
0x41c: {  	v3 =	vshll.u32 v55, $0x10  }
0x41d: {  	[tilespmem:$0x4C0] =	vst v2;
	v2 =	vor.u32 v3, v58  }
0x41e: {  	[tilespmem:$0x540] =	vst v2;
	v2 =	vld [tilespmem:$0x3D0]  }
0x41f: {  	v3 =	vld.idx.msk [tilespmem:v57+s25+$0x0], $0xffff;
	_ =	sdelay $0x4  }
0x420: {  	v3 =	vmul.f32 v3, v2;
	_ =	sdelay $0x1  }
0x421: {  	[tilespmem:$0x450] =	vst v3  }
0x422: {  	v3 =	vld.idx.msk [tilespmem:v57+s14+$0x0], $0xffff  }
0x423: {  	v59 =	vld [tilespmem:$0x1E0]  }
0x424: {  	v60 =	vld [tilespmem:$0x2D0];
	_ =	sdelay $0x2  }
0x425: {  	v2 =	vmul.f32 v3, v2  }
0x426: {  	v3 =	vshll.u32 v57, $0x10  }
0x427: {  	[tilespmem:$0x4D0] =	vst v2;
	v2 =	vor.u32 v3, v60  }
0x428: {  	[tilespmem:$0x550] =	vst v2;
	v2 =	vld [tilespmem:$0x3E0]  }
0x429: {  	v3 =	vld.idx.msk [tilespmem:v59+s25+$0x0], $0xffff;
	_ =	sdelay $0x4  }
0x42a: {  	v3 =	vmul.f32 v3, v2;
	_ =	sdelay $0x1  }
0x42b: {  	[tilespmem:$0x460] =	vst v3  }
0x42c: {  	v3 =	vld.idx.msk [tilespmem:v59+s14+$0x0], $0xffff  }
0x42d: {  	v61 =	vld [tilespmem:$0x1F0]  }
0x42e: {  	v62 =	vld [tilespmem:$0x2E0];
	_ =	sdelay $0x2  }
0x42f: {  	v2 =	vmul.f32 v3, v2  }
0x430: {  	v3 =	vshll.u32 v59, $0x10  }
0x431: {  	[tilespmem:$0x4E0] =	vst v2;
	v2 =	vor.u32 v3, v62  }
0x432: {  	[tilespmem:$0x560] =	vst v2;
	v2 =	vld [tilespmem:$0x3F0]  }
0x433: {  	v3 =	vld.idx.msk [tilespmem:v61+s25+$0x0], $0xffff;
	_ =	sdelay $0x4  }
0x434: {  	v3 =	vmul.f32 v3, v2;
	_ =	sdelay $0x1  }
0x435: {  	[tilespmem:$0x470] =	vst v3  }
0x436: {  	v3 =	vld.idx.msk [tilespmem:v61+s14+$0x0], $0xffff;
	_ =	sdelay $0x1  }
0x437: {  	v63 =	vld [tilespmem:$0x2F0];
	_ =	sdelay $0x2  }
0x438: {  	s7 =	sadd.s32 s4, s21;
	v2 =	vmul.f32 v3, v2  }
0x439: {  	s7 =	sadd.s32 $0xFFFFFF80, s7;
	v3 =	vshll.u32 v61, $0x10  }
0x43a: {  	s12 =	rddreg [dreg:$0x4];
	s7 =	sshrl.u32 s7, $0x3;
	[tilespmem:$0x4F0] =	vst v2;
	v2 =	vor.u32 v3, v63  }
0x43b: {  	s12 =	sadd.s32 s12, s7;
	[tilespmem:$0x570] =	vst v2  }
0x43c: {  	[hbm4b:s12+s11] =	stream.linear.scatter [tilespmem:s16], [sflag:$0x2], $0x80, $0x38;
	[tilespmem:$0x11200] =	vst v63  }
0x43d: {  	_ =	swait.ge [sflag:s13], $0x80  }
0x43e: {  	[sflag:s13] =	ssyncset.done $0x0  }
0x43f: {  	[sflag:s13] =	ssyncadd.s32 $0xFFFFFF80  }
0x440: {  	s12 =	rddreg [dreg:$0x5]  }
0x441: {  	s12 =	sadd.s32 s12, s7  }
0x442: {  	[hbm4b:s12+s11] =	stream.linear.scatter [tilespmem:s17], [sflag:$0x2], $0x80, $0x38;
	[tilespmem:$0x11200] =	vst v63  }
0x443: {  	_ =	swait.ge [sflag:s13], $0x80  }
0x444: {  	[sflag:s13] =	ssyncset.done $0x0  }
0x445: {  	[sflag:s13] =	ssyncadd.s32 $0xFFFFFF80  }
0x446: {  	s12 =	rddreg [dreg:$0x6]  }
.Ltmp45:
0x447: {  	s7 =	sadd.s32 s12, s7;
	(pc) =	sbr.rel .LBB2_82-.Ltmp45, $4  }
0x448: {  	[hbm4b:s7+s11] =	stream.linear.scatter [tilespmem:s9], [sflag:$0x2], $0x80, $0x38;
	[tilespmem:$0x11200] =	vst v63  }
0x449: {  	_ =	swait.ge [sflag:s13], $0x80  }
0x44a: {  	[sflag:s13] =	ssyncset.done $0x0  }
0x44b: {  	s7 =	sadd.s32 $0x80, s4;
	[sflag:s13] =	ssyncadd.s32 $0xFFFFFF80  }
.LBB2_84:
0x44c: {  	_ =	sfence.sel $0x180000  }
0x44d: {  	[bflag:$0x0] =	sbarrier.arrive $0xFFFF  }
0x44e: {  	_ =	strace $0x90000047  }
0x44f: {  	s0 =	stileid.u32;
	[bflag:$0x2] =	sbarrier.arrive $0xFFFF  }
0x450: {  	p0 =	sne.s32 s0, $0x0;
	s0 =	rddreg [dreg:$0xb]  }
0x451: {  	s0 =	sadd.s32 @!p0 $0x100000, s0  }
0x452: {  	[sflag:s0] =	ssyncadd.tile.s32 @!p0 $0x1;
	_ =	shalt  }
.Lfunc_end2:
_tile_overlayer_lowered:
.L_overlay_start_2:
0x453: {  	(tag) =	ssettag $0x2  }
0x454: {  	s0 =	rddreg [dreg:$0x0];
	s2 =	stileid.u32  }
0x455: {  	s1 =	rddreg [dreg:$0x1];
	p0 =	sne.s32 s2, $0x0  }
0x456: {  	s3 =	rddreg [dreg:$0x2];
	[bflag:$0x3] =	sbarrier.arrive $0xFFFF;
	s2 =	simm.s32 @!p0 $0x1C02  }
0x457: {  	[timem:s3], [sflag:s2] =	dma.local @!p0 [hbm:s0], s1  }
0x458: {  	s0 =	simm.s32 @!p0 $0x2  }
0x459: {  	_ =	swait.ge @!p0 [sflag:s0], s1  }
0x45a: {  	s1 =	ssub.s32 @!p0 $0x0, s1;
	[sflag:s0] =	ssyncset.done @!p0 $0x0  }
0x45b: {  	[sflag:s0] =	ssyncadd.s32 @!p0 s1  }
0x45c: {  	[bflag:$0x3] =	sbarrier.arrive $0xFFFF  }
0x45d: {  	_ =	shalt  }

</sc_bundles>
